<compile_context>
chip_gen: v7x
topology: tpu7x:2x2x1
jax: 0.10.2.dev20260603
libtpu: 0.0.44.dev20260713+nightly
codegen_flags: <defaults>
</compile_context>

<pallas_src>
import functools

import jax
import jax.numpy as jnp
from jax import lax
from jax.experimental import pallas as pl
from jax.experimental.pallas import tpu as pltpu
from jax.experimental.pallas import tpu_sc as plsc

N_NODES = 10000
DILATION = 2
T_IN = 12
T_OUT = 10
C = 32
DC = 32
E_EDGES = 320000

NC, NS, L = 2, 16, 16
NPAD = 10240
BLK = 512
NBLK = NPAD // BLK
HW = 128
EPT = 20480
EPAD = EPT * NS
K = 128
NCHUNK = EPT // K
SUBC = 16
NSUB = NCHUNK // SUBC
Q = 4
QW = (T_OUT * DC) // Q
RPT = NPAD // NS
EPT1 = E_EDGES // (NC * NS)


def _pieces(t):
    g0 = DC * t
    g = g0
    out = []
    while g < g0 + DC:
        q, off = divmod(g, QW)
        w = min(QW - off, g0 + DC - g)
        out.append((q, off, g - g0, w))
        g += w
    return out


EB = 65536

def _prep_kernel(s_ref, d_ref, so_ref, do_ref):
    i = pl.program_id(0)
    ids = i * EB + lax.broadcasted_iota(jnp.int32, (EB // 128, 128), 0) * 128 \
        + lax.broadcasted_iota(jnp.int32, (EB // 128, 128), 1)
    m = ids < E_EDGES
    so_ref[...] = jnp.where(m, s_ref[0, 0, :].reshape(EB // 128, 128), N_NODES)
    do_ref[...] = jnp.where(m, d_ref[0, 0, :].reshape(EB // 128, 128), N_NODES)


def _tc_edge_prep(e3):
    out = pl.pallas_call(
        _prep_kernel,
        grid=(EPAD // EB,),
        in_specs=[pl.BlockSpec((1, 1, EB), lambda i: (0, 0, i)),
                  pl.BlockSpec((1, 1, EB), lambda i: (1, 0, i))],
        out_specs=[pl.BlockSpec((EB // 128, 128), lambda i: (i, 0)),
                   pl.BlockSpec((EB // 128, 128), lambda i: (i, 0))],
        out_shape=[jax.ShapeDtypeStruct((EPAD // 128, 128), jnp.int32),
                   jax.ShapeDtypeStruct((EPAD // 128, 128), jnp.int32)],
    )(e3, e3)
    return out


def _deg_kernel(e_hbm, out_hbm, dstv, acc, comb, spart):
    c = lax.axis_index("c")
    s = lax.axis_index("s")
    wid = s * NC + c

    pltpu.sync_copy(e_hbm.at[1, 0].at[pl.ds(wid * EPT1, EPT1)], dstv)

    def zero(i, carry):
        acc[pl.ds(i * L, L)] = jnp.zeros((L,), jnp.float32)
        return carry

    lax.fori_loop(0, NPAD // L, zero, 0)

    ones = jnp.full((L,), 1.0, jnp.float32)

    def body(i, carry):
        idx = dstv[pl.ds(i * L, L)]
        plsc.addupdate_scatter(acc, [idx], ones)
        return carry

    lax.fori_loop(0, EPT1 // L, body, 0)

    pltpu.sync_copy(acc, spart.at[s])
    plsc.subcore_barrier()
    pltpu.sync_copy(spart.at[:, pl.ds(s * RPT, RPT)], comb)

    def red(j, carry):
        tot = comb[0, pl.ds(j * L, L)]
        for r in range(1, NS):
            tot += comb[r, pl.ds(j * L, L)]
        acc[pl.ds(j * L, L)] = tot
        return carry

    lax.fori_loop(0, RPT // L, red, 0)
    pltpu.sync_copy(acc.at[pl.ds(0, RPT)], out_hbm.at[c].at[pl.ds(s * RPT, RPT)])


def _sc_degree(edge_index):
    mesh = plsc.VectorSubcoreMesh(core_axis_name="c", subcore_axis_name="s")
    return pl.kernel(
        _deg_kernel,
        out_type=jax.ShapeDtypeStruct((NC, NPAD), jnp.float32),
        mesh=mesh,
        compiler_params=pltpu.CompilerParams(needs_layout_passes=False),
        scratch_types=[
            pltpu.VMEM((EPT1,), jnp.int32),
            pltpu.VMEM((NPAD,), jnp.float32),
            pltpu.VMEM((NS, RPT), jnp.float32),
            pltpu.VMEM_SHARED((NS, NPAD), jnp.float32),
        ],
    )(edge_index)


def _dense_kernel(x_ref, degp_ref, wa, wb, wg, bias, h2_ref, dinv_ref):
    i = pl.program_id(0)
    deg = jnp.sum(degp_ref[...], axis=0) + 1.0
    dinv = lax.rsqrt(deg)
    dinv_ref[0, 0, :] = dinv

    rowids = i * BLK + lax.broadcasted_iota(jnp.int32, (BLK, 1), 0)
    valid = (rowids < N_NODES)[None, :, :]

    x = x_ref[...]
    xa = x[0:T_OUT].reshape(T_OUT * BLK, C)
    xb = x[DILATION:T_IN].reshape(T_OUT * BLK, C)
    p = jnp.dot(xa, wa[...], preferred_element_type=jnp.float32)
    p += jnp.dot(xb, wb[...], preferred_element_type=jnp.float32)
    g = jnp.tanh(p[:, :DC] + bias[0:1, :]) * jax.nn.sigmoid(p[:, DC:] + bias[1:2, :])
    h = jnp.dot(g, wg[...], preferred_element_type=jnp.float32)
    h = h.reshape(T_OUT, BLK, C) * dinv[None, :, None]
    h = jnp.where(valid, h, 0.0)
    for t in range(T_OUT):
        for (q, off, ho, w) in _pieces(t):
            h2_ref[q, :, off:off + w] = h[t, :, ho:ho + w]


def _tc_dense(x, degp, wa, wb, wg, bias):
    full = lambda shape: pl.BlockSpec(shape, lambda i: tuple(0 for _ in shape))
    return pl.pallas_call(
        _dense_kernel,
        grid=(NBLK,),
        in_specs=[
            pl.BlockSpec((T_IN, BLK, C), lambda i: (0, i, 0)),
            pl.BlockSpec((NC, BLK), lambda i: (0, i)),
            full((C, 2 * DC)), full((C, 2 * DC)),
            full((DC, C)), full((2, DC)),
        ],
        out_specs=[
            pl.BlockSpec((Q, BLK, HW), lambda i: (0, i, 0)),
            pl.BlockSpec((1, 1, BLK), lambda i: (i, 0, 0)),
        ],
        out_shape=[
            jax.ShapeDtypeStruct((Q, NPAD, HW), jnp.float32),
            jax.ShapeDtypeStruct((NBLK, 1, BLK), jnp.float32),
        ],
    )(x, degp, wa, wb, wg, bias)


def _agg_kernel(h2_hbm, src_hbm, dst_hbm, agg_hbm, idx_src, idx_dst,
                rows_a, rows_b, sem_a, sem_b, table, acc):
    c = lax.axis_index("c")
    s = lax.axis_index("s")
    srcs = src_hbm.at[s]
    dsts = dst_hbm.at[s]
    rbase = s * RPT

    for p in range(2):
        q = 2 * c + p
        h2q = h2_hbm.at[q]
        pltpu.sync_copy(h2q.at[pl.ds(rbase, RPT), pl.ds(0, QW)],
                        table.at[pl.ds(rbase, RPT)])
        pltpu.sync_copy(h2q.at[pl.ds(rbase, RPT), pl.ds(0, QW)],
                        acc.at[pl.ds(rbase, RPT)])
        plsc.subcore_barrier()

        def outer(b, carry):
            pltpu.sync_copy(srcs.at[pl.ds(b * SUBC, SUBC)], idx_src)
            pltpu.sync_copy(dsts.at[pl.ds(b * SUBC, SUBC)], idx_dst)
            pltpu.async_copy(table.at[idx_src.at[0]], rows_a, sem_a)

            def body(jj, carry2):
                j0 = 2 * jj
                pltpu.async_copy(table.at[idx_src.at[j0 + 1]], rows_b, sem_b)
                pltpu.make_async_copy(table.at[idx_src.at[j0]], rows_a, sem_a).wait()
                pltpu.sync_copy(rows_a, acc.at[idx_dst.at[j0]], add=True)

                @pl.when(j0 + 2 < SUBC)
                def _():
                    pltpu.async_copy(table.at[idx_src.at[j0 + 2]], rows_a, sem_a)

                pltpu.make_async_copy(table.at[idx_src.at[j0 + 1]], rows_b, sem_b).wait()
                pltpu.sync_copy(rows_b, acc.at[idx_dst.at[j0 + 1]], add=True)
                return carry2

            lax.fori_loop(0, SUBC // 2, body, carry)
            return carry

        lax.fori_loop(0, NSUB, outer, 0)
        plsc.subcore_barrier()
        pltpu.sync_copy(acc.at[pl.ds(rbase, RPT)],
                        agg_hbm.at[q].at[pl.ds(rbase, RPT), pl.ds(0, QW)])


def _sc_aggregate(h2, src3d, dst3d):
    mesh = plsc.VectorSubcoreMesh(core_axis_name="c", subcore_axis_name="s")
    return pl.kernel(
        _agg_kernel,
        out_type=jax.ShapeDtypeStruct((Q, NPAD, HW), jnp.float32),
        mesh=mesh,
        compiler_params=pltpu.CompilerParams(use_tc_tiling_on_sc=False),
        scratch_types=[
            pltpu.VMEM((SUBC, K), jnp.int32),
            pltpu.VMEM((SUBC, K), jnp.int32),
            pltpu.VMEM((K, QW), jnp.float32),
            pltpu.VMEM((K, QW), jnp.float32),
            pltpu.SemaphoreType.DMA,
            pltpu.SemaphoreType.DMA,
            pltpu.VMEM_SHARED((NPAD, QW), jnp.float32),
            pltpu.VMEM_SHARED((NPAD, QW), jnp.float32),
        ],
    )(h2, src3d, dst3d)


def _final_kernel(agg_ref, dinv_ref, w2, bias, out_ref):
    dinv_col = dinv_ref[0, 0, :][:, None]
    gb = bias[0:1, :]
    ob = bias[1:2, :]
    for t in range(T_OUT):
        pieces = [agg_ref[q, :, off:off + w] for (q, off, ho, w) in _pieces(t)]
        a = pieces[0] if len(pieces) == 1 else jnp.concatenate(pieces, axis=1)
        a = a * dinv_col + gb
        out_ref[t, :, :] = jnp.dot(a, w2[...], preferred_element_type=jnp.float32) + ob


def _tc_final(agg, dinv2d, w2, bias):
    full = lambda shape: pl.BlockSpec(shape, lambda i: tuple(0 for _ in shape))
    return pl.pallas_call(
        _final_kernel,
        grid=(NBLK,),
        in_specs=[
            pl.BlockSpec((Q, BLK, HW), lambda i: (0, i, 0)),
            pl.BlockSpec((1, 1, BLK), lambda i: (i, 0, 0)),
            full((C, C)), full((2, C)),
        ],
        out_specs=pl.BlockSpec((T_OUT, BLK, C), lambda i: (0, i, 0)),
        out_shape=jax.ShapeDtypeStruct((T_OUT, N_NODES, C), jnp.float32),
    )(agg, dinv2d, w2, bias)


def kernel(input, edge_index, gate1_w, gate1_b, gate2_w, gate2_b, gcn_w, gcn_b, out_w, out_b):
    x = input[0]
    src, dst = _tc_edge_prep(edge_index.reshape(2, 1, E_EDGES))
    src3d = src.reshape(NS, NCHUNK, K)
    dst3d = dst.reshape(NS, NCHUNK, K)

    wa = jnp.concatenate([gate1_w[:, :, 0, 0].T, gate2_w[:, :, 0, 0].T], axis=1)
    wb = jnp.concatenate([gate1_w[:, :, 0, 1].T, gate2_w[:, :, 0, 1].T], axis=1)
    wg = gcn_w.T
    gbias = jnp.stack([gate1_b, gate2_b])
    w2 = out_w[:, :, 0, 0].T
    fbias = jnp.stack([gcn_b, out_b])

    degp = _sc_degree(edge_index.reshape(2, 1, E_EDGES))
    h2, dinv2d = _tc_dense(x, degp, wa, wb, wg, gbias)
    agg = _sc_aggregate(h2, src3d, dst3d)
    out = _tc_final(agg, dinv2d, w2, fbias)
    return out[None]

# --- scband reference (transcript-rebuilt; emitter-appended) ---
"""Pipeline reference for scband-spatial-temporal-80736795230316 (READ-ONLY COPY).

The authoritative reference and input builder live on the scoring server;
editing this copy changes nothing except your own understanding.
"""

import jax, jax.numpy as jnp
import numpy as np

N_NODES = 10000
DILATION = 2

def _conv2d(x, w, b, dilation):
    out = jax.lax.conv_general_dilated(x, w, (1, 1), 'VALID', rhs_dilation=(dilation, dilation), dimension_numbers=('NCHW', 'OIHW', 'NCHW'))
    return out + b[None, :, None, None]

def setup_inputs(seed: int = 0):
    key = jax.random.key(seed)
    ks = jax.random.split(key, 10)
    B, T, N, C, DC = 1, 12, N_NODES, 32, 32
    E = 320000
    return {
        'input': jax.random.normal(ks[0], (B, T, N, C), jnp.float32),
        'edge_index': jax.random.randint(ks[1], (2, E), 0, N, dtype=jnp.int32),
        'gate1_w': jax.random.normal(ks[2], (DC, C, 1, 2), jnp.float32) * 0.1,
        'gate1_b': jnp.zeros((DC,), jnp.float32),
        'gate2_w': jax.random.normal(ks[3], (DC, C, 1, 2), jnp.float32) * 0.1,
        'gate2_b': jnp.zeros((DC,), jnp.float32),
        'gcn_w': jax.random.normal(ks[4], (C, DC), jnp.float32) * 0.1,
        'gcn_b': jnp.zeros((C,), jnp.float32),
        'out_w': jax.random.normal(ks[5], (C, C, 1, 1), jnp.float32) * 0.1,
        'out_b': jnp.zeros((C,), jnp.float32),
    }

def reference(input, edge_index, gate1_w, gate1_b, gate2_w, gate2_b, gcn_w, gcn_b, out_w, out_b):
    N = N_NODES
    x = jnp.swapaxes(input, -3, -1)  # [B, C, N, T]
    g1 = jnp.tanh(_conv2d(x, gate1_w, gate1_b, DILATION))
    g2 = jax.nn.sigmoid(_conv2d(x, gate2_w, gate2_b, DILATION))
    g1 = jnp.swapaxes(g1, -3, -1)  # [B, T', N, DC]
    g2 = jnp.swapaxes(g2, -3, -1)
    sh = g1.shape
    g = (g1 * g2).reshape(sh[0] * sh[1], sh[2], sh[3])
    loops = jnp.arange(N, dtype=edge_index.dtype)
    src = jnp.concatenate([edge_index[0], loops])
    dst = jnp.concatenate([edge_index[1], loops])
    deg = jnp.zeros((N,), jnp.float32).at[dst].add(1.0)
    dinv = jax.lax.rsqrt(deg)
    norm = (dinv[src] * dinv[dst])[:, None]
    def gcn_one(z):
        h = z @ gcn_w.T
        msg = h[src] * norm
        agg = jnp.zeros((N, h.shape[-1]), h.dtype).at[dst].add(msg)
        return agg + gcn_b
    gcn_out = jax.vmap(gcn_one)(g)
    gcn_out = gcn_out.reshape(sh[0], sh[1], sh[2], gcn_w.shape[0])
    gcn_out = jnp.swapaxes(gcn_out, -3, -1)  # [B, C, N, T']
    out = jax.lax.conv_general_dilated(gcn_out, out_w, (1, 1), 'VALID', dimension_numbers=('NCHW', 'OIHW', 'NCHW')) + out_b[None, :, None, None]
    return jnp.swapaxes(out, -3, -1)

if __name__ == "__main__":
    import jax
    _d = setup_inputs()
    print(jax.jit(kernel)(*tuple(_d.values())))

</pallas_src>

<mosaic_0001>
#map = affine_map<(d0, d1) -> (0, 0, 0)>
module attributes {stable_mosaic.version = 14 : i64} {
  func.func @_agg_kernel(%arg0: i32, %arg1: i32, %arg2: memref<4x10240x128xf32, #tpu.memory_space<hbm>>, %arg3: memref<16x160x128xi32, #tpu.memory_space<hbm>>, %arg4: memref<16x160x128xi32, #tpu.memory_space<hbm>>, %arg5: memref<4x10240x128xf32, #tpu.memory_space<hbm>>, %arg6: memref<16x128xi32, #tpu.memory_space<vmem>>, %arg7: memref<16x128xi32, #tpu.memory_space<vmem>>, %arg8: memref<128x80xf32, #tpu.memory_space<vmem>>, %arg9: memref<128x80xf32, #tpu.memory_space<vmem>>, %arg10: memref<!tpu.dma_semaphore, #tpu.memory_space<semaphore_mem>>, %arg11: memref<!tpu.dma_semaphore, #tpu.memory_space<semaphore_mem>>, %arg12: memref<10240x80xf32, #tpu.memory_space<vmem_shared>>, %arg13: memref<10240x80xf32, #tpu.memory_space<vmem_shared>>) attributes {dimension_semantics = [#tpu.dimension_semantics<core_parallel>, #tpu.dimension_semantics<subcore_parallel>], iteration_bounds = array<i64: 2, 16>, scalar_prefetch = 0 : i64, scratch_operands = 8 : i64, tpu.core_type = #tpu.core_type<sc_vector_subcore>, window_params = [{transform_indices = #map}, {transform_indices = #map}, {transform_indices = #map}, {transform_indices = #map}]} {
    %mul3A = arith.constant 640 : i32
    %mul3A_0 = arith.muli %arg1, %mul3A : i32
    %mul3A_1 = arith.constant 2 : i32
    %mul3A_2 = arith.muli %mul3A_1, %arg0 : i32
    %add3A = arith.constant 0 : i32
    %add3A_3 = arith.addi %mul3A_2, %add3A : i32
    "tpu.region"() ({
      %run_scoped3A = tpu.sem_alloc : memref<!tpu.dma_semaphore, #tpu.memory_space<semaphore_mem>>
      %dma_start3A = arith.constant 0 : i32
      %dma_start3A_22 = tpu.memref_slice %arg12[%mul3A_0, %dma_start3A] : memref<10240x80xf32, #tpu.memory_space<vmem_shared>> -> memref<640x80xf32, #tpu.memory_space<vmem_shared>>
      %dma_start3A_23 = arith.constant 0 : i32
      %dma_start3A_24 = arith.constant 0 : i32
      %dma_start3A_25 = tpu.memref_slice %arg2[%add3A_3, %dma_start3A_23, %dma_start3A_24] : memref<4x10240x128xf32, #tpu.memory_space<hbm>> -> memref<1x10240x128xf32, #tpu.memory_space<hbm>>
      %dma_start3A_26 = tpu.memref_squeeze %dma_start3A_25 : memref<1x10240x128xf32, #tpu.memory_space<hbm>> -> memref<10240x128xf32, #tpu.memory_space<hbm>>
      %dma_start3A_27 = arith.constant 0 : i32
      %dma_start3A_28 = tpu.memref_slice %dma_start3A_26[%mul3A_0, %dma_start3A_27] : memref<10240x128xf32, #tpu.memory_space<hbm>> -> memref<640x80xf32, #tpu.memory_space<hbm>>
      tpu.enqueue_dma source(%dma_start3A_28 : memref<640x80xf32, #tpu.memory_space<hbm>>) target(%dma_start3A_22 : memref<640x80xf32, #tpu.memory_space<vmem_shared>>) target_semaphore(%run_scoped3A : memref<!tpu.dma_semaphore, #tpu.memory_space<semaphore_mem>>)
      %dma_wait3A = arith.constant 0 : i32
      %dma_wait3A_29 = tpu.memref_slice %arg12[%mul3A_0, %dma_wait3A] : memref<10240x80xf32, #tpu.memory_space<vmem_shared>> -> memref<640x80xf32, #tpu.memory_space<vmem_shared>>
      %dma_wait3A_30 = arith.constant 0 : i32
      %dma_wait3A_31 = arith.constant 0 : i32
      %dma_wait3A_32 = tpu.memref_slice %arg2[%add3A_3, %dma_wait3A_30, %dma_wait3A_31] : memref<4x10240x128xf32, #tpu.memory_space<hbm>> -> memref<1x10240x128xf32, #tpu.memory_space<hbm>>
      %dma_wait3A_33 = tpu.memref_squeeze %dma_wait3A_32 : memref<1x10240x128xf32, #tpu.memory_space<hbm>> -> memref<10240x128xf32, #tpu.memory_space<hbm>>
      %dma_wait3A_34 = arith.constant 0 : i32
      %dma_wait3A_35 = tpu.memref_slice %dma_wait3A_33[%mul3A_0, %dma_wait3A_34] : memref<10240x128xf32, #tpu.memory_space<hbm>> -> memref<640x80xf32, #tpu.memory_space<hbm>>
      tpu.wait_dma2 semaphore(%run_scoped3A : memref<!tpu.dma_semaphore, #tpu.memory_space<semaphore_mem>>) src(%dma_wait3A_35 : memref<640x80xf32, #tpu.memory_space<hbm>>) dst(%dma_wait3A_29 : memref<640x80xf32, #tpu.memory_space<vmem_shared>>)
      tpu.yield
    }) : () -> ()
    "tpu.region"() ({
      %run_scoped3A = tpu.sem_alloc : memref<!tpu.dma_semaphore, #tpu.memory_space<semaphore_mem>>
      %dma_start3A = arith.constant 0 : i32
      %dma_start3A_22 = tpu.memref_slice %arg13[%mul3A_0, %dma_start3A] : memref<10240x80xf32, #tpu.memory_space<vmem_shared>> -> memref<640x80xf32, #tpu.memory_space<vmem_shared>>
      %dma_start3A_23 = arith.constant 0 : i32
      %dma_start3A_24 = arith.constant 0 : i32
      %dma_start3A_25 = tpu.memref_slice %arg2[%add3A_3, %dma_start3A_23, %dma_start3A_24] : memref<4x10240x128xf32, #tpu.memory_space<hbm>> -> memref<1x10240x128xf32, #tpu.memory_space<hbm>>
      %dma_start3A_26 = tpu.memref_squeeze %dma_start3A_25 : memref<1x10240x128xf32, #tpu.memory_space<hbm>> -> memref<10240x128xf32, #tpu.memory_space<hbm>>
      %dma_start3A_27 = arith.constant 0 : i32
      %dma_start3A_28 = tpu.memref_slice %dma_start3A_26[%mul3A_0, %dma_start3A_27] : memref<10240x128xf32, #tpu.memory_space<hbm>> -> memref<640x80xf32, #tpu.memory_space<hbm>>
      tpu.enqueue_dma source(%dma_start3A_28 : memref<640x80xf32, #tpu.memory_space<hbm>>) target(%dma_start3A_22 : memref<640x80xf32, #tpu.memory_space<vmem_shared>>) target_semaphore(%run_scoped3A : memref<!tpu.dma_semaphore, #tpu.memory_space<semaphore_mem>>)
      %dma_wait3A = arith.constant 0 : i32
      %dma_wait3A_29 = tpu.memref_slice %arg13[%mul3A_0, %dma_wait3A] : memref<10240x80xf32, #tpu.memory_space<vmem_shared>> -> memref<640x80xf32, #tpu.memory_space<vmem_shared>>
      %dma_wait3A_30 = arith.constant 0 : i32
      %dma_wait3A_31 = arith.constant 0 : i32
      %dma_wait3A_32 = tpu.memref_slice %arg2[%add3A_3, %dma_wait3A_30, %dma_wait3A_31] : memref<4x10240x128xf32, #tpu.memory_space<hbm>> -> memref<1x10240x128xf32, #tpu.memory_space<hbm>>
      %dma_wait3A_33 = tpu.memref_squeeze %dma_wait3A_32 : memref<1x10240x128xf32, #tpu.memory_space<hbm>> -> memref<10240x128xf32, #tpu.memory_space<hbm>>
      %dma_wait3A_34 = arith.constant 0 : i32
      %dma_wait3A_35 = tpu.memref_slice %dma_wait3A_33[%mul3A_0, %dma_wait3A_34] : memref<10240x128xf32, #tpu.memory_space<hbm>> -> memref<640x80xf32, #tpu.memory_space<hbm>>
      tpu.wait_dma2 semaphore(%run_scoped3A : memref<!tpu.dma_semaphore, #tpu.memory_space<semaphore_mem>>) src(%dma_wait3A_35 : memref<640x80xf32, #tpu.memory_space<hbm>>) dst(%dma_wait3A_29 : memref<640x80xf32, #tpu.memory_space<vmem_shared>>)
      tpu.yield
    }) : () -> ()
    %barrier3A = arith.constant 0 : index
    tpu.barrier barrier_id(%barrier3A)
    %scan3A = arith.constant 0 : i32
    %scan3A_4 = arith.constant 0 : i32
    %scan3A_5 = arith.constant 10 : i32
    %scan3A_6 = arith.addi %scan3A_4, %scan3A_5 : i32
    %scan3A_7 = arith.constant 1 : i32
    scf.for %scan3A_22 = %scan3A_4 to %scan3A_6 step %scan3A_7  : i32 {
      %mul3A_23 = arith.constant 16 : i32
      %mul3A_24 = arith.muli %scan3A_22, %mul3A_23 : i32
      "tpu.region"() ({
        %run_scoped3A = tpu.sem_alloc : memref<!tpu.dma_semaphore, #tpu.memory_space<semaphore_mem>>
        %dma_start3A_38 = arith.constant 0 : i32
        %dma_start3A_39 = arith.constant 0 : i32
        %dma_start3A_40 = tpu.memref_slice %arg3[%arg1, %dma_start3A_38, %dma_start3A_39] : memref<16x160x128xi32, #tpu.memory_space<hbm>> -> memref<1x160x128xi32, #tpu.memory_space<hbm>>
        %dma_start3A_41 = tpu.memref_squeeze %dma_start3A_40 : memref<1x160x128xi32, #tpu.memory_space<hbm>> -> memref<160x128xi32, #tpu.memory_space<hbm>>
        %dma_start3A_42 = arith.constant 0 : i32
        %dma_start3A_43 = tpu.memref_slice %dma_start3A_41[%mul3A_24, %dma_start3A_42] : memref<160x128xi32, #tpu.memory_space<hbm>> -> memref<16x128xi32, #tpu.memory_space<hbm>>
        %dma_start3A_44 = arith.constant 0 : i32
        %dma_start3A_45 = arith.constant 0 : i32
        %dma_start3A_46 = tpu.memref_slice %arg3[%arg1, %dma_start3A_44, %dma_start3A_45] : memref<16x160x128xi32, #tpu.memory_space<hbm>> -> memref<1x160x128xi32, #tpu.memory_space<hbm>>
        %dma_start3A_47 = tpu.memref_squeeze %dma_start3A_46 : memref<1x160x128xi32, #tpu.memory_space<hbm>> -> memref<160x128xi32, #tpu.memory_space<hbm>>
        %dma_start3A_48 = arith.constant 0 : i32
        %dma_start3A_49 = tpu.memref_slice %dma_start3A_47[%mul3A_24, %dma_start3A_48] : memref<160x128xi32, #tpu.memory_space<hbm>> -> memref<16x128xi32, #tpu.memory_space<hbm>>
        tpu.enqueue_dma source(%dma_start3A_49 : memref<16x128xi32, #tpu.memory_space<hbm>>) target(%arg6 : memref<16x128xi32, #tpu.memory_space<vmem>>) target_semaphore(%run_scoped3A : memref<!tpu.dma_semaphore, #tpu.memory_space<semaphore_mem>>)
        %dma_wait3A = arith.constant 0 : i32
        %dma_wait3A_50 = arith.constant 0 : i32
        %dma_wait3A_51 = tpu.memref_slice %arg3[%arg1, %dma_wait3A, %dma_wait3A_50] : memref<16x160x128xi32, #tpu.memory_space<hbm>> -> memref<1x160x128xi32, #tpu.memory_space<hbm>>
        %dma_wait3A_52 = tpu.memref_squeeze %dma_wait3A_51 : memref<1x160x128xi32, #tpu.memory_space<hbm>> -> memref<160x128xi32, #tpu.memory_space<hbm>>
        %dma_wait3A_53 = arith.constant 0 : i32
        %dma_wait3A_54 = tpu.memref_slice %dma_wait3A_52[%mul3A_24, %dma_wait3A_53] : memref<160x128xi32, #tpu.memory_space<hbm>> -> memref<16x128xi32, #tpu.memory_space<hbm>>
        %dma_wait3A_55 = arith.constant 0 : i32
        %dma_wait3A_56 = arith.constant 0 : i32
        %dma_wait3A_57 = tpu.memref_slice %arg3[%arg1, %dma_wait3A_55, %dma_wait3A_56] : memref<16x160x128xi32, #tpu.memory_space<hbm>> -> memref<1x160x128xi32, #tpu.memory_space<hbm>>
        %dma_wait3A_58 = tpu.memref_squeeze %dma_wait3A_57 : memref<1x160x128xi32, #tpu.memory_space<hbm>> -> memref<160x128xi32, #tpu.memory_space<hbm>>
        %dma_wait3A_59 = arith.constant 0 : i32
        %dma_wait3A_60 = tpu.memref_slice %dma_wait3A_58[%mul3A_24, %dma_wait3A_59] : memref<160x128xi32, #tpu.memory_space<hbm>> -> memref<16x128xi32, #tpu.memory_space<hbm>>
        tpu.wait_dma2 semaphore(%run_scoped3A : memref<!tpu.dma_semaphore, #tpu.memory_space<semaphore_mem>>) src(%dma_wait3A_60 : memref<16x128xi32, #tpu.memory_space<hbm>>) dst(%arg6 : memref<16x128xi32, #tpu.memory_space<vmem>>)
        tpu.yield
      }) : () -> ()
      %mul3A_25 = arith.constant 16 : i32
      %mul3A_26 = arith.muli %scan3A_22, %mul3A_25 : i32
      "tpu.region"() ({
        %run_scoped3A = tpu.sem_alloc : memref<!tpu.dma_semaphore, #tpu.memory_space<semaphore_mem>>
        %dma_start3A_38 = arith.constant 0 : i32
        %dma_start3A_39 = arith.constant 0 : i32
        %dma_start3A_40 = tpu.memref_slice %arg4[%arg1, %dma_start3A_38, %dma_start3A_39] : memref<16x160x128xi32, #tpu.memory_space<hbm>> -> memref<1x160x128xi32, #tpu.memory_space<hbm>>
        %dma_start3A_41 = tpu.memref_squeeze %dma_start3A_40 : memref<1x160x128xi32, #tpu.memory_space<hbm>> -> memref<160x128xi32, #tpu.memory_space<hbm>>
        %dma_start3A_42 = arith.constant 0 : i32
        %dma_start3A_43 = tpu.memref_slice %dma_start3A_41[%mul3A_26, %dma_start3A_42] : memref<160x128xi32, #tpu.memory_space<hbm>> -> memref<16x128xi32, #tpu.memory_space<hbm>>
        %dma_start3A_44 = arith.constant 0 : i32
        %dma_start3A_45 = arith.constant 0 : i32
        %dma_start3A_46 = tpu.memref_slice %arg4[%arg1, %dma_start3A_44, %dma_start3A_45] : memref<16x160x128xi32, #tpu.memory_space<hbm>> -> memref<1x160x128xi32, #tpu.memory_space<hbm>>
        %dma_start3A_47 = tpu.memref_squeeze %dma_start3A_46 : memref<1x160x128xi32, #tpu.memory_space<hbm>> -> memref<160x128xi32, #tpu.memory_space<hbm>>
        %dma_start3A_48 = arith.constant 0 : i32
        %dma_start3A_49 = tpu.memref_slice %dma_start3A_47[%mul3A_26, %dma_start3A_48] : memref<160x128xi32, #tpu.memory_space<hbm>> -> memref<16x128xi32, #tpu.memory_space<hbm>>
        tpu.enqueue_dma source(%dma_start3A_49 : memref<16x128xi32, #tpu.memory_space<hbm>>) target(%arg7 : memref<16x128xi32, #tpu.memory_space<vmem>>) target_semaphore(%run_scoped3A : memref<!tpu.dma_semaphore, #tpu.memory_space<semaphore_mem>>)
        %dma_wait3A = arith.constant 0 : i32
        %dma_wait3A_50 = arith.constant 0 : i32
        %dma_wait3A_51 = tpu.memref_slice %arg4[%arg1, %dma_wait3A, %dma_wait3A_50] : memref<16x160x128xi32, #tpu.memory_space<hbm>> -> memref<1x160x128xi32, #tpu.memory_space<hbm>>
        %dma_wait3A_52 = tpu.memref_squeeze %dma_wait3A_51 : memref<1x160x128xi32, #tpu.memory_space<hbm>> -> memref<160x128xi32, #tpu.memory_space<hbm>>
        %dma_wait3A_53 = arith.constant 0 : i32
        %dma_wait3A_54 = tpu.memref_slice %dma_wait3A_52[%mul3A_26, %dma_wait3A_53] : memref<160x128xi32, #tpu.memory_space<hbm>> -> memref<16x128xi32, #tpu.memory_space<hbm>>
        %dma_wait3A_55 = arith.constant 0 : i32
        %dma_wait3A_56 = arith.constant 0 : i32
        %dma_wait3A_57 = tpu.memref_slice %arg4[%arg1, %dma_wait3A_55, %dma_wait3A_56] : memref<16x160x128xi32, #tpu.memory_space<hbm>> -> memref<1x160x128xi32, #tpu.memory_space<hbm>>
        %dma_wait3A_58 = tpu.memref_squeeze %dma_wait3A_57 : memref<1x160x128xi32, #tpu.memory_space<hbm>> -> memref<160x128xi32, #tpu.memory_space<hbm>>
        %dma_wait3A_59 = arith.constant 0 : i32
        %dma_wait3A_60 = tpu.memref_slice %dma_wait3A_58[%mul3A_26, %dma_wait3A_59] : memref<160x128xi32, #tpu.memory_space<hbm>> -> memref<16x128xi32, #tpu.memory_space<hbm>>
        tpu.wait_dma2 semaphore(%run_scoped3A : memref<!tpu.dma_semaphore, #tpu.memory_space<semaphore_mem>>) src(%dma_wait3A_60 : memref<16x128xi32, #tpu.memory_space<hbm>>) dst(%arg7 : memref<16x128xi32, #tpu.memory_space<vmem>>)
        tpu.yield
      }) : () -> ()
      %dma_start3A = arith.constant 0 : i32
      %dma_start3A_27 = arith.constant 0 : i32
      %dma_start3A_28 = tpu.memref_slice %arg6[%dma_start3A, %dma_start3A_27] : memref<16x128xi32, #tpu.memory_space<vmem>> -> memref<1x128xi32, #tpu.memory_space<vmem>>
      %dma_start3A_29 = tpu.memref_squeeze %dma_start3A_28 : memref<1x128xi32, #tpu.memory_space<vmem>> -> memref<128xi32, #tpu.memory_space<vmem>>
      %dma_start3A_30 = arith.constant 0 : i32
      %dma_start3A_31 = arith.constant 0 : i32
      %dma_start3A_32 = tpu.memref_slice %arg12[%dma_start3A_30, %dma_start3A_31] : memref<10240x80xf32, #tpu.memory_space<vmem_shared>> -> memref<10240x80xf32, #tpu.memory_space<vmem_shared>>
      tpu.enqueue_indirect_dma source(%dma_start3A_32 : memref<10240x80xf32, #tpu.memory_space<vmem_shared>>) target(%arg8 : memref<128x80xf32, #tpu.memory_space<vmem>>) offsets(%dma_start3A_29 : memref<128xi32, #tpu.memory_space<vmem>>) semaphore(%arg10 : memref<!tpu.dma_semaphore, #tpu.memory_space<semaphore_mem>>)
      %scan3A_33 = arith.constant 0 : i32
      %scan3A_34 = arith.constant 8 : i32
      %scan3A_35 = arith.addi %scan3A_33, %scan3A_34 : i32
      %scan3A_36 = arith.constant 1 : i32
      scf.for %scan3A_38 = %scan3A_33 to %scan3A_35 step %scan3A_36  : i32 {
        %mul3A_39 = arith.constant 2 : i32
        %mul3A_40 = arith.muli %mul3A_39, %scan3A_38 : i32
        %add3A_41 = arith.constant 1 : i32
        %add3A_42 = arith.addi %mul3A_40, %add3A_41 : i32
        %dma_start3A_43 = arith.constant 0 : i32
        %dma_start3A_44 = tpu.memref_slice %arg6[%add3A_42, %dma_start3A_43] : memref<16x128xi32, #tpu.memory_space<vmem>> -> memref<1x128xi32, #tpu.memory_space<vmem>>
        %dma_start3A_45 = tpu.memref_squeeze %dma_start3A_44 : memref<1x128xi32, #tpu.memory_space<vmem>> -> memref<128xi32, #tpu.memory_space<vmem>>
        %dma_start3A_46 = arith.constant 0 : i32
        %dma_start3A_47 = arith.constant 0 : i32
        %dma_start3A_48 = tpu.memref_slice %arg12[%dma_start3A_46, %dma_start3A_47] : memref<10240x80xf32, #tpu.memory_space<vmem_shared>> -> memref<10240x80xf32, #tpu.memory_space<vmem_shared>>
        tpu.enqueue_indirect_dma source(%dma_start3A_48 : memref<10240x80xf32, #tpu.memory_space<vmem_shared>>) target(%arg9 : memref<128x80xf32, #tpu.memory_space<vmem>>) offsets(%dma_start3A_45 : memref<128xi32, #tpu.memory_space<vmem>>) semaphore(%arg11 : memref<!tpu.dma_semaphore, #tpu.memory_space<semaphore_mem>>)
        %dma_wait3A = arith.constant 0 : i32
        %dma_wait3A_49 = tpu.memref_slice %arg6[%mul3A_40, %dma_wait3A] : memref<16x128xi32, #tpu.memory_space<vmem>> -> memref<1x128xi32, #tpu.memory_space<vmem>>
        %dma_wait3A_50 = tpu.memref_squeeze %dma_wait3A_49 : memref<1x128xi32, #tpu.memory_space<vmem>> -> memref<128xi32, #tpu.memory_space<vmem>>
        %dma_wait3A_51 = arith.constant 0 : i32
        %dma_wait3A_52 = arith.constant 0 : i32
        %dma_wait3A_53 = tpu.memref_slice %arg12[%dma_wait3A_51, %dma_wait3A_52] : memref<10240x80xf32, #tpu.memory_space<vmem_shared>> -> memref<10240x80xf32, #tpu.memory_space<vmem_shared>>
        tpu.wait_indirect_dma semaphore(%arg10 : memref<!tpu.dma_semaphore, #tpu.memory_space<semaphore_mem>>) src(%dma_wait3A_53 : memref<10240x80xf32, #tpu.memory_space<vmem_shared>>) dst(%arg8 : memref<128x80xf32, #tpu.memory_space<vmem>>)
        "tpu.region"() ({
          %run_scoped3A = tpu.sem_alloc : memref<!tpu.dma_semaphore, #tpu.memory_space<semaphore_mem>>
          %dma_start3A_68 = arith.constant 0 : i32
          %dma_start3A_69 = tpu.memref_slice %arg7[%mul3A_40, %dma_start3A_68] : memref<16x128xi32, #tpu.memory_space<vmem>> -> memref<1x128xi32, #tpu.memory_space<vmem>>
          %dma_start3A_70 = tpu.memref_squeeze %dma_start3A_69 : memref<1x128xi32, #tpu.memory_space<vmem>> -> memref<128xi32, #tpu.memory_space<vmem>>
          %dma_start3A_71 = arith.constant 0 : i32
          %dma_start3A_72 = arith.constant 0 : i32
          %dma_start3A_73 = tpu.memref_slice %arg13[%dma_start3A_71, %dma_start3A_72] : memref<10240x80xf32, #tpu.memory_space<vmem_shared>> -> memref<10240x80xf32, #tpu.memory_space<vmem_shared>>
          tpu.enqueue_indirect_dma source(%arg8 : memref<128x80xf32, #tpu.memory_space<vmem>>) target(%dma_start3A_73 : memref<10240x80xf32, #tpu.memory_space<vmem_shared>>) offsets(%dma_start3A_70 : memref<128xi32, #tpu.memory_space<vmem>>) semaphore(%run_scoped3A : memref<!tpu.dma_semaphore, #tpu.memory_space<semaphore_mem>>) {add = true}
          %dma_wait3A_74 = arith.constant 0 : i32
          %dma_wait3A_75 = tpu.memref_slice %arg7[%mul3A_40, %dma_wait3A_74] : memref<16x128xi32, #tpu.memory_space<vmem>> -> memref<1x128xi32, #tpu.memory_space<vmem>>
          %dma_wait3A_76 = tpu.memref_squeeze %dma_wait3A_75 : memref<1x128xi32, #tpu.memory_space<vmem>> -> memref<128xi32, #tpu.memory_space<vmem>>
          %dma_wait3A_77 = arith.constant 0 : i32
          %dma_wait3A_78 = arith.constant 0 : i32
          %dma_wait3A_79 = tpu.memref_slice %arg13[%dma_wait3A_77, %dma_wait3A_78] : memref<10240x80xf32, #tpu.memory_space<vmem_shared>> -> memref<10240x80xf32, #tpu.memory_space<vmem_shared>>
          tpu.wait_indirect_dma semaphore(%run_scoped3A : memref<!tpu.dma_semaphore, #tpu.memory_space<semaphore_mem>>) src(%arg8 : memref<128x80xf32, #tpu.memory_space<vmem>>) dst(%dma_wait3A_79 : memref<10240x80xf32, #tpu.memory_space<vmem_shared>>)
          tpu.yield
        }) : () -> ()
        %add3A_54 = arith.constant 2 : i32
        %add3A_55 = arith.addi %mul3A_40, %add3A_54 : i32
        %lt3A = arith.constant 16 : i32
        %lt3A_56 = arith.cmpi slt, %add3A_55, %lt3A : i32
        %convert_element_type3A = arith.extui %lt3A_56 : i1 to i32
        %cond3A = arith.constant 0 : i32
        %cond3A_57 = arith.cmpi ne, %convert_element_type3A, %cond3A : i32
        scf.if %cond3A_57 {
          %add3A_68 = arith.constant 2 : i32
          %add3A_69 = arith.addi %mul3A_40, %add3A_68 : i32
          %dma_start3A_70 = arith.constant 0 : i32
          %dma_start3A_71 = tpu.memref_slice %arg6[%add3A_69, %dma_start3A_70] : memref<16x128xi32, #tpu.memory_space<vmem>> -> memref<1x128xi32, #tpu.memory_space<vmem>>
          %dma_start3A_72 = tpu.memref_squeeze %dma_start3A_71 : memref<1x128xi32, #tpu.memory_space<vmem>> -> memref<128xi32, #tpu.memory_space<vmem>>
          %dma_start3A_73 = arith.constant 0 : i32
          %dma_start3A_74 = arith.constant 0 : i32
          %dma_start3A_75 = tpu.memref_slice %arg12[%dma_start3A_73, %dma_start3A_74] : memref<10240x80xf32, #tpu.memory_space<vmem_shared>> -> memref<10240x80xf32, #tpu.memory_space<vmem_shared>>
          tpu.enqueue_indirect_dma source(%dma_start3A_75 : memref<10240x80xf32, #tpu.memory_space<vmem_shared>>) target(%arg8 : memref<128x80xf32, #tpu.memory_space<vmem>>) offsets(%dma_start3A_72 : memref<128xi32, #tpu.memory_space<vmem>>) semaphore(%arg10 : memref<!tpu.dma_semaphore, #tpu.memory_space<semaphore_mem>>)
        } else {
        }
        %add3A_58 = arith.constant 1 : i32
        %add3A_59 = arith.addi %mul3A_40, %add3A_58 : i32
        %dma_wait3A_60 = arith.constant 0 : i32
        %dma_wait3A_61 = tpu.memref_slice %arg6[%add3A_59, %dma_wait3A_60] : memref<16x128xi32, #tpu.memory_space<vmem>> -> memref<1x128xi32, #tpu.memory_space<vmem>>
        %dma_wait3A_62 = tpu.memref_squeeze %dma_wait3A_61 : memref<1x128xi32, #tpu.memory_space<vmem>> -> memref<128xi32, #tpu.memory_space<vmem>>
        %dma_wait3A_63 = arith.constant 0 : i32
        %dma_wait3A_64 = arith.constant 0 : i32
        %dma_wait3A_65 = tpu.memref_slice %arg12[%dma_wait3A_63, %dma_wait3A_64] : memref<10240x80xf32, #tpu.memory_space<vmem_shared>> -> memref<10240x80xf32, #tpu.memory_space<vmem_shared>>
        tpu.wait_indirect_dma semaphore(%arg11 : memref<!tpu.dma_semaphore, #tpu.memory_space<semaphore_mem>>) src(%dma_wait3A_65 : memref<10240x80xf32, #tpu.memory_space<vmem_shared>>) dst(%arg9 : memref<128x80xf32, #tpu.memory_space<vmem>>)
        %add3A_66 = arith.constant 1 : i32
        %add3A_67 = arith.addi %mul3A_40, %add3A_66 : i32
        "tpu.region"() ({
          %run_scoped3A = tpu.sem_alloc : memref<!tpu.dma_semaphore, #tpu.memory_space<semaphore_mem>>
          %dma_start3A_68 = arith.constant 0 : i32
          %dma_start3A_69 = tpu.memref_slice %arg7[%add3A_67, %dma_start3A_68] : memref<16x128xi32, #tpu.memory_space<vmem>> -> memref<1x128xi32, #tpu.memory_space<vmem>>
          %dma_start3A_70 = tpu.memref_squeeze %dma_start3A_69 : memref<1x128xi32, #tpu.memory_space<vmem>> -> memref<128xi32, #tpu.memory_space<vmem>>
          %dma_start3A_71 = arith.constant 0 : i32
          %dma_start3A_72 = arith.constant 0 : i32
          %dma_start3A_73 = tpu.memref_slice %arg13[%dma_start3A_71, %dma_start3A_72] : memref<10240x80xf32, #tpu.memory_space<vmem_shared>> -> memref<10240x80xf32, #tpu.memory_space<vmem_shared>>
          tpu.enqueue_indirect_dma source(%arg9 : memref<128x80xf32, #tpu.memory_space<vmem>>) target(%dma_start3A_73 : memref<10240x80xf32, #tpu.memory_space<vmem_shared>>) offsets(%dma_start3A_70 : memref<128xi32, #tpu.memory_space<vmem>>) semaphore(%run_scoped3A : memref<!tpu.dma_semaphore, #tpu.memory_space<semaphore_mem>>) {add = true}
          %dma_wait3A_74 = arith.constant 0 : i32
          %dma_wait3A_75 = tpu.memref_slice %arg7[%add3A_67, %dma_wait3A_74] : memref<16x128xi32, #tpu.memory_space<vmem>> -> memref<1x128xi32, #tpu.memory_space<vmem>>
          %dma_wait3A_76 = tpu.memref_squeeze %dma_wait3A_75 : memref<1x128xi32, #tpu.memory_space<vmem>> -> memref<128xi32, #tpu.memory_space<vmem>>
          %dma_wait3A_77 = arith.constant 0 : i32
          %dma_wait3A_78 = arith.constant 0 : i32
          %dma_wait3A_79 = tpu.memref_slice %arg13[%dma_wait3A_77, %dma_wait3A_78] : memref<10240x80xf32, #tpu.memory_space<vmem_shared>> -> memref<10240x80xf32, #tpu.memory_space<vmem_shared>>
          tpu.wait_indirect_dma semaphore(%run_scoped3A : memref<!tpu.dma_semaphore, #tpu.memory_space<semaphore_mem>>) src(%arg9 : memref<128x80xf32, #tpu.memory_space<vmem>>) dst(%dma_wait3A_79 : memref<10240x80xf32, #tpu.memory_space<vmem_shared>>)
          tpu.yield
        }) : () -> ()
      }
      %scan3A_37 = arith.constant 8 : i32
    }
    %scan3A_8 = arith.constant 10 : i32
    %barrier3A_9 = arith.constant 0 : index
    tpu.barrier barrier_id(%barrier3A_9)
    "tpu.region"() ({
      %run_scoped3A = tpu.sem_alloc : memref<!tpu.dma_semaphore, #tpu.memory_space<semaphore_mem>>
      %dma_start3A = arith.constant 0 : i32
      %dma_start3A_22 = arith.constant 0 : i32
      %dma_start3A_23 = tpu.memref_slice %arg5[%add3A_3, %dma_start3A, %dma_start3A_22] : memref<4x10240x128xf32, #tpu.memory_space<hbm>> -> memref<1x10240x128xf32, #tpu.memory_space<hbm>>
      %dma_start3A_24 = tpu.memref_squeeze %dma_start3A_23 : memref<1x10240x128xf32, #tpu.memory_space<hbm>> -> memref<10240x128xf32, #tpu.memory_space<hbm>>
      %dma_start3A_25 = arith.constant 0 : i32
      %dma_start3A_26 = tpu.memref_slice %dma_start3A_24[%mul3A_0, %dma_start3A_25] : memref<10240x128xf32, #tpu.memory_space<hbm>> -> memref<640x80xf32, #tpu.memory_space<hbm>>
      %dma_start3A_27 = arith.constant 0 : i32
      %dma_start3A_28 = tpu.memref_slice %arg13[%mul3A_0, %dma_start3A_27] : memref<10240x80xf32, #tpu.memory_space<vmem_shared>> -> memref<640x80xf32, #tpu.memory_space<vmem_shared>>
      tpu.enqueue_dma source(%dma_start3A_28 : memref<640x80xf32, #tpu.memory_space<vmem_shared>>) target(%dma_start3A_26 : memref<640x80xf32, #tpu.memory_space<hbm>>) target_semaphore(%run_scoped3A : memref<!tpu.dma_semaphore, #tpu.memory_space<semaphore_mem>>)
      %dma_wait3A = arith.constant 0 : i32
      %dma_wait3A_29 = arith.constant 0 : i32
      %dma_wait3A_30 = tpu.memref_slice %arg5[%add3A_3, %dma_wait3A, %dma_wait3A_29] : memref<4x10240x128xf32, #tpu.memory_space<hbm>> -> memref<1x10240x128xf32, #tpu.memory_space<hbm>>
      %dma_wait3A_31 = tpu.memref_squeeze %dma_wait3A_30 : memref<1x10240x128xf32, #tpu.memory_space<hbm>> -> memref<10240x128xf32, #tpu.memory_space<hbm>>
      %dma_wait3A_32 = arith.constant 0 : i32
      %dma_wait3A_33 = tpu.memref_slice %dma_wait3A_31[%mul3A_0, %dma_wait3A_32] : memref<10240x128xf32, #tpu.memory_space<hbm>> -> memref<640x80xf32, #tpu.memory_space<hbm>>
      %dma_wait3A_34 = arith.constant 0 : i32
      %dma_wait3A_35 = tpu.memref_slice %arg13[%mul3A_0, %dma_wait3A_34] : memref<10240x80xf32, #tpu.memory_space<vmem_shared>> -> memref<640x80xf32, #tpu.memory_space<vmem_shared>>
      tpu.wait_dma2 semaphore(%run_scoped3A : memref<!tpu.dma_semaphore, #tpu.memory_space<semaphore_mem>>) src(%dma_wait3A_35 : memref<640x80xf32, #tpu.memory_space<vmem_shared>>) dst(%dma_wait3A_33 : memref<640x80xf32, #tpu.memory_space<hbm>>)
      tpu.yield
    }) : () -> ()
    %mul3A_10 = arith.constant 2 : i32
    %mul3A_11 = arith.muli %mul3A_10, %arg0 : i32
    %add3A_12 = arith.constant 1 : i32
    %add3A_13 = arith.addi %mul3A_11, %add3A_12 : i32
    "tpu.region"() ({
      %run_scoped3A = tpu.sem_alloc : memref<!tpu.dma_semaphore, #tpu.memory_space<semaphore_mem>>
      %dma_start3A = arith.constant 0 : i32
      %dma_start3A_22 = tpu.memref_slice %arg12[%mul3A_0, %dma_start3A] : memref<10240x80xf32, #tpu.memory_space<vmem_shared>> -> memref<640x80xf32, #tpu.memory_space<vmem_shared>>
      %dma_start3A_23 = arith.constant 0 : i32
      %dma_start3A_24 = arith.constant 0 : i32
      %dma_start3A_25 = tpu.memref_slice %arg2[%add3A_13, %dma_start3A_23, %dma_start3A_24] : memref<4x10240x128xf32, #tpu.memory_space<hbm>> -> memref<1x10240x128xf32, #tpu.memory_space<hbm>>
      %dma_start3A_26 = tpu.memref_squeeze %dma_start3A_25 : memref<1x10240x128xf32, #tpu.memory_space<hbm>> -> memref<10240x128xf32, #tpu.memory_space<hbm>>
      %dma_start3A_27 = arith.constant 0 : i32
      %dma_start3A_28 = tpu.memref_slice %dma_start3A_26[%mul3A_0, %dma_start3A_27] : memref<10240x128xf32, #tpu.memory_space<hbm>> -> memref<640x80xf32, #tpu.memory_space<hbm>>
      tpu.enqueue_dma source(%dma_start3A_28 : memref<640x80xf32, #tpu.memory_space<hbm>>) target(%dma_start3A_22 : memref<640x80xf32, #tpu.memory_space<vmem_shared>>) target_semaphore(%run_scoped3A : memref<!tpu.dma_semaphore, #tpu.memory_space<semaphore_mem>>)
      %dma_wait3A = arith.constant 0 : i32
      %dma_wait3A_29 = tpu.memref_slice %arg12[%mul3A_0, %dma_wait3A] : memref<10240x80xf32, #tpu.memory_space<vmem_shared>> -> memref<640x80xf32, #tpu.memory_space<vmem_shared>>
      %dma_wait3A_30 = arith.constant 0 : i32
      %dma_wait3A_31 = arith.constant 0 : i32
      %dma_wait3A_32 = tpu.memref_slice %arg2[%add3A_13, %dma_wait3A_30, %dma_wait3A_31] : memref<4x10240x128xf32, #tpu.memory_space<hbm>> -> memref<1x10240x128xf32, #tpu.memory_space<hbm>>
      %dma_wait3A_33 = tpu.memref_squeeze %dma_wait3A_32 : memref<1x10240x128xf32, #tpu.memory_space<hbm>> -> memref<10240x128xf32, #tpu.memory_space<hbm>>
      %dma_wait3A_34 = arith.constant 0 : i32
      %dma_wait3A_35 = tpu.memref_slice %dma_wait3A_33[%mul3A_0, %dma_wait3A_34] : memref<10240x128xf32, #tpu.memory_space<hbm>> -> memref<640x80xf32, #tpu.memory_space<hbm>>
      tpu.wait_dma2 semaphore(%run_scoped3A : memref<!tpu.dma_semaphore, #tpu.memory_space<semaphore_mem>>) src(%dma_wait3A_35 : memref<640x80xf32, #tpu.memory_space<hbm>>) dst(%dma_wait3A_29 : memref<640x80xf32, #tpu.memory_space<vmem_shared>>)
      tpu.yield
    }) : () -> ()
    "tpu.region"() ({
      %run_scoped3A = tpu.sem_alloc : memref<!tpu.dma_semaphore, #tpu.memory_space<semaphore_mem>>
      %dma_start3A = arith.constant 0 : i32
      %dma_start3A_22 = tpu.memref_slice %arg13[%mul3A_0, %dma_start3A] : memref<10240x80xf32, #tpu.memory_space<vmem_shared>> -> memref<640x80xf32, #tpu.memory_space<vmem_shared>>
      %dma_start3A_23 = arith.constant 0 : i32
      %dma_start3A_24 = arith.constant 0 : i32
      %dma_start3A_25 = tpu.memref_slice %arg2[%add3A_13, %dma_start3A_23, %dma_start3A_24] : memref<4x10240x128xf32, #tpu.memory_space<hbm>> -> memref<1x10240x128xf32, #tpu.memory_space<hbm>>
      %dma_start3A_26 = tpu.memref_squeeze %dma_start3A_25 : memref<1x10240x128xf32, #tpu.memory_space<hbm>> -> memref<10240x128xf32, #tpu.memory_space<hbm>>
      %dma_start3A_27 = arith.constant 0 : i32
      %dma_start3A_28 = tpu.memref_slice %dma_start3A_26[%mul3A_0, %dma_start3A_27] : memref<10240x128xf32, #tpu.memory_space<hbm>> -> memref<640x80xf32, #tpu.memory_space<hbm>>
      tpu.enqueue_dma source(%dma_start3A_28 : memref<640x80xf32, #tpu.memory_space<hbm>>) target(%dma_start3A_22 : memref<640x80xf32, #tpu.memory_space<vmem_shared>>) target_semaphore(%run_scoped3A : memref<!tpu.dma_semaphore, #tpu.memory_space<semaphore_mem>>)
      %dma_wait3A = arith.constant 0 : i32
      %dma_wait3A_29 = tpu.memref_slice %arg13[%mul3A_0, %dma_wait3A] : memref<10240x80xf32, #tpu.memory_space<vmem_shared>> -> memref<640x80xf32, #tpu.memory_space<vmem_shared>>
      %dma_wait3A_30 = arith.constant 0 : i32
      %dma_wait3A_31 = arith.constant 0 : i32
      %dma_wait3A_32 = tpu.memref_slice %arg2[%add3A_13, %dma_wait3A_30, %dma_wait3A_31] : memref<4x10240x128xf32, #tpu.memory_space<hbm>> -> memref<1x10240x128xf32, #tpu.memory_space<hbm>>
      %dma_wait3A_33 = tpu.memref_squeeze %dma_wait3A_32 : memref<1x10240x128xf32, #tpu.memory_space<hbm>> -> memref<10240x128xf32, #tpu.memory_space<hbm>>
      %dma_wait3A_34 = arith.constant 0 : i32
      %dma_wait3A_35 = tpu.memref_slice %dma_wait3A_33[%mul3A_0, %dma_wait3A_34] : memref<10240x128xf32, #tpu.memory_space<hbm>> -> memref<640x80xf32, #tpu.memory_space<hbm>>
      tpu.wait_dma2 semaphore(%run_scoped3A : memref<!tpu.dma_semaphore, #tpu.memory_space<semaphore_mem>>) src(%dma_wait3A_35 : memref<640x80xf32, #tpu.memory_space<hbm>>) dst(%dma_wait3A_29 : memref<640x80xf32, #tpu.memory_space<vmem_shared>>)
      tpu.yield
    }) : () -> ()
    %barrier3A_14 = arith.constant 0 : index
    tpu.barrier barrier_id(%barrier3A_14)
    %scan3A_15 = arith.constant 0 : i32
    %scan3A_16 = arith.constant 0 : i32
    %scan3A_17 = arith.constant 10 : i32
    %scan3A_18 = arith.addi %scan3A_16, %scan3A_17 : i32
    %scan3A_19 = arith.constant 1 : i32
    scf.for %scan3A_22 = %scan3A_16 to %scan3A_18 step %scan3A_19  : i32 {
      %mul3A_23 = arith.constant 16 : i32
      %mul3A_24 = arith.muli %scan3A_22, %mul3A_23 : i32
      "tpu.region"() ({
        %run_scoped3A = tpu.sem_alloc : memref<!tpu.dma_semaphore, #tpu.memory_space<semaphore_mem>>
        %dma_start3A_38 = arith.constant 0 : i32
        %dma_start3A_39 = arith.constant 0 : i32
        %dma_start3A_40 = tpu.memref_slice %arg3[%arg1, %dma_start3A_38, %dma_start3A_39] : memref<16x160x128xi32, #tpu.memory_space<hbm>> -> memref<1x160x128xi32, #tpu.memory_space<hbm>>
        %dma_start3A_41 = tpu.memref_squeeze %dma_start3A_40 : memref<1x160x128xi32, #tpu.memory_space<hbm>> -> memref<160x128xi32, #tpu.memory_space<hbm>>
        %dma_start3A_42 = arith.constant 0 : i32
        %dma_start3A_43 = tpu.memref_slice %dma_start3A_41[%mul3A_24, %dma_start3A_42] : memref<160x128xi32, #tpu.memory_space<hbm>> -> memref<16x128xi32, #tpu.memory_space<hbm>>
        %dma_start3A_44 = arith.constant 0 : i32
        %dma_start3A_45 = arith.constant 0 : i32
        %dma_start3A_46 = tpu.memref_slice %arg3[%arg1, %dma_start3A_44, %dma_start3A_45] : memref<16x160x128xi32, #tpu.memory_space<hbm>> -> memref<1x160x128xi32, #tpu.memory_space<hbm>>
        %dma_start3A_47 = tpu.memref_squeeze %dma_start3A_46 : memref<1x160x128xi32, #tpu.memory_space<hbm>> -> memref<160x128xi32, #tpu.memory_space<hbm>>
        %dma_start3A_48 = arith.constant 0 : i32
        %dma_start3A_49 = tpu.memref_slice %dma_start3A_47[%mul3A_24, %dma_start3A_48] : memref<160x128xi32, #tpu.memory_space<hbm>> -> memref<16x128xi32, #tpu.memory_space<hbm>>
        tpu.enqueue_dma source(%dma_start3A_49 : memref<16x128xi32, #tpu.memory_space<hbm>>) target(%arg6 : memref<16x128xi32, #tpu.memory_space<vmem>>) target_semaphore(%run_scoped3A : memref<!tpu.dma_semaphore, #tpu.memory_space<semaphore_mem>>)
        %dma_wait3A = arith.constant 0 : i32
        %dma_wait3A_50 = arith.constant 0 : i32
        %dma_wait3A_51 = tpu.memref_slice %arg3[%arg1, %dma_wait3A, %dma_wait3A_50] : memref<16x160x128xi32, #tpu.memory_space<hbm>> -> memref<1x160x128xi32, #tpu.memory_space<hbm>>
        %dma_wait3A_52 = tpu.memref_squeeze %dma_wait3A_51 : memref<1x160x128xi32, #tpu.memory_space<hbm>> -> memref<160x128xi32, #tpu.memory_space<hbm>>
        %dma_wait3A_53 = arith.constant 0 : i32
        %dma_wait3A_54 = tpu.memref_slice %dma_wait3A_52[%mul3A_24, %dma_wait3A_53] : memref<160x128xi32, #tpu.memory_space<hbm>> -> memref<16x128xi32, #tpu.memory_space<hbm>>
        %dma_wait3A_55 = arith.constant 0 : i32
        %dma_wait3A_56 = arith.constant 0 : i32
        %dma_wait3A_57 = tpu.memref_slice %arg3[%arg1, %dma_wait3A_55, %dma_wait3A_56] : memref<16x160x128xi32, #tpu.memory_space<hbm>> -> memref<1x160x128xi32, #tpu.memory_space<hbm>>
        %dma_wait3A_58 = tpu.memref_squeeze %dma_wait3A_57 : memref<1x160x128xi32, #tpu.memory_space<hbm>> -> memref<160x128xi32, #tpu.memory_space<hbm>>
        %dma_wait3A_59 = arith.constant 0 : i32
        %dma_wait3A_60 = tpu.memref_slice %dma_wait3A_58[%mul3A_24, %dma_wait3A_59] : memref<160x128xi32, #tpu.memory_space<hbm>> -> memref<16x128xi32, #tpu.memory_space<hbm>>
        tpu.wait_dma2 semaphore(%run_scoped3A : memref<!tpu.dma_semaphore, #tpu.memory_space<semaphore_mem>>) src(%dma_wait3A_60 : memref<16x128xi32, #tpu.memory_space<hbm>>) dst(%arg6 : memref<16x128xi32, #tpu.memory_space<vmem>>)
        tpu.yield
      }) : () -> ()
      %mul3A_25 = arith.constant 16 : i32
      %mul3A_26 = arith.muli %scan3A_22, %mul3A_25 : i32
      "tpu.region"() ({
        %run_scoped3A = tpu.sem_alloc : memref<!tpu.dma_semaphore, #tpu.memory_space<semaphore_mem>>
        %dma_start3A_38 = arith.constant 0 : i32
        %dma_start3A_39 = arith.constant 0 : i32
        %dma_start3A_40 = tpu.memref_slice %arg4[%arg1, %dma_start3A_38, %dma_start3A_39] : memref<16x160x128xi32, #tpu.memory_space<hbm>> -> memref<1x160x128xi32, #tpu.memory_space<hbm>>
        %dma_start3A_41 = tpu.memref_squeeze %dma_start3A_40 : memref<1x160x128xi32, #tpu.memory_space<hbm>> -> memref<160x128xi32, #tpu.memory_space<hbm>>
        %dma_start3A_42 = arith.constant 0 : i32
        %dma_start3A_43 = tpu.memref_slice %dma_start3A_41[%mul3A_26, %dma_start3A_42] : memref<160x128xi32, #tpu.memory_space<hbm>> -> memref<16x128xi32, #tpu.memory_space<hbm>>
        %dma_start3A_44 = arith.constant 0 : i32
        %dma_start3A_45 = arith.constant 0 : i32
        %dma_start3A_46 = tpu.memref_slice %arg4[%arg1, %dma_start3A_44, %dma_start3A_45] : memref<16x160x128xi32, #tpu.memory_space<hbm>> -> memref<1x160x128xi32, #tpu.memory_space<hbm>>
        %dma_start3A_47 = tpu.memref_squeeze %dma_start3A_46 : memref<1x160x128xi32, #tpu.memory_space<hbm>> -> memref<160x128xi32, #tpu.memory_space<hbm>>
        %dma_start3A_48 = arith.constant 0 : i32
        %dma_start3A_49 = tpu.memref_slice %dma_start3A_47[%mul3A_26, %dma_start3A_48] : memref<160x128xi32, #tpu.memory_space<hbm>> -> memref<16x128xi32, #tpu.memory_space<hbm>>
        tpu.enqueue_dma source(%dma_start3A_49 : memref<16x128xi32, #tpu.memory_space<hbm>>) target(%arg7 : memref<16x128xi32, #tpu.memory_space<vmem>>) target_semaphore(%run_scoped3A : memref<!tpu.dma_semaphore, #tpu.memory_space<semaphore_mem>>)
        %dma_wait3A = arith.constant 0 : i32
        %dma_wait3A_50 = arith.constant 0 : i32
        %dma_wait3A_51 = tpu.memref_slice %arg4[%arg1, %dma_wait3A, %dma_wait3A_50] : memref<16x160x128xi32, #tpu.memory_space<hbm>> -> memref<1x160x128xi32, #tpu.memory_space<hbm>>
        %dma_wait3A_52 = tpu.memref_squeeze %dma_wait3A_51 : memref<1x160x128xi32, #tpu.memory_space<hbm>> -> memref<160x128xi32, #tpu.memory_space<hbm>>
        %dma_wait3A_53 = arith.constant 0 : i32
        %dma_wait3A_54 = tpu.memref_slice %dma_wait3A_52[%mul3A_26, %dma_wait3A_53] : memref<160x128xi32, #tpu.memory_space<hbm>> -> memref<16x128xi32, #tpu.memory_space<hbm>>
        %dma_wait3A_55 = arith.constant 0 : i32
        %dma_wait3A_56 = arith.constant 0 : i32
        %dma_wait3A_57 = tpu.memref_slice %arg4[%arg1, %dma_wait3A_55, %dma_wait3A_56] : memref<16x160x128xi32, #tpu.memory_space<hbm>> -> memref<1x160x128xi32, #tpu.memory_space<hbm>>
        %dma_wait3A_58 = tpu.memref_squeeze %dma_wait3A_57 : memref<1x160x128xi32, #tpu.memory_space<hbm>> -> memref<160x128xi32, #tpu.memory_space<hbm>>
        %dma_wait3A_59 = arith.constant 0 : i32
        %dma_wait3A_60 = tpu.memref_slice %dma_wait3A_58[%mul3A_26, %dma_wait3A_59] : memref<160x128xi32, #tpu.memory_space<hbm>> -> memref<16x128xi32, #tpu.memory_space<hbm>>
        tpu.wait_dma2 semaphore(%run_scoped3A : memref<!tpu.dma_semaphore, #tpu.memory_space<semaphore_mem>>) src(%dma_wait3A_60 : memref<16x128xi32, #tpu.memory_space<hbm>>) dst(%arg7 : memref<16x128xi32, #tpu.memory_space<vmem>>)
        tpu.yield
      }) : () -> ()
      %dma_start3A = arith.constant 0 : i32
      %dma_start3A_27 = arith.constant 0 : i32
      %dma_start3A_28 = tpu.memref_slice %arg6[%dma_start3A, %dma_start3A_27] : memref<16x128xi32, #tpu.memory_space<vmem>> -> memref<1x128xi32, #tpu.memory_space<vmem>>
      %dma_start3A_29 = tpu.memref_squeeze %dma_start3A_28 : memref<1x128xi32, #tpu.memory_space<vmem>> -> memref<128xi32, #tpu.memory_space<vmem>>
      %dma_start3A_30 = arith.constant 0 : i32
      %dma_start3A_31 = arith.constant 0 : i32
      %dma_start3A_32 = tpu.memref_slice %arg12[%dma_start3A_30, %dma_start3A_31] : memref<10240x80xf32, #tpu.memory_space<vmem_shared>> -> memref<10240x80xf32, #tpu.memory_space<vmem_shared>>
      tpu.enqueue_indirect_dma source(%dma_start3A_32 : memref<10240x80xf32, #tpu.memory_space<vmem_shared>>) target(%arg8 : memref<128x80xf32, #tpu.memory_space<vmem>>) offsets(%dma_start3A_29 : memref<128xi32, #tpu.memory_space<vmem>>) semaphore(%arg10 : memref<!tpu.dma_semaphore, #tpu.memory_space<semaphore_mem>>)
      %scan3A_33 = arith.constant 0 : i32
      %scan3A_34 = arith.constant 8 : i32
      %scan3A_35 = arith.addi %scan3A_33, %scan3A_34 : i32
      %scan3A_36 = arith.constant 1 : i32
      scf.for %scan3A_38 = %scan3A_33 to %scan3A_35 step %scan3A_36  : i32 {
        %mul3A_39 = arith.constant 2 : i32
        %mul3A_40 = arith.muli %mul3A_39, %scan3A_38 : i32
        %add3A_41 = arith.constant 1 : i32
        %add3A_42 = arith.addi %mul3A_40, %add3A_41 : i32
        %dma_start3A_43 = arith.constant 0 : i32
        %dma_start3A_44 = tpu.memref_slice %arg6[%add3A_42, %dma_start3A_43] : memref<16x128xi32, #tpu.memory_space<vmem>> -> memref<1x128xi32, #tpu.memory_space<vmem>>
        %dma_start3A_45 = tpu.memref_squeeze %dma_start3A_44 : memref<1x128xi32, #tpu.memory_space<vmem>> -> memref<128xi32, #tpu.memory_space<vmem>>
        %dma_start3A_46 = arith.constant 0 : i32
        %dma_start3A_47 = arith.constant 0 : i32
        %dma_start3A_48 = tpu.memref_slice %arg12[%dma_start3A_46, %dma_start3A_47] : memref<10240x80xf32, #tpu.memory_space<vmem_shared>> -> memref<10240x80xf32, #tpu.memory_space<vmem_shared>>
        tpu.enqueue_indirect_dma source(%dma_start3A_48 : memref<10240x80xf32, #tpu.memory_space<vmem_shared>>) target(%arg9 : memref<128x80xf32, #tpu.memory_space<vmem>>) offsets(%dma_start3A_45 : memref<128xi32, #tpu.memory_space<vmem>>) semaphore(%arg11 : memref<!tpu.dma_semaphore, #tpu.memory_space<semaphore_mem>>)
        %dma_wait3A = arith.constant 0 : i32
        %dma_wait3A_49 = tpu.memref_slice %arg6[%mul3A_40, %dma_wait3A] : memref<16x128xi32, #tpu.memory_space<vmem>> -> memref<1x128xi32, #tpu.memory_space<vmem>>
        %dma_wait3A_50 = tpu.memref_squeeze %dma_wait3A_49 : memref<1x128xi32, #tpu.memory_space<vmem>> -> memref<128xi32, #tpu.memory_space<vmem>>
        %dma_wait3A_51 = arith.constant 0 : i32
        %dma_wait3A_52 = arith.constant 0 : i32
        %dma_wait3A_53 = tpu.memref_slice %arg12[%dma_wait3A_51, %dma_wait3A_52] : memref<10240x80xf32, #tpu.memory_space<vmem_shared>> -> memref<10240x80xf32, #tpu.memory_space<vmem_shared>>
        tpu.wait_indirect_dma semaphore(%arg10 : memref<!tpu.dma_semaphore, #tpu.memory_space<semaphore_mem>>) src(%dma_wait3A_53 : memref<10240x80xf32, #tpu.memory_space<vmem_shared>>) dst(%arg8 : memref<128x80xf32, #tpu.memory_space<vmem>>)
        "tpu.region"() ({
          %run_scoped3A = tpu.sem_alloc : memref<!tpu.dma_semaphore, #tpu.memory_space<semaphore_mem>>
          %dma_start3A_68 = arith.constant 0 : i32
          %dma_start3A_69 = tpu.memref_slice %arg7[%mul3A_40, %dma_start3A_68] : memref<16x128xi32, #tpu.memory_space<vmem>> -> memref<1x128xi32, #tpu.memory_space<vmem>>
          %dma_start3A_70 = tpu.memref_squeeze %dma_start3A_69 : memref<1x128xi32, #tpu.memory_space<vmem>> -> memref<128xi32, #tpu.memory_space<vmem>>
          %dma_start3A_71 = arith.constant 0 : i32
          %dma_start3A_72 = arith.constant 0 : i32
          %dma_start3A_73 = tpu.memref_slice %arg13[%dma_start3A_71, %dma_start3A_72] : memref<10240x80xf32, #tpu.memory_space<vmem_shared>> -> memref<10240x80xf32, #tpu.memory_space<vmem_shared>>
          tpu.enqueue_indirect_dma source(%arg8 : memref<128x80xf32, #tpu.memory_space<vmem>>) target(%dma_start3A_73 : memref<10240x80xf32, #tpu.memory_space<vmem_shared>>) offsets(%dma_start3A_70 : memref<128xi32, #tpu.memory_space<vmem>>) semaphore(%run_scoped3A : memref<!tpu.dma_semaphore, #tpu.memory_space<semaphore_mem>>) {add = true}
          %dma_wait3A_74 = arith.constant 0 : i32
          %dma_wait3A_75 = tpu.memref_slice %arg7[%mul3A_40, %dma_wait3A_74] : memref<16x128xi32, #tpu.memory_space<vmem>> -> memref<1x128xi32, #tpu.memory_space<vmem>>
          %dma_wait3A_76 = tpu.memref_squeeze %dma_wait3A_75 : memref<1x128xi32, #tpu.memory_space<vmem>> -> memref<128xi32, #tpu.memory_space<vmem>>
          %dma_wait3A_77 = arith.constant 0 : i32
          %dma_wait3A_78 = arith.constant 0 : i32
          %dma_wait3A_79 = tpu.memref_slice %arg13[%dma_wait3A_77, %dma_wait3A_78] : memref<10240x80xf32, #tpu.memory_space<vmem_shared>> -> memref<10240x80xf32, #tpu.memory_space<vmem_shared>>
          tpu.wait_indirect_dma semaphore(%run_scoped3A : memref<!tpu.dma_semaphore, #tpu.memory_space<semaphore_mem>>) src(%arg8 : memref<128x80xf32, #tpu.memory_space<vmem>>) dst(%dma_wait3A_79 : memref<10240x80xf32, #tpu.memory_space<vmem_shared>>)
          tpu.yield
        }) : () -> ()
        %add3A_54 = arith.constant 2 : i32
        %add3A_55 = arith.addi %mul3A_40, %add3A_54 : i32
        %lt3A = arith.constant 16 : i32
        %lt3A_56 = arith.cmpi slt, %add3A_55, %lt3A : i32
        %convert_element_type3A = arith.extui %lt3A_56 : i1 to i32
        %cond3A = arith.constant 0 : i32
        %cond3A_57 = arith.cmpi ne, %convert_element_type3A, %cond3A : i32
        scf.if %cond3A_57 {
          %add3A_68 = arith.constant 2 : i32
          %add3A_69 = arith.addi %mul3A_40, %add3A_68 : i32
          %dma_start3A_70 = arith.constant 0 : i32
          %dma_start3A_71 = tpu.memref_slice %arg6[%add3A_69, %dma_start3A_70] : memref<16x128xi32, #tpu.memory_space<vmem>> -> memref<1x128xi32, #tpu.memory_space<vmem>>
          %dma_start3A_72 = tpu.memref_squeeze %dma_start3A_71 : memref<1x128xi32, #tpu.memory_space<vmem>> -> memref<128xi32, #tpu.memory_space<vmem>>
          %dma_start3A_73 = arith.constant 0 : i32
          %dma_start3A_74 = arith.constant 0 : i32
          %dma_start3A_75 = tpu.memref_slice %arg12[%dma_start3A_73, %dma_start3A_74] : memref<10240x80xf32, #tpu.memory_space<vmem_shared>> -> memref<10240x80xf32, #tpu.memory_space<vmem_shared>>
          tpu.enqueue_indirect_dma source(%dma_start3A_75 : memref<10240x80xf32, #tpu.memory_space<vmem_shared>>) target(%arg8 : memref<128x80xf32, #tpu.memory_space<vmem>>) offsets(%dma_start3A_72 : memref<128xi32, #tpu.memory_space<vmem>>) semaphore(%arg10 : memref<!tpu.dma_semaphore, #tpu.memory_space<semaphore_mem>>)
        } else {
        }
        %add3A_58 = arith.constant 1 : i32
        %add3A_59 = arith.addi %mul3A_40, %add3A_58 : i32
        %dma_wait3A_60 = arith.constant 0 : i32
        %dma_wait3A_61 = tpu.memref_slice %arg6[%add3A_59, %dma_wait3A_60] : memref<16x128xi32, #tpu.memory_space<vmem>> -> memref<1x128xi32, #tpu.memory_space<vmem>>
        %dma_wait3A_62 = tpu.memref_squeeze %dma_wait3A_61 : memref<1x128xi32, #tpu.memory_space<vmem>> -> memref<128xi32, #tpu.memory_space<vmem>>
        %dma_wait3A_63 = arith.constant 0 : i32
        %dma_wait3A_64 = arith.constant 0 : i32
        %dma_wait3A_65 = tpu.memref_slice %arg12[%dma_wait3A_63, %dma_wait3A_64] : memref<10240x80xf32, #tpu.memory_space<vmem_shared>> -> memref<10240x80xf32, #tpu.memory_space<vmem_shared>>
        tpu.wait_indirect_dma semaphore(%arg11 : memref<!tpu.dma_semaphore, #tpu.memory_space<semaphore_mem>>) src(%dma_wait3A_65 : memref<10240x80xf32, #tpu.memory_space<vmem_shared>>) dst(%arg9 : memref<128x80xf32, #tpu.memory_space<vmem>>)
        %add3A_66 = arith.constant 1 : i32
        %add3A_67 = arith.addi %mul3A_40, %add3A_66 : i32
        "tpu.region"() ({
          %run_scoped3A = tpu.sem_alloc : memref<!tpu.dma_semaphore, #tpu.memory_space<semaphore_mem>>
          %dma_start3A_68 = arith.constant 0 : i32
          %dma_start3A_69 = tpu.memref_slice %arg7[%add3A_67, %dma_start3A_68] : memref<16x128xi32, #tpu.memory_space<vmem>> -> memref<1x128xi32, #tpu.memory_space<vmem>>
          %dma_start3A_70 = tpu.memref_squeeze %dma_start3A_69 : memref<1x128xi32, #tpu.memory_space<vmem>> -> memref<128xi32, #tpu.memory_space<vmem>>
          %dma_start3A_71 = arith.constant 0 : i32
          %dma_start3A_72 = arith.constant 0 : i32
          %dma_start3A_73 = tpu.memref_slice %arg13[%dma_start3A_71, %dma_start3A_72] : memref<10240x80xf32, #tpu.memory_space<vmem_shared>> -> memref<10240x80xf32, #tpu.memory_space<vmem_shared>>
          tpu.enqueue_indirect_dma source(%arg9 : memref<128x80xf32, #tpu.memory_space<vmem>>) target(%dma_start3A_73 : memref<10240x80xf32, #tpu.memory_space<vmem_shared>>) offsets(%dma_start3A_70 : memref<128xi32, #tpu.memory_space<vmem>>) semaphore(%run_scoped3A : memref<!tpu.dma_semaphore, #tpu.memory_space<semaphore_mem>>) {add = true}
          %dma_wait3A_74 = arith.constant 0 : i32
          %dma_wait3A_75 = tpu.memref_slice %arg7[%add3A_67, %dma_wait3A_74] : memref<16x128xi32, #tpu.memory_space<vmem>> -> memref<1x128xi32, #tpu.memory_space<vmem>>
          %dma_wait3A_76 = tpu.memref_squeeze %dma_wait3A_75 : memref<1x128xi32, #tpu.memory_space<vmem>> -> memref<128xi32, #tpu.memory_space<vmem>>
          %dma_wait3A_77 = arith.constant 0 : i32
          %dma_wait3A_78 = arith.constant 0 : i32
          %dma_wait3A_79 = tpu.memref_slice %arg13[%dma_wait3A_77, %dma_wait3A_78] : memref<10240x80xf32, #tpu.memory_space<vmem_shared>> -> memref<10240x80xf32, #tpu.memory_space<vmem_shared>>
          tpu.wait_indirect_dma semaphore(%run_scoped3A : memref<!tpu.dma_semaphore, #tpu.memory_space<semaphore_mem>>) src(%arg9 : memref<128x80xf32, #tpu.memory_space<vmem>>) dst(%dma_wait3A_79 : memref<10240x80xf32, #tpu.memory_space<vmem_shared>>)
          tpu.yield
        }) : () -> ()
      }
      %scan3A_37 = arith.constant 8 : i32
    }
    %scan3A_20 = arith.constant 10 : i32
    %barrier3A_21 = arith.constant 0 : index
    tpu.barrier barrier_id(%barrier3A_21)
    "tpu.region"() ({
      %run_scoped3A = tpu.sem_alloc : memref<!tpu.dma_semaphore, #tpu.memory_space<semaphore_mem>>
      %dma_start3A = arith.constant 0 : i32
      %dma_start3A_22 = arith.constant 0 : i32
      %dma_start3A_23 = tpu.memref_slice %arg5[%add3A_13, %dma_start3A, %dma_start3A_22] : memref<4x10240x128xf32, #tpu.memory_space<hbm>> -> memref<1x10240x128xf32, #tpu.memory_space<hbm>>
      %dma_start3A_24 = tpu.memref_squeeze %dma_start3A_23 : memref<1x10240x128xf32, #tpu.memory_space<hbm>> -> memref<10240x128xf32, #tpu.memory_space<hbm>>
      %dma_start3A_25 = arith.constant 0 : i32
      %dma_start3A_26 = tpu.memref_slice %dma_start3A_24[%mul3A_0, %dma_start3A_25] : memref<10240x128xf32, #tpu.memory_space<hbm>> -> memref<640x80xf32, #tpu.memory_space<hbm>>
      %dma_start3A_27 = arith.constant 0 : i32
      %dma_start3A_28 = tpu.memref_slice %arg13[%mul3A_0, %dma_start3A_27] : memref<10240x80xf32, #tpu.memory_space<vmem_shared>> -> memref<640x80xf32, #tpu.memory_space<vmem_shared>>
      tpu.enqueue_dma source(%dma_start3A_28 : memref<640x80xf32, #tpu.memory_space<vmem_shared>>) target(%dma_start3A_26 : memref<640x80xf32, #tpu.memory_space<hbm>>) target_semaphore(%run_scoped3A : memref<!tpu.dma_semaphore, #tpu.memory_space<semaphore_mem>>)
      %dma_wait3A = arith.constant 0 : i32
      %dma_wait3A_29 = arith.constant 0 : i32
      %dma_wait3A_30 = tpu.memref_slice %arg5[%add3A_13, %dma_wait3A, %dma_wait3A_29] : memref<4x10240x128xf32, #tpu.memory_space<hbm>> -> memref<1x10240x128xf32, #tpu.memory_space<hbm>>
      %dma_wait3A_31 = tpu.memref_squeeze %dma_wait3A_30 : memref<1x10240x128xf32, #tpu.memory_space<hbm>> -> memref<10240x128xf32, #tpu.memory_space<hbm>>
      %dma_wait3A_32 = arith.constant 0 : i32
      %dma_wait3A_33 = tpu.memref_slice %dma_wait3A_31[%mul3A_0, %dma_wait3A_32] : memref<10240x128xf32, #tpu.memory_space<hbm>> -> memref<640x80xf32, #tpu.memory_space<hbm>>
      %dma_wait3A_34 = arith.constant 0 : i32
      %dma_wait3A_35 = tpu.memref_slice %arg13[%mul3A_0, %dma_wait3A_34] : memref<10240x80xf32, #tpu.memory_space<vmem_shared>> -> memref<640x80xf32, #tpu.memory_space<vmem_shared>>
      tpu.wait_dma2 semaphore(%run_scoped3A : memref<!tpu.dma_semaphore, #tpu.memory_space<semaphore_mem>>) src(%dma_wait3A_35 : memref<640x80xf32, #tpu.memory_space<vmem_shared>>) dst(%dma_wait3A_33 : memref<640x80xf32, #tpu.memory_space<hbm>>)
      tpu.yield
    }) : () -> ()
    return
  }
}

#map = affine_map<(d0, d1) -> (0, 0, 0)>
#map1 = affine_map<(d0, d1) -> (0, 0)>
module attributes {stable_mosaic.version = 14 : i64} {
  func.func @_deg_kernel(%arg0: i32, %arg1: i32, %arg2: memref<2x1x320000xi32, #tpu.memory_space<hbm>>, %arg3: memref<2x10240xf32, #tpu.memory_space<hbm>>, %arg4: memref<10000xi32, #tpu.memory_space<vmem>>, %arg5: memref<10240xf32, #tpu.memory_space<vmem>>, %arg6: memref<16x640xf32, #tpu.memory_space<vmem>>, %arg7: memref<16x10240xf32, #tpu.memory_space<vmem_shared>>) attributes {dimension_semantics = [#tpu.dimension_semantics<core_parallel>, #tpu.dimension_semantics<subcore_parallel>], iteration_bounds = array<i64: 2, 16>, scalar_prefetch = 0 : i64, scratch_operands = 4 : i64, tpu.core_type = #tpu.core_type<sc_vector_subcore>, window_params = [{transform_indices = #map}, {transform_indices = #map1}]} {
    %mul3A = arith.constant 2 : i32
    %mul3A_0 = arith.muli %arg1, %mul3A : i32
    %add3A = arith.addi %mul3A_0, %arg0 : i32
    %mul3A_1 = arith.constant 10000 : i32
    %mul3A_2 = arith.muli %add3A, %mul3A_1 : i32
    %run_scoped3A = arith.constant 1 : i32
    %run_scoped3A_3 = arith.constant 0 : i32
    "tpu.region"() ({
      %run_scoped3A_26 = tpu.sem_alloc : memref<!tpu.dma_semaphore, #tpu.memory_space<semaphore_mem>>
      %dma_start3A = arith.constant 0 : i32
      %dma_start3A_27 = tpu.memref_slice %arg2[%run_scoped3A, %run_scoped3A_3, %dma_start3A] : memref<2x1x320000xi32, #tpu.memory_space<hbm>> -> memref<1x1x320000xi32, #tpu.memory_space<hbm>>
      %dma_start3A_28 = tpu.memref_squeeze %dma_start3A_27 : memref<1x1x320000xi32, #tpu.memory_space<hbm>> -> memref<320000xi32, #tpu.memory_space<hbm>>
      %dma_start3A_29 = tpu.memref_slice %dma_start3A_28[%mul3A_2] : memref<320000xi32, #tpu.memory_space<hbm>> -> memref<10000xi32, #tpu.memory_space<hbm>>
      %dma_start3A_30 = arith.constant 0 : i32
      %dma_start3A_31 = tpu.memref_slice %arg2[%run_scoped3A, %run_scoped3A_3, %dma_start3A_30] : memref<2x1x320000xi32, #tpu.memory_space<hbm>> -> memref<1x1x320000xi32, #tpu.memory_space<hbm>>
      %dma_start3A_32 = tpu.memref_squeeze %dma_start3A_31 : memref<1x1x320000xi32, #tpu.memory_space<hbm>> -> memref<320000xi32, #tpu.memory_space<hbm>>
      %dma_start3A_33 = tpu.memref_slice %dma_start3A_32[%mul3A_2] : memref<320000xi32, #tpu.memory_space<hbm>> -> memref<10000xi32, #tpu.memory_space<hbm>>
      tpu.enqueue_dma source(%dma_start3A_33 : memref<10000xi32, #tpu.memory_space<hbm>>) target(%arg4 : memref<10000xi32, #tpu.memory_space<vmem>>) target_semaphore(%run_scoped3A_26 : memref<!tpu.dma_semaphore, #tpu.memory_space<semaphore_mem>>)
      %dma_wait3A = arith.constant 0 : i32
      %dma_wait3A_34 = tpu.memref_slice %arg2[%run_scoped3A, %run_scoped3A_3, %dma_wait3A] : memref<2x1x320000xi32, #tpu.memory_space<hbm>> -> memref<1x1x320000xi32, #tpu.memory_space<hbm>>
      %dma_wait3A_35 = tpu.memref_squeeze %dma_wait3A_34 : memref<1x1x320000xi32, #tpu.memory_space<hbm>> -> memref<320000xi32, #tpu.memory_space<hbm>>
      %dma_wait3A_36 = tpu.memref_slice %dma_wait3A_35[%mul3A_2] : memref<320000xi32, #tpu.memory_space<hbm>> -> memref<10000xi32, #tpu.memory_space<hbm>>
      %dma_wait3A_37 = arith.constant 0 : i32
      %dma_wait3A_38 = tpu.memref_slice %arg2[%run_scoped3A, %run_scoped3A_3, %dma_wait3A_37] : memref<2x1x320000xi32, #tpu.memory_space<hbm>> -> memref<1x1x320000xi32, #tpu.memory_space<hbm>>
      %dma_wait3A_39 = tpu.memref_squeeze %dma_wait3A_38 : memref<1x1x320000xi32, #tpu.memory_space<hbm>> -> memref<320000xi32, #tpu.memory_space<hbm>>
      %dma_wait3A_40 = tpu.memref_slice %dma_wait3A_39[%mul3A_2] : memref<320000xi32, #tpu.memory_space<hbm>> -> memref<10000xi32, #tpu.memory_space<hbm>>
      tpu.wait_dma2 semaphore(%run_scoped3A_26 : memref<!tpu.dma_semaphore, #tpu.memory_space<semaphore_mem>>) src(%dma_wait3A_40 : memref<10000xi32, #tpu.memory_space<hbm>>) dst(%arg4 : memref<10000xi32, #tpu.memory_space<vmem>>)
      tpu.yield
    }) : () -> ()
    %scan3A = arith.constant 0 : i32
    %scan3A_4 = arith.constant 0 : i32
    %scan3A_5 = arith.constant 640 : i32
    %scan3A_6 = arith.addi %scan3A_4, %scan3A_5 : i32
    %scan3A_7 = arith.constant 1 : i32
    scf.for %scan3A_26 = %scan3A_4 to %scan3A_6 step %scan3A_7  : i32 {
      %broadcast_in_dim3A_27 = arith.constant 0.000000e+00 : f32
      %broadcast_in_dim3A_28 = vector.broadcast %broadcast_in_dim3A_27 : f32 to vector<16xf32>
      %mul3A_29 = arith.constant 16 : i32
      %mul3A_30 = arith.muli %scan3A_26, %mul3A_29 : i32
      %swap3A = arith.index_cast %mul3A_30 : i32 to index
      %swap3A_31 = tpu.vector_load %arg5[%swap3A] {strides = array<i32>} : memref<10240xf32, #tpu.memory_space<vmem>>, vector<16xf32>,
      tpu.vector_store %arg5[%swap3A], %broadcast_in_dim3A_28 {strides = array<i32>} : memref<10240xf32, #tpu.memory_space<vmem>>, vector<16xf32>,
    }
    %scan3A_8 = arith.constant 640 : i32
    %broadcast_in_dim3A = arith.constant 1.000000e+00 : f32
    %broadcast_in_dim3A_9 = vector.broadcast %broadcast_in_dim3A : f32 to vector<16xf32>
    %scan3A_10 = arith.constant 0 : i32
    %scan3A_11 = arith.constant 0 : i32
    %scan3A_12 = arith.constant 625 : i32
    %scan3A_13 = arith.addi %scan3A_11, %scan3A_12 : i32
    %scan3A_14 = arith.constant 1 : i32
    scf.for %scan3A_26 = %scan3A_11 to %scan3A_13 step %scan3A_14  : i32 {
      %mul3A_27 = arith.constant 16 : i32
      %mul3A_28 = arith.muli %scan3A_26, %mul3A_27 : i32
      %get3A = arith.index_cast %mul3A_28 : i32 to index
      %get3A_29 = tpu.vector_load %arg4[%get3A] {strides = array<i32>} : memref<10000xi32, #tpu.memory_space<vmem>>, vector<16xi32>,
      tpu.vector_store_idx %arg5[%get3A_29], %broadcast_in_dim3A_9 {add = true} : memref<10240xf32, #tpu.memory_space<vmem>>[vector<16xi32>], vector<16xf32>,
    }
    %scan3A_15 = arith.constant 625 : i32
    "tpu.region"() ({
      %run_scoped3A_26 = tpu.sem_alloc : memref<!tpu.dma_semaphore, #tpu.memory_space<semaphore_mem>>
      %dma_start3A = arith.constant 0 : i32
      %dma_start3A_27 = tpu.memref_slice %arg7[%arg1, %dma_start3A] : memref<16x10240xf32, #tpu.memory_space<vmem_shared>> -> memref<1x10240xf32, #tpu.memory_space<vmem_shared>>
      %dma_start3A_28 = tpu.memref_squeeze %dma_start3A_27 : memref<1x10240xf32, #tpu.memory_space<vmem_shared>> -> memref<10240xf32, #tpu.memory_space<vmem_shared>>
      %dma_start3A_29 = arith.constant 0 : i32
      %dma_start3A_30 = tpu.memref_slice %arg7[%arg1, %dma_start3A_29] : memref<16x10240xf32, #tpu.memory_space<vmem_shared>> -> memref<1x10240xf32, #tpu.memory_space<vmem_shared>>
      %dma_start3A_31 = tpu.memref_squeeze %dma_start3A_30 : memref<1x10240xf32, #tpu.memory_space<vmem_shared>> -> memref<10240xf32, #tpu.memory_space<vmem_shared>>
      tpu.enqueue_dma source(%arg5 : memref<10240xf32, #tpu.memory_space<vmem>>) target(%dma_start3A_31 : memref<10240xf32, #tpu.memory_space<vmem_shared>>) target_semaphore(%run_scoped3A_26 : memref<!tpu.dma_semaphore, #tpu.memory_space<semaphore_mem>>)
      %dma_wait3A = arith.constant 0 : i32
      %dma_wait3A_32 = tpu.memref_slice %arg7[%arg1, %dma_wait3A] : memref<16x10240xf32, #tpu.memory_space<vmem_shared>> -> memref<1x10240xf32, #tpu.memory_space<vmem_shared>>
      %dma_wait3A_33 = tpu.memref_squeeze %dma_wait3A_32 : memref<1x10240xf32, #tpu.memory_space<vmem_shared>> -> memref<10240xf32, #tpu.memory_space<vmem_shared>>
      %dma_wait3A_34 = arith.constant 0 : i32
      %dma_wait3A_35 = tpu.memref_slice %arg7[%arg1, %dma_wait3A_34] : memref<16x10240xf32, #tpu.memory_space<vmem_shared>> -> memref<1x10240xf32, #tpu.memory_space<vmem_shared>>
      %dma_wait3A_36 = tpu.memref_squeeze %dma_wait3A_35 : memref<1x10240xf32, #tpu.memory_space<vmem_shared>> -> memref<10240xf32, #tpu.memory_space<vmem_shared>>
      tpu.wait_dma2 semaphore(%run_scoped3A_26 : memref<!tpu.dma_semaphore, #tpu.memory_space<semaphore_mem>>) src(%arg5 : memref<10240xf32, #tpu.memory_space<vmem>>) dst(%dma_wait3A_36 : memref<10240xf32, #tpu.memory_space<vmem_shared>>)
      tpu.yield
    }) : () -> ()
    %barrier3A = arith.constant 0 : index
    tpu.barrier barrier_id(%barrier3A)
    %mul3A_16 = arith.constant 640 : i32
    %mul3A_17 = arith.muli %arg1, %mul3A_16 : i32
    "tpu.region"() ({
      %run_scoped3A_26 = tpu.sem_alloc : memref<!tpu.dma_semaphore, #tpu.memory_space<semaphore_mem>>
      %dma_start3A = arith.constant 0 : i32
      %dma_start3A_27 = tpu.memref_slice %arg7[%dma_start3A, %mul3A_17] : memref<16x10240xf32, #tpu.memory_space<vmem_shared>> -> memref<16x640xf32, #tpu.memory_space<vmem_shared>>
      %dma_start3A_28 = arith.constant 0 : i32
      %dma_start3A_29 = tpu.memref_slice %arg7[%dma_start3A_28, %mul3A_17] : memref<16x10240xf32, #tpu.memory_space<vmem_shared>> -> memref<16x640xf32, #tpu.memory_space<vmem_shared>>
      tpu.enqueue_dma source(%dma_start3A_29 : memref<16x640xf32, #tpu.memory_space<vmem_shared>>) target(%arg6 : memref<16x640xf32, #tpu.memory_space<vmem>>) target_semaphore(%run_scoped3A_26 : memref<!tpu.dma_semaphore, #tpu.memory_space<semaphore_mem>>)
      %dma_wait3A = arith.constant 0 : i32
      %dma_wait3A_30 = tpu.memref_slice %arg7[%dma_wait3A, %mul3A_17] : memref<16x10240xf32, #tpu.memory_space<vmem_shared>> -> memref<16x640xf32, #tpu.memory_space<vmem_shared>>
      %dma_wait3A_31 = arith.constant 0 : i32
      %dma_wait3A_32 = tpu.memref_slice %arg7[%dma_wait3A_31, %mul3A_17] : memref<16x10240xf32, #tpu.memory_space<vmem_shared>> -> memref<16x640xf32, #tpu.memory_space<vmem_shared>>
      tpu.wait_dma2 semaphore(%run_scoped3A_26 : memref<!tpu.dma_semaphore, #tpu.memory_space<semaphore_mem>>) src(%dma_wait3A_32 : memref<16x640xf32, #tpu.memory_space<vmem_shared>>) dst(%arg6 : memref<16x640xf32, #tpu.memory_space<vmem>>)
      tpu.yield
    }) : () -> ()
    %scan3A_18 = arith.constant 0 : i32
    %scan3A_19 = arith.constant 0 : i32
    %scan3A_20 = arith.constant 40 : i32
    %scan3A_21 = arith.addi %scan3A_19, %scan3A_20 : i32
    %scan3A_22 = arith.constant 1 : i32
    scf.for %scan3A_26 = %scan3A_19 to %scan3A_21 step %scan3A_22  : i32 {
      %mul3A_27 = arith.constant 16 : i32
      %mul3A_28 = arith.muli %scan3A_26, %mul3A_27 : i32
      %get3A = arith.constant 0 : i32
      %get3A_29 = arith.index_cast %get3A : i32 to index
      %get3A_30 = arith.index_cast %mul3A_28 : i32 to index
      %get3A_31 = tpu.vector_load %arg6[%get3A_29, %get3A_30] {strides = array<i32>} : memref<16x640xf32, #tpu.memory_space<vmem>>, vector<16xf32>,
      %mul3A_32 = arith.constant 16 : i32
      %mul3A_33 = arith.muli %scan3A_26, %mul3A_32 : i32
      %get3A_34 = arith.constant 1 : i32
      %get3A_35 = arith.index_cast %get3A_34 : i32 to index
      %get3A_36 = arith.index_cast %mul3A_33 : i32 to index
      %get3A_37 = tpu.vector_load %arg6[%get3A_35, %get3A_36] {strides = array<i32>} : memref<16x640xf32, #tpu.memory_space<vmem>>, vector<16xf32>,
      %add3A_38 = arith.addf %get3A_31, %get3A_37 : vector<16xf32>
      %mul3A_39 = arith.constant 16 : i32
      %mul3A_40 = arith.muli %scan3A_26, %mul3A_39 : i32
      %get3A_41 = arith.constant 2 : i32
      %get3A_42 = arith.index_cast %get3A_41 : i32 to index
      %get3A_43 = arith.index_cast %mul3A_40 : i32 to index
      %get3A_44 = tpu.vector_load %arg6[%get3A_42, %get3A_43] {strides = array<i32>} : memref<16x640xf32, #tpu.memory_space<vmem>>, vector<16xf32>,
      %add3A_45 = arith.addf %add3A_38, %get3A_44 : vector<16xf32>
      %mul3A_46 = arith.constant 16 : i32
      %mul3A_47 = arith.muli %scan3A_26, %mul3A_46 : i32
      %get3A_48 = arith.constant 3 : i32
      %get3A_49 = arith.index_cast %get3A_48 : i32 to index
      %get3A_50 = arith.index_cast %mul3A_47 : i32 to index
      %get3A_51 = tpu.vector_load %arg6[%get3A_49, %get3A_50] {strides = array<i32>} : memref<16x640xf32, #tpu.memory_space<vmem>>, vector<16xf32>,
      %add3A_52 = arith.addf %add3A_45, %get3A_51 : vector<16xf32>
      %mul3A_53 = arith.constant 16 : i32
      %mul3A_54 = arith.muli %scan3A_26, %mul3A_53 : i32
      %get3A_55 = arith.constant 4 : i32
      %get3A_56 = arith.index_cast %get3A_55 : i32 to index
      %get3A_57 = arith.index_cast %mul3A_54 : i32 to index
      %get3A_58 = tpu.vector_load %arg6[%get3A_56, %get3A_57] {strides = array<i32>} : memref<16x640xf32, #tpu.memory_space<vmem>>, vector<16xf32>,
      %add3A_59 = arith.addf %add3A_52, %get3A_58 : vector<16xf32>
      %mul3A_60 = arith.constant 16 : i32
      %mul3A_61 = arith.muli %scan3A_26, %mul3A_60 : i32
      %get3A_62 = arith.constant 5 : i32
      %get3A_63 = arith.index_cast %get3A_62 : i32 to index
      %get3A_64 = arith.index_cast %mul3A_61 : i32 to index
      %get3A_65 = tpu.vector_load %arg6[%get3A_63, %get3A_64] {strides = array<i32>} : memref<16x640xf32, #tpu.memory_space<vmem>>, vector<16xf32>,
      %add3A_66 = arith.addf %add3A_59, %get3A_65 : vector<16xf32>
      %mul3A_67 = arith.constant 16 : i32
      %mul3A_68 = arith.muli %scan3A_26, %mul3A_67 : i32
      %get3A_69 = arith.constant 6 : i32
      %get3A_70 = arith.index_cast %get3A_69 : i32 to index
      %get3A_71 = arith.index_cast %mul3A_68 : i32 to index
      %get3A_72 = tpu.vector_load %arg6[%get3A_70, %get3A_71] {strides = array<i32>} : memref<16x640xf32, #tpu.memory_space<vmem>>, vector<16xf32>,
      %add3A_73 = arith.addf %add3A_66, %get3A_72 : vector<16xf32>
      %mul3A_74 = arith.constant 16 : i32
      %mul3A_75 = arith.muli %scan3A_26, %mul3A_74 : i32
      %get3A_76 = arith.constant 7 : i32
      %get3A_77 = arith.index_cast %get3A_76 : i32 to index
      %get3A_78 = arith.index_cast %mul3A_75 : i32 to index
      %get3A_79 = tpu.vector_load %arg6[%get3A_77, %get3A_78] {strides = array<i32>} : memref<16x640xf32, #tpu.memory_space<vmem>>, vector<16xf32>,
      %add3A_80 = arith.addf %add3A_73, %get3A_79 : vector<16xf32>
      %mul3A_81 = arith.constant 16 : i32
      %mul3A_82 = arith.muli %scan3A_26, %mul3A_81 : i32
      %get3A_83 = arith.constant 8 : i32
      %get3A_84 = arith.index_cast %get3A_83 : i32 to index
      %get3A_85 = arith.index_cast %mul3A_82 : i32 to index
      %get3A_86 = tpu.vector_load %arg6[%get3A_84, %get3A_85] {strides = array<i32>} : memref<16x640xf32, #tpu.memory_space<vmem>>, vector<16xf32>,
      %add3A_87 = arith.addf %add3A_80, %get3A_86 : vector<16xf32>
      %mul3A_88 = arith.constant 16 : i32
      %mul3A_89 = arith.muli %scan3A_26, %mul3A_88 : i32
      %get3A_90 = arith.constant 9 : i32
      %get3A_91 = arith.index_cast %get3A_90 : i32 to index
      %get3A_92 = arith.index_cast %mul3A_89 : i32 to index
      %get3A_93 = tpu.vector_load %arg6[%get3A_91, %get3A_92] {strides = array<i32>} : memref<16x640xf32, #tpu.memory_space<vmem>>, vector<16xf32>,
      %add3A_94 = arith.addf %add3A_87, %get3A_93 : vector<16xf32>
      %mul3A_95 = arith.constant 16 : i32
      %mul3A_96 = arith.muli %scan3A_26, %mul3A_95 : i32
      %get3A_97 = arith.constant 10 : i32
      %get3A_98 = arith.index_cast %get3A_97 : i32 to index
      %get3A_99 = arith.index_cast %mul3A_96 : i32 to index
      %get3A_100 = tpu.vector_load %arg6[%get3A_98, %get3A_99] {strides = array<i32>} : memref<16x640xf32, #tpu.memory_space<vmem>>, vector<16xf32>,
      %add3A_101 = arith.addf %add3A_94, %get3A_100 : vector<16xf32>
      %mul3A_102 = arith.constant 16 : i32
      %mul3A_103 = arith.muli %scan3A_26, %mul3A_102 : i32
      %get3A_104 = arith.constant 11 : i32
      %get3A_105 = arith.index_cast %get3A_104 : i32 to index
      %get3A_106 = arith.index_cast %mul3A_103 : i32 to index
      %get3A_107 = tpu.vector_load %arg6[%get3A_105, %get3A_106] {strides = array<i32>} : memref<16x640xf32, #tpu.memory_space<vmem>>, vector<16xf32>,
      %add3A_108 = arith.addf %add3A_101, %get3A_107 : vector<16xf32>
      %mul3A_109 = arith.constant 16 : i32
      %mul3A_110 = arith.muli %scan3A_26, %mul3A_109 : i32
      %get3A_111 = arith.constant 12 : i32
      %get3A_112 = arith.index_cast %get3A_111 : i32 to index
      %get3A_113 = arith.index_cast %mul3A_110 : i32 to index
      %get3A_114 = tpu.vector_load %arg6[%get3A_112, %get3A_113] {strides = array<i32>} : memref<16x640xf32, #tpu.memory_space<vmem>>, vector<16xf32>,
      %add3A_115 = arith.addf %add3A_108, %get3A_114 : vector<16xf32>
      %mul3A_116 = arith.constant 16 : i32
      %mul3A_117 = arith.muli %scan3A_26, %mul3A_116 : i32
      %get3A_118 = arith.constant 13 : i32
      %get3A_119 = arith.index_cast %get3A_118 : i32 to index
      %get3A_120 = arith.index_cast %mul3A_117 : i32 to index
      %get3A_121 = tpu.vector_load %arg6[%get3A_119, %get3A_120] {strides = array<i32>} : memref<16x640xf32, #tpu.memory_space<vmem>>, vector<16xf32>,
      %add3A_122 = arith.addf %add3A_115, %get3A_121 : vector<16xf32>
      %mul3A_123 = arith.constant 16 : i32
      %mul3A_124 = arith.muli %scan3A_26, %mul3A_123 : i32
      %get3A_125 = arith.constant 14 : i32
      %get3A_126 = arith.index_cast %get3A_125 : i32 to index
      %get3A_127 = arith.index_cast %mul3A_124 : i32 to index
      %get3A_128 = tpu.vector_load %arg6[%get3A_126, %get3A_127] {strides = array<i32>} : memref<16x640xf32, #tpu.memory_space<vmem>>, vector<16xf32>,
      %add3A_129 = arith.addf %add3A_122, %get3A_128 : vector<16xf32>
      %mul3A_130 = arith.constant 16 : i32
      %mul3A_131 = arith.muli %scan3A_26, %mul3A_130 : i32
      %get3A_132 = arith.constant 15 : i32
      %get3A_133 = arith.index_cast %get3A_132 : i32 to index
      %get3A_134 = arith.index_cast %mul3A_131 : i32 to index
      %get3A_135 = tpu.vector_load %arg6[%get3A_133, %get3A_134] {strides = array<i32>} : memref<16x640xf32, #tpu.memory_space<vmem>>, vector<16xf32>,
      %add3A_136 = arith.addf %add3A_129, %get3A_135 : vector<16xf32>
      %mul3A_137 = arith.constant 16 : i32
      %mul3A_138 = arith.muli %scan3A_26, %mul3A_137 : i32
      %swap3A = arith.index_cast %mul3A_138 : i32 to index
      %swap3A_139 = tpu.vector_load %arg5[%swap3A] {strides = array<i32>} : memref<10240xf32, #tpu.memory_space<vmem>>, vector<16xf32>,
      tpu.vector_store %arg5[%swap3A], %add3A_136 {strides = array<i32>} : memref<10240xf32, #tpu.memory_space<vmem>>, vector<16xf32>,
    }
    %scan3A_23 = arith.constant 40 : i32
    %mul3A_24 = arith.constant 640 : i32
    %mul3A_25 = arith.muli %arg1, %mul3A_24 : i32
    "tpu.region"() ({
      %run_scoped3A_26 = tpu.sem_alloc : memref<!tpu.dma_semaphore, #tpu.memory_space<semaphore_mem>>
      %dma_start3A = arith.constant 0 : i32
      %dma_start3A_27 = tpu.memref_slice %arg5[%dma_start3A] : memref<10240xf32, #tpu.memory_space<vmem>> -> memref<640xf32, #tpu.memory_space<vmem>>
      %dma_start3A_28 = arith.constant 0 : i32
      %dma_start3A_29 = tpu.memref_slice %arg3[%arg0, %dma_start3A_28] : memref<2x10240xf32, #tpu.memory_space<hbm>> -> memref<1x10240xf32, #tpu.memory_space<hbm>>
      %dma_start3A_30 = tpu.memref_squeeze %dma_start3A_29 : memref<1x10240xf32, #tpu.memory_space<hbm>> -> memref<10240xf32, #tpu.memory_space<hbm>>
      %dma_start3A_31 = tpu.memref_slice %dma_start3A_30[%mul3A_25] : memref<10240xf32, #tpu.memory_space<hbm>> -> memref<640xf32, #tpu.memory_space<hbm>>
      %dma_start3A_32 = arith.constant 0 : i32
      %dma_start3A_33 = tpu.memref_slice %arg3[%arg0, %dma_start3A_32] : memref<2x10240xf32, #tpu.memory_space<hbm>> -> memref<1x10240xf32, #tpu.memory_space<hbm>>
      %dma_start3A_34 = tpu.memref_squeeze %dma_start3A_33 : memref<1x10240xf32, #tpu.memory_space<hbm>> -> memref<10240xf32, #tpu.memory_space<hbm>>
      %dma_start3A_35 = tpu.memref_slice %dma_start3A_34[%mul3A_25] : memref<10240xf32, #tpu.memory_space<hbm>> -> memref<640xf32, #tpu.memory_space<hbm>>
      %dma_start3A_36 = arith.constant 0 : i32
      %dma_start3A_37 = tpu.memref_slice %arg5[%dma_start3A_36] : memref<10240xf32, #tpu.memory_space<vmem>> -> memref<640xf32, #tpu.memory_space<vmem>>
      tpu.enqueue_dma source(%dma_start3A_37 : memref<640xf32, #tpu.memory_space<vmem>>) target(%dma_start3A_35 : memref<640xf32, #tpu.memory_space<hbm>>) target_semaphore(%run_scoped3A_26 : memref<!tpu.dma_semaphore, #tpu.memory_space<semaphore_mem>>)
      %dma_wait3A = arith.constant 0 : i32
      %dma_wait3A_38 = tpu.memref_slice %arg5[%dma_wait3A] : memref<10240xf32, #tpu.memory_space<vmem>> -> memref<640xf32, #tpu.memory_space<vmem>>
      %dma_wait3A_39 = arith.constant 0 : i32
      %dma_wait3A_40 = tpu.memref_slice %arg3[%arg0, %dma_wait3A_39] : memref<2x10240xf32, #tpu.memory_space<hbm>> -> memref<1x10240xf32, #tpu.memory_space<hbm>>
      %dma_wait3A_41 = tpu.memref_squeeze %dma_wait3A_40 : memref<1x10240xf32, #tpu.memory_space<hbm>> -> memref<10240xf32, #tpu.memory_space<hbm>>
      %dma_wait3A_42 = tpu.memref_slice %dma_wait3A_41[%mul3A_25] : memref<10240xf32, #tpu.memory_space<hbm>> -> memref<640xf32, #tpu.memory_space<hbm>>
      %dma_wait3A_43 = arith.constant 0 : i32
      %dma_wait3A_44 = tpu.memref_slice %arg3[%arg0, %dma_wait3A_43] : memref<2x10240xf32, #tpu.memory_space<hbm>> -> memref<1x10240xf32, #tpu.memory_space<hbm>>
      %dma_wait3A_45 = tpu.memref_squeeze %dma_wait3A_44 : memref<1x10240xf32, #tpu.memory_space<hbm>> -> memref<10240xf32, #tpu.memory_space<hbm>>
      %dma_wait3A_46 = tpu.memref_slice %dma_wait3A_45[%mul3A_25] : memref<10240xf32, #tpu.memory_space<hbm>> -> memref<640xf32, #tpu.memory_space<hbm>>
      %dma_wait3A_47 = arith.constant 0 : i32
      %dma_wait3A_48 = tpu.memref_slice %arg5[%dma_wait3A_47] : memref<10240xf32, #tpu.memory_space<vmem>> -> memref<640xf32, #tpu.memory_space<vmem>>
      tpu.wait_dma2 semaphore(%run_scoped3A_26 : memref<!tpu.dma_semaphore, #tpu.memory_space<semaphore_mem>>) src(%dma_wait3A_48 : memref<640xf32, #tpu.memory_space<vmem>>) dst(%dma_wait3A_46 : memref<640xf32, #tpu.memory_space<hbm>>)
      tpu.yield
    }) : () -> ()
    return
  }
}

module attributes {stable_mosaic.version = 14 : i64} {
  func.func @_prep_kernel(%arg0: i32, %arg1: memref<1x1x65536xi32, #tpu.memory_space<vmem>>, %arg2: memref<1x1x65536xi32, #tpu.memory_space<vmem>>, %arg3: memref<512x128xi32, #tpu.memory_space<vmem>>, %arg4: memref<512x128xi32, #tpu.memory_space<vmem>>) attributes {dimension_semantics = [#tpu.dimension_semantics<arbitrary>], iteration_bounds = array<i64: 5>, scalar_prefetch = 0 : i64, scratch_operands = 0 : i64, tpu.core_type = #tpu.core_type<tc>, window_params = [{transform_indices = @transform_0, window_bounds = array<i64: 1, 1, 65536>}, {transform_indices = @transform_1, window_bounds = array<i64: 1, 1, 65536>}, {transform_indices = @transform_2, window_bounds = array<i64: 512, 128>}, {transform_indices = @transform_3, window_bounds = array<i64: 512, 128>}]} {
    %mul3A = arith.constant 65536 : i32
    %mul3A_0 = arith.muli %arg0, %mul3A : i32
    %iota3A = tpu.iota {dimensions = array<i32: 0>} : vector<512x128xi32>
    %mul3A_1 = arith.constant 128 : i32
    %mul3A_2 = vector.broadcast %mul3A_1 : i32 to vector<512x128xi32>
    %mul3A_3 = arith.muli %iota3A, %mul3A_2 : vector<512x128xi32>
    %add3A = vector.broadcast %mul3A_0 : i32 to vector<512x128xi32>
    %add3A_4 = arith.addi %add3A, %mul3A_3 : vector<512x128xi32>
    %iota3A_5 = tpu.iota {dimensions = array<i32: 1>} : vector<512x128xi32>
    %add3A_6 = arith.addi %add3A_4, %iota3A_5 : vector<512x128xi32>
    %lt3A = arith.constant 320000 : i32
    %lt3A_7 = vector.broadcast %lt3A : i32 to vector<512x128xi32>
    %lt3A_8 = arith.cmpi slt, %add3A_6, %lt3A_7 : vector<512x128xi32>
    %get3A = arith.constant 0 : index
    %get3A_9 = arith.constant 0 : index
    %get3A_10 = arith.constant 0 : index
    %get3A_11 = vector.load %arg1[%get3A, %get3A_9, %get3A_10] : memref<1x1x65536xi32, #tpu.memory_space<vmem>>, vector<1x1x65536xi32>
    %get3A_12 = vector.shape_cast %get3A_11 : vector<1x1x65536xi32> to vector<65536xi32>
    %reshape3A = vector.shape_cast %get3A_12 : vector<65536xi32> to vector<512x128xi32>
    %jit3A = arith.constant 10000 : i32
    %broadcast_in_dim3A = vector.broadcast %jit3A : i32 to vector<512x128xi32>
    %select_n3A = arith.select %lt3A_8, %reshape3A, %broadcast_in_dim3A : vector<512x128xi1>, vector<512x128xi32>
    %swap3A = arith.constant 0 : index
    %swap3A_13 = arith.constant 0 : index
    %swap3A_14 = vector.load %arg3[%swap3A, %swap3A_13] : memref<512x128xi32, #tpu.memory_space<vmem>>, vector<512x128xi32>
    tpu.vector_store %arg3[%swap3A, %swap3A_13], %select_n3A {strides = array<i32>} : memref<512x128xi32, #tpu.memory_space<vmem>>, vector<512x128xi32>,
    %get3A_15 = arith.constant 0 : index
    %get3A_16 = arith.constant 0 : index
    %get3A_17 = arith.constant 0 : index
    %get3A_18 = vector.load %arg2[%get3A_15, %get3A_16, %get3A_17] : memref<1x1x65536xi32, #tpu.memory_space<vmem>>, vector<1x1x65536xi32>
    %get3A_19 = vector.shape_cast %get3A_18 : vector<1x1x65536xi32> to vector<65536xi32>
    %reshape3A_20 = vector.shape_cast %get3A_19 : vector<65536xi32> to vector<512x128xi32>
    %jit3A_21 = arith.constant 10000 : i32
    %broadcast_in_dim3A_22 = vector.broadcast %jit3A_21 : i32 to vector<512x128xi32>
    %select_n3A_23 = arith.select %lt3A_8, %reshape3A_20, %broadcast_in_dim3A_22 : vector<512x128xi1>, vector<512x128xi32>
    %swap3A_24 = arith.constant 0 : index
    %swap3A_25 = arith.constant 0 : index
    %swap3A_26 = vector.load %arg4[%swap3A_24, %swap3A_25] : memref<512x128xi32, #tpu.memory_space<vmem>>, vector<512x128xi32>
    tpu.vector_store %arg4[%swap3A_24, %swap3A_25], %select_n3A_23 {strides = array<i32>} : memref<512x128xi32, #tpu.memory_space<vmem>>, vector<512x128xi32>,
    return
  }
  func.func @transform_0(%arg0: i32) -> (i32, i32, i32) {
    %c0_i32 = arith.constant 0 : i32
    %c0_i32_0 = arith.constant 0 : i32
    %c0_i32_1 = arith.constant 0 : i32
    return %c0_i32, %c0_i32_0, %arg0 : i32, i32, i32
  }
  func.func @transform_1(%arg0: i32) -> (i32, i32, i32) {
    %c1_i32 = arith.constant 1 : i32
    %c0_i32 = arith.constant 0 : i32
    %c0_i32_0 = arith.constant 0 : i32
    return %c1_i32, %c0_i32, %arg0 : i32, i32, i32
  }
  func.func @transform_2(%arg0: i32) -> (i32, i32) {
    %c0_i32 = arith.constant 0 : i32
    %c0_i32_0 = arith.constant 0 : i32
    return %arg0, %c0_i32 : i32, i32
  }
  func.func @transform_3(%arg0: i32) -> (i32, i32) {
    %c0_i32 = arith.constant 0 : i32
    %c0_i32_0 = arith.constant 0 : i32
    return %arg0, %c0_i32 : i32, i32
  }
}

module attributes {stable_mosaic.version = 14 : i64} {
  func.func @_dense_kernel(%arg0: i32, %arg1: memref<12x512x32xf32, #tpu.memory_space<vmem>>, %arg2: memref<2x512xf32, #tpu.memory_space<vmem>>, %arg3: memref<32x64xf32, #tpu.memory_space<vmem>>, %arg4: memref<32x64xf32, #tpu.memory_space<vmem>>, %arg5: memref<32x32xf32, #tpu.memory_space<vmem>>, %arg6: memref<2x32xf32, #tpu.memory_space<vmem>>, %arg7: memref<4x512x128xf32, #tpu.memory_space<vmem>>, %arg8: memref<1x1x512xf32, #tpu.memory_space<vmem>>) attributes {dimension_semantics = [#tpu.dimension_semantics<arbitrary>], iteration_bounds = array<i64: 20>, scalar_prefetch = 0 : i64, scratch_operands = 0 : i64, tpu.core_type = #tpu.core_type<tc>, window_params = [{transform_indices = @transform_0, window_bounds = array<i64: 12, 512, 32>}, {transform_indices = @transform_1, window_bounds = array<i64: 2, 512>}, {pipeline_mode = #tpu.pipeline_mode<synchronous>, transform_indices = @transform_2, window_bounds = array<i64: 32, 64>}, {pipeline_mode = #tpu.pipeline_mode<synchronous>, transform_indices = @transform_3, window_bounds = array<i64: 32, 64>}, {pipeline_mode = #tpu.pipeline_mode<synchronous>, transform_indices = @transform_4, window_bounds = array<i64: 32, 32>}, {pipeline_mode = #tpu.pipeline_mode<synchronous>, transform_indices = @transform_5, window_bounds = array<i64: 2, 32>}, {transform_indices = @transform_6, window_bounds = array<i64: 4, 512, 128>}, {transform_indices = @transform_7, window_bounds = array<i64: 1, 1, 512>}]} {
    %get3A = arith.constant 0 : index
    %get3A_0 = arith.constant 0 : index
    %get3A_1 = vector.load %arg2[%get3A, %get3A_0] : memref<2x512xf32, #tpu.memory_space<vmem>>, vector<2x512xf32>
    %reduce_sum3A = arith.constant dense<0.000000e+00> : vector<512xf32>
    %reduce_sum3A_2 = vector.multi_reduction <add>, %get3A_1, %reduce_sum3A [0] : vector<2x512xf32> to vector<512xf32>
    %add3A = arith.constant 1.000000e+00 : f32
    %add3A_3 = vector.broadcast %add3A : f32 to vector<512xf32>
    %add3A_4 = arith.addf %reduce_sum3A_2, %add3A_3 : vector<512xf32>
    %rsqrt3A = math.rsqrt %add3A_4 : vector<512xf32>
    %swap3A = arith.constant 0 : index
    %swap3A_5 = arith.constant 0 : index
    %swap3A_6 = arith.constant 0 : index
    %swap3A_7 = vector.load %arg8[%swap3A, %swap3A_5, %swap3A_6] : memref<1x1x512xf32, #tpu.memory_space<vmem>>, vector<1x1x512xf32>
    %swap3A_8 = vector.shape_cast %swap3A_7 : vector<1x1x512xf32> to vector<512xf32>
    %swap3A_9 = vector.shape_cast %rsqrt3A : vector<512xf32> to vector<1x1x512xf32>
    tpu.vector_store %arg8[%swap3A, %swap3A_5, %swap3A_6], %swap3A_9 {strides = array<i32>} : memref<1x1x512xf32, #tpu.memory_space<vmem>>, vector<1x1x512xf32>,
    %mul3A = arith.constant 512 : i32
    %mul3A_10 = arith.muli %arg0, %mul3A : i32
    %iota3A = tpu.iota {dimensions = array<i32: 0>} : vector<512x1xi32>
    %add3A_11 = vector.broadcast %mul3A_10 : i32 to vector<512x1xi32>
    %add3A_12 = arith.addi %add3A_11, %iota3A : vector<512x1xi32>
    %lt3A = arith.constant 10000 : i32
    %lt3A_13 = vector.broadcast %lt3A : i32 to vector<512x1xi32>
    %lt3A_14 = arith.cmpi slt, %add3A_12, %lt3A_13 : vector<512x1xi32>
    %broadcast_in_dim3A = vector.shape_cast %lt3A_14 : vector<512x1xi1> to vector<1x512x1xi1>
    %get3A_15 = arith.constant 0 : index
    %get3A_16 = arith.constant 0 : index
    %get3A_17 = arith.constant 0 : index
    %get3A_18 = vector.load %arg1[%get3A_15, %get3A_16, %get3A_17] : memref<12x512x32xf32, #tpu.memory_space<vmem>>, vector<12x512x32xf32>
    %slice3A = vector.extract_strided_slice %get3A_18 {offsets = [0, 0, 0], sizes = [10, 512, 32], strides = [1, 1, 1]} : vector<12x512x32xf32> to vector<10x512x32xf32>
    %reshape3A = vector.shape_cast %slice3A : vector<10x512x32xf32> to vector<5120x32xf32>
    %slice3A_19 = vector.extract_strided_slice %get3A_18 {offsets = [2, 0, 0], sizes = [10, 512, 32], strides = [1, 1, 1]} : vector<12x512x32xf32> to vector<10x512x32xf32>
    %reshape3A_20 = vector.shape_cast %slice3A_19 : vector<10x512x32xf32> to vector<5120x32xf32>
    %get3A_21 = arith.constant 0 : index
    %get3A_22 = arith.constant 0 : index
    %get3A_23 = vector.load %arg3[%get3A_21, %get3A_22] : memref<32x64xf32, #tpu.memory_space<vmem>>, vector<32x64xf32>
    %dot_general3A = arith.constant dense<0.000000e+00> : vector<5120x64xf32>
    %dot_general3A_24 = tpu.matmul %reshape3A, %get3A_23, %dot_general3A {dimension_numbers = #tpu.dot_dimension_numbers<[1], [0], [0], [1], [0, 0, 1, 1], [], []>, transpose_lhs_hint = false} : vector<5120x32xf32>, vector<32x64xf32>, vector<5120x64xf32> -> vector<5120x64xf32>
    %get3A_25 = arith.constant 0 : index
    %get3A_26 = arith.constant 0 : index
    %get3A_27 = vector.load %arg4[%get3A_25, %get3A_26] : memref<32x64xf32, #tpu.memory_space<vmem>>, vector<32x64xf32>
    %dot_general3A_28 = arith.constant dense<0.000000e+00> : vector<5120x64xf32>
    %dot_general3A_29 = tpu.matmul %reshape3A_20, %get3A_27, %dot_general3A_28 {dimension_numbers = #tpu.dot_dimension_numbers<[1], [0], [0], [1], [0, 0, 1, 1], [], []>, transpose_lhs_hint = false} : vector<5120x32xf32>, vector<32x64xf32>, vector<5120x64xf32> -> vector<5120x64xf32>
    %add3A_30 = arith.addf %dot_general3A_24, %dot_general3A_29 : vector<5120x64xf32>
    %slice3A_31 = vector.extract_strided_slice %add3A_30 {offsets = [0, 0], sizes = [5120, 32], strides = [1, 1]} : vector<5120x64xf32> to vector<5120x32xf32>
    %get3A_32 = arith.constant 0 : index
    %get3A_33 = arith.constant 0 : index
    %get3A_34 = vector.load %arg6[%get3A_32, %get3A_33] : memref<2x32xf32, #tpu.memory_space<vmem>>, vector<1x32xf32>
    %add3A_35 = vector.broadcast %get3A_34 : vector<1x32xf32> to vector<5120x32xf32>
    %add3A_36 = arith.addf %slice3A_31, %add3A_35 : vector<5120x32xf32>
    %tanh3A = math.tanh %add3A_36 : vector<5120x32xf32>
    %slice3A_37 = vector.extract_strided_slice %add3A_30 {offsets = [0, 32], sizes = [5120, 32], strides = [1, 1]} : vector<5120x64xf32> to vector<5120x32xf32>
    %get3A_38 = arith.constant 1 : index
    %get3A_39 = arith.constant 0 : index
    %get3A_40 = vector.load %arg6[%get3A_38, %get3A_39] : memref<2x32xf32, #tpu.memory_space<vmem>>, vector<1x32xf32>
    %add3A_41 = vector.broadcast %get3A_40 : vector<1x32xf32> to vector<5120x32xf32>
    %add3A_42 = arith.addf %slice3A_37, %add3A_41 : vector<5120x32xf32>
    %logistic3A = arith.negf %add3A_42 : vector<5120x32xf32>
    %logistic3A_43 = math.exp %logistic3A : vector<5120x32xf32>
    %logistic3A_44 = arith.constant 1.000000e+00 : f32
    %logistic3A_45 = vector.broadcast %logistic3A_44 : f32 to vector<5120x32xf32>
    %logistic3A_46 = arith.addf %logistic3A_45, %logistic3A_43 : vector<5120x32xf32>
    %logistic3A_47 = arith.divf %logistic3A_45, %logistic3A_46 : vector<5120x32xf32>
    %mul3A_48 = arith.mulf %tanh3A, %logistic3A_47 : vector<5120x32xf32>
    %get3A_49 = arith.constant 0 : index
    %get3A_50 = arith.constant 0 : index
    %get3A_51 = vector.load %arg5[%get3A_49, %get3A_50] : memref<32x32xf32, #tpu.memory_space<vmem>>, vector<32x32xf32>
    %dot_general3A_52 = arith.constant dense<0.000000e+00> : vector<5120x32xf32>
    %dot_general3A_53 = tpu.matmul %mul3A_48, %get3A_51, %dot_general3A_52 {dimension_numbers = #tpu.dot_dimension_numbers<[1], [0], [0], [1], [0, 0, 1, 1], [], []>, transpose_lhs_hint = false} : vector<5120x32xf32>, vector<32x32xf32>, vector<5120x32xf32> -> vector<5120x32xf32>
    %reshape3A_54 = vector.shape_cast %dot_general3A_53 : vector<5120x32xf32> to vector<10x512x32xf32>
    %broadcast_in_dim3A_55 = vector.shape_cast %rsqrt3A : vector<512xf32> to vector<1x512x1xf32>
    %mul3A_56 = vector.broadcast %broadcast_in_dim3A_55 : vector<1x512x1xf32> to vector<10x512x32xf32>
    %mul3A_57 = arith.mulf %reshape3A_54, %mul3A_56 : vector<10x512x32xf32>
    %jit3A = arith.constant 0.000000e+00 : f32
    %broadcast_in_dim3A_58 = vector.shape_cast %broadcast_in_dim3A : vector<1x512x1xi1> to vector<1x512x1xi1>
    %broadcast_in_dim3A_59 = vector.broadcast %broadcast_in_dim3A_58 : vector<1x512x1xi1> to vector<10x512x32xi1>
    %broadcast_in_dim3A_60 = vector.broadcast %jit3A : f32 to vector<10x512x32xf32>
    %select_n3A = arith.select %broadcast_in_dim3A_59, %mul3A_57, %broadcast_in_dim3A_60 : vector<10x512x32xi1>, vector<10x512x32xf32>
    %slice3A_61 = vector.extract_strided_slice %select_n3A {offsets = [0, 0, 0], sizes = [1, 512, 32], strides = [1, 1, 1]} : vector<10x512x32xf32> to vector<1x512x32xf32>
    %squeeze3A = vector.shape_cast %slice3A_61 : vector<1x512x32xf32> to vector<512x32xf32>
    %swap3A_62 = arith.constant 0 : index
    %swap3A_63 = arith.constant 0 : index
    %swap3A_64 = arith.constant 0 : index
    %swap3A_65 = vector.load %arg7[%swap3A_62, %swap3A_63, %swap3A_64] : memref<4x512x128xf32, #tpu.memory_space<vmem>>, vector<1x512x32xf32>
    %swap3A_66 = vector.shape_cast %swap3A_65 : vector<1x512x32xf32> to vector<512x32xf32>
    %swap3A_67 = vector.shape_cast %squeeze3A : vector<512x32xf32> to vector<1x512x32xf32>
    tpu.vector_store %arg7[%swap3A_62, %swap3A_63, %swap3A_64], %swap3A_67 {strides = array<i32>} : memref<4x512x128xf32, #tpu.memory_space<vmem>>, vector<1x512x32xf32>,
    %slice3A_68 = vector.extract_strided_slice %select_n3A {offsets = [1, 0, 0], sizes = [1, 512, 32], strides = [1, 1, 1]} : vector<10x512x32xf32> to vector<1x512x32xf32>
    %squeeze3A_69 = vector.shape_cast %slice3A_68 : vector<1x512x32xf32> to vector<512x32xf32>
    %swap3A_70 = arith.constant 0 : index
    %swap3A_71 = arith.constant 0 : index
    %swap3A_72 = arith.constant 32 : index
    %swap3A_73 = vector.load %arg7[%swap3A_70, %swap3A_71, %swap3A_72] : memref<4x512x128xf32, #tpu.memory_space<vmem>>, vector<1x512x32xf32>
    %swap3A_74 = vector.shape_cast %swap3A_73 : vector<1x512x32xf32> to vector<512x32xf32>
    %swap3A_75 = vector.shape_cast %squeeze3A_69 : vector<512x32xf32> to vector<1x512x32xf32>
    tpu.vector_store %arg7[%swap3A_70, %swap3A_71, %swap3A_72], %swap3A_75 {strides = array<i32>} : memref<4x512x128xf32, #tpu.memory_space<vmem>>, vector<1x512x32xf32>,
    %slice3A_76 = vector.extract_strided_slice %select_n3A {offsets = [2, 0, 0], sizes = [1, 512, 16], strides = [1, 1, 1]} : vector<10x512x32xf32> to vector<1x512x16xf32>
    %squeeze3A_77 = vector.shape_cast %slice3A_76 : vector<1x512x16xf32> to vector<512x16xf32>
    %swap3A_78 = arith.constant 0 : index
    %swap3A_79 = arith.constant 0 : index
    %swap3A_80 = arith.constant 64 : index
    %swap3A_81 = vector.load %arg7[%swap3A_78, %swap3A_79, %swap3A_80] : memref<4x512x128xf32, #tpu.memory_space<vmem>>, vector<1x512x16xf32>
    %swap3A_82 = vector.shape_cast %swap3A_81 : vector<1x512x16xf32> to vector<512x16xf32>
    %swap3A_83 = vector.shape_cast %squeeze3A_77 : vector<512x16xf32> to vector<1x512x16xf32>
    tpu.vector_store %arg7[%swap3A_78, %swap3A_79, %swap3A_80], %swap3A_83 {strides = array<i32>} : memref<4x512x128xf32, #tpu.memory_space<vmem>>, vector<1x512x16xf32>,
    %slice3A_84 = vector.extract_strided_slice %select_n3A {offsets = [2, 0, 16], sizes = [1, 512, 16], strides = [1, 1, 1]} : vector<10x512x32xf32> to vector<1x512x16xf32>
    %squeeze3A_85 = vector.shape_cast %slice3A_84 : vector<1x512x16xf32> to vector<512x16xf32>
    %swap3A_86 = arith.constant 1 : index
    %swap3A_87 = arith.constant 0 : index
    %swap3A_88 = arith.constant 0 : index
    %swap3A_89 = vector.load %arg7[%swap3A_86, %swap3A_87, %swap3A_88] : memref<4x512x128xf32, #tpu.memory_space<vmem>>, vector<1x512x16xf32>
    %swap3A_90 = vector.shape_cast %swap3A_89 : vector<1x512x16xf32> to vector<512x16xf32>
    %swap3A_91 = vector.shape_cast %squeeze3A_85 : vector<512x16xf32> to vector<1x512x16xf32>
    tpu.vector_store %arg7[%swap3A_86, %swap3A_87, %swap3A_88], %swap3A_91 {strides = array<i32>} : memref<4x512x128xf32, #tpu.memory_space<vmem>>, vector<1x512x16xf32>,
    %slice3A_92 = vector.extract_strided_slice %select_n3A {offsets = [3, 0, 0], sizes = [1, 512, 32], strides = [1, 1, 1]} : vector<10x512x32xf32> to vector<1x512x32xf32>
    %squeeze3A_93 = vector.shape_cast %slice3A_92 : vector<1x512x32xf32> to vector<512x32xf32>
    %swap3A_94 = arith.constant 1 : index
    %swap3A_95 = arith.constant 0 : index
    %swap3A_96 = arith.constant 16 : index
    %swap3A_97 = vector.load %arg7[%swap3A_94, %swap3A_95, %swap3A_96] : memref<4x512x128xf32, #tpu.memory_space<vmem>>, vector<1x512x32xf32>
    %swap3A_98 = vector.shape_cast %swap3A_97 : vector<1x512x32xf32> to vector<512x32xf32>
    %swap3A_99 = vector.shape_cast %squeeze3A_93 : vector<512x32xf32> to vector<1x512x32xf32>
    tpu.vector_store %arg7[%swap3A_94, %swap3A_95, %swap3A_96], %swap3A_99 {strides = array<i32>} : memref<4x512x128xf32, #tpu.memory_space<vmem>>, vector<1x512x32xf32>,
    %slice3A_100 = vector.extract_strided_slice %select_n3A {offsets = [4, 0, 0], sizes = [1, 512, 32], strides = [1, 1, 1]} : vector<10x512x32xf32> to vector<1x512x32xf32>
    %squeeze3A_101 = vector.shape_cast %slice3A_100 : vector<1x512x32xf32> to vector<512x32xf32>
    %swap3A_102 = arith.constant 1 : index
    %swap3A_103 = arith.constant 0 : index
    %swap3A_104 = arith.constant 48 : index
    %swap3A_105 = vector.load %arg7[%swap3A_102, %swap3A_103, %swap3A_104] : memref<4x512x128xf32, #tpu.memory_space<vmem>>, vector<1x512x32xf32>
    %swap3A_106 = vector.shape_cast %swap3A_105 : vector<1x512x32xf32> to vector<512x32xf32>
    %swap3A_107 = vector.shape_cast %squeeze3A_101 : vector<512x32xf32> to vector<1x512x32xf32>
    tpu.vector_store %arg7[%swap3A_102, %swap3A_103, %swap3A_104], %swap3A_107 {strides = array<i32>} : memref<4x512x128xf32, #tpu.memory_space<vmem>>, vector<1x512x32xf32>,
    %slice3A_108 = vector.extract_strided_slice %select_n3A {offsets = [5, 0, 0], sizes = [1, 512, 32], strides = [1, 1, 1]} : vector<10x512x32xf32> to vector<1x512x32xf32>
    %squeeze3A_109 = vector.shape_cast %slice3A_108 : vector<1x512x32xf32> to vector<512x32xf32>
    %swap3A_110 = arith.constant 2 : index
    %swap3A_111 = arith.constant 0 : index
    %swap3A_112 = arith.constant 0 : index
    %swap3A_113 = vector.load %arg7[%swap3A_110, %swap3A_111, %swap3A_112] : memref<4x512x128xf32, #tpu.memory_space<vmem>>, vector<1x512x32xf32>
    %swap3A_114 = vector.shape_cast %swap3A_113 : vector<1x512x32xf32> to vector<512x32xf32>
    %swap3A_115 = vector.shape_cast %squeeze3A_109 : vector<512x32xf32> to vector<1x512x32xf32>
    tpu.vector_store %arg7[%swap3A_110, %swap3A_111, %swap3A_112], %swap3A_115 {strides = array<i32>} : memref<4x512x128xf32, #tpu.memory_space<vmem>>, vector<1x512x32xf32>,
    %slice3A_116 = vector.extract_strided_slice %select_n3A {offsets = [6, 0, 0], sizes = [1, 512, 32], strides = [1, 1, 1]} : vector<10x512x32xf32> to vector<1x512x32xf32>
    %squeeze3A_117 = vector.shape_cast %slice3A_116 : vector<1x512x32xf32> to vector<512x32xf32>
    %swap3A_118 = arith.constant 2 : index
    %swap3A_119 = arith.constant 0 : index
    %swap3A_120 = arith.constant 32 : index
    %swap3A_121 = vector.load %arg7[%swap3A_118, %swap3A_119, %swap3A_120] : memref<4x512x128xf32, #tpu.memory_space<vmem>>, vector<1x512x32xf32>
    %swap3A_122 = vector.shape_cast %swap3A_121 : vector<1x512x32xf32> to vector<512x32xf32>
    %swap3A_123 = vector.shape_cast %squeeze3A_117 : vector<512x32xf32> to vector<1x512x32xf32>
    tpu.vector_store %arg7[%swap3A_118, %swap3A_119, %swap3A_120], %swap3A_123 {strides = array<i32>} : memref<4x512x128xf32, #tpu.memory_space<vmem>>, vector<1x512x32xf32>,
    %slice3A_124 = vector.extract_strided_slice %select_n3A {offsets = [7, 0, 0], sizes = [1, 512, 16], strides = [1, 1, 1]} : vector<10x512x32xf32> to vector<1x512x16xf32>
    %squeeze3A_125 = vector.shape_cast %slice3A_124 : vector<1x512x16xf32> to vector<512x16xf32>
    %swap3A_126 = arith.constant 2 : index
    %swap3A_127 = arith.constant 0 : index
    %swap3A_128 = arith.constant 64 : index
    %swap3A_129 = vector.load %arg7[%swap3A_126, %swap3A_127, %swap3A_128] : memref<4x512x128xf32, #tpu.memory_space<vmem>>, vector<1x512x16xf32>
    %swap3A_130 = vector.shape_cast %swap3A_129 : vector<1x512x16xf32> to vector<512x16xf32>
    %swap3A_131 = vector.shape_cast %squeeze3A_125 : vector<512x16xf32> to vector<1x512x16xf32>
    tpu.vector_store %arg7[%swap3A_126, %swap3A_127, %swap3A_128], %swap3A_131 {strides = array<i32>} : memref<4x512x128xf32, #tpu.memory_space<vmem>>, vector<1x512x16xf32>,
    %slice3A_132 = vector.extract_strided_slice %select_n3A {offsets = [7, 0, 16], sizes = [1, 512, 16], strides = [1, 1, 1]} : vector<10x512x32xf32> to vector<1x512x16xf32>
    %squeeze3A_133 = vector.shape_cast %slice3A_132 : vector<1x512x16xf32> to vector<512x16xf32>
    %swap3A_134 = arith.constant 3 : index
    %swap3A_135 = arith.constant 0 : index
    %swap3A_136 = arith.constant 0 : index
    %swap3A_137 = vector.load %arg7[%swap3A_134, %swap3A_135, %swap3A_136] : memref<4x512x128xf32, #tpu.memory_space<vmem>>, vector<1x512x16xf32>
    %swap3A_138 = vector.shape_cast %swap3A_137 : vector<1x512x16xf32> to vector<512x16xf32>
    %swap3A_139 = vector.shape_cast %squeeze3A_133 : vector<512x16xf32> to vector<1x512x16xf32>
    tpu.vector_store %arg7[%swap3A_134, %swap3A_135, %swap3A_136], %swap3A_139 {strides = array<i32>} : memref<4x512x128xf32, #tpu.memory_space<vmem>>, vector<1x512x16xf32>,
    %slice3A_140 = vector.extract_strided_slice %select_n3A {offsets = [8, 0, 0], sizes = [1, 512, 32], strides = [1, 1, 1]} : vector<10x512x32xf32> to vector<1x512x32xf32>
    %squeeze3A_141 = vector.shape_cast %slice3A_140 : vector<1x512x32xf32> to vector<512x32xf32>
    %swap3A_142 = arith.constant 3 : index
    %swap3A_143 = arith.constant 0 : index
    %swap3A_144 = arith.constant 16 : index
    %swap3A_145 = vector.load %arg7[%swap3A_142, %swap3A_143, %swap3A_144] : memref<4x512x128xf32, #tpu.memory_space<vmem>>, vector<1x512x32xf32>
    %swap3A_146 = vector.shape_cast %swap3A_145 : vector<1x512x32xf32> to vector<512x32xf32>
    %swap3A_147 = vector.shape_cast %squeeze3A_141 : vector<512x32xf32> to vector<1x512x32xf32>
    tpu.vector_store %arg7[%swap3A_142, %swap3A_143, %swap3A_144], %swap3A_147 {strides = array<i32>} : memref<4x512x128xf32, #tpu.memory_space<vmem>>, vector<1x512x32xf32>,
    %slice3A_148 = vector.extract_strided_slice %select_n3A {offsets = [9, 0, 0], sizes = [1, 512, 32], strides = [1, 1, 1]} : vector<10x512x32xf32> to vector<1x512x32xf32>
    %squeeze3A_149 = vector.shape_cast %slice3A_148 : vector<1x512x32xf32> to vector<512x32xf32>
    %swap3A_150 = arith.constant 3 : index
    %swap3A_151 = arith.constant 0 : index
    %swap3A_152 = arith.constant 48 : index
    %swap3A_153 = vector.load %arg7[%swap3A_150, %swap3A_151, %swap3A_152] : memref<4x512x128xf32, #tpu.memory_space<vmem>>, vector<1x512x32xf32>
    %swap3A_154 = vector.shape_cast %swap3A_153 : vector<1x512x32xf32> to vector<512x32xf32>
    %swap3A_155 = vector.shape_cast %squeeze3A_149 : vector<512x32xf32> to vector<1x512x32xf32>
    tpu.vector_store %arg7[%swap3A_150, %swap3A_151, %swap3A_152], %swap3A_155 {strides = array<i32>} : memref<4x512x128xf32, #tpu.memory_space<vmem>>, vector<1x512x32xf32>,
    return
  }
  func.func @transform_0(%arg0: i32) -> (i32, i32, i32) {
    %c0_i32 = arith.constant 0 : i32
    %c0_i32_0 = arith.constant 0 : i32
    %c0_i32_1 = arith.constant 0 : i32
    return %c0_i32, %arg0, %c0_i32_0 : i32, i32, i32
  }
  func.func @transform_1(%arg0: i32) -> (i32, i32) {
    %c0_i32 = arith.constant 0 : i32
    %c0_i32_0 = arith.constant 0 : i32
    return %c0_i32, %arg0 : i32, i32
  }
  func.func @transform_2(%arg0: i32) -> (i32, i32) {
    %c0_i32 = arith.constant 0 : i32
    %c0_i32_0 = arith.constant 0 : i32
    %c0_i32_1 = arith.constant 0 : i32
    return %c0_i32, %c0_i32_0 : i32, i32
  }
  func.func @transform_3(%arg0: i32) -> (i32, i32) {
    %c0_i32 = arith.constant 0 : i32
    %c0_i32_0 = arith.constant 0 : i32
    %c0_i32_1 = arith.constant 0 : i32
    return %c0_i32, %c0_i32_0 : i32, i32
  }
  func.func @transform_4(%arg0: i32) -> (i32, i32) {
    %c0_i32 = arith.constant 0 : i32
    %c0_i32_0 = arith.constant 0 : i32
    %c0_i32_1 = arith.constant 0 : i32
    return %c0_i32, %c0_i32_0 : i32, i32
  }
  func.func @transform_5(%arg0: i32) -> (i32, i32) {
    %c0_i32 = arith.constant 0 : i32
    %c0_i32_0 = arith.constant 0 : i32
    %c0_i32_1 = arith.constant 0 : i32
    return %c0_i32, %c0_i32_0 : i32, i32
  }
  func.func @transform_6(%arg0: i32) -> (i32, i32, i32) {
    %c0_i32 = arith.constant 0 : i32
    %c0_i32_0 = arith.constant 0 : i32
    %c0_i32_1 = arith.constant 0 : i32
    return %c0_i32, %arg0, %c0_i32_0 : i32, i32, i32
  }
  func.func @transform_7(%arg0: i32) -> (i32, i32, i32) {
    %c0_i32 = arith.constant 0 : i32
    %c0_i32_0 = arith.constant 0 : i32
    %c0_i32_1 = arith.constant 0 : i32
    return %arg0, %c0_i32, %c0_i32_0 : i32, i32, i32
  }
}

module attributes {stable_mosaic.version = 14 : i64} {
  func.func @_final_kernel(%arg0: i32, %arg1: memref<4x512x128xf32, #tpu.memory_space<vmem>>, %arg2: memref<1x1x512xf32, #tpu.memory_space<vmem>>, %arg3: memref<32x32xf32, #tpu.memory_space<vmem>>, %arg4: memref<2x32xf32, #tpu.memory_space<vmem>>, %arg5: memref<10x512x32xf32, #tpu.memory_space<vmem>>) attributes {dimension_semantics = [#tpu.dimension_semantics<arbitrary>], iteration_bounds = array<i64: 20>, scalar_prefetch = 0 : i64, scratch_operands = 0 : i64, tpu.core_type = #tpu.core_type<tc>, window_params = [{transform_indices = @transform_0, window_bounds = array<i64: 4, 512, 128>}, {transform_indices = @transform_1, window_bounds = array<i64: 1, 1, 512>}, {pipeline_mode = #tpu.pipeline_mode<synchronous>, transform_indices = @transform_2, window_bounds = array<i64: 32, 32>}, {pipeline_mode = #tpu.pipeline_mode<synchronous>, transform_indices = @transform_3, window_bounds = array<i64: 2, 32>}, {transform_indices = @transform_4, window_bounds = array<i64: 10, 512, 32>}]} {
    %get3A = arith.constant 0 : index
    %get3A_0 = arith.constant 0 : index
    %get3A_1 = arith.constant 0 : index
    %get3A_2 = vector.load %arg2[%get3A, %get3A_0, %get3A_1] : memref<1x1x512xf32, #tpu.memory_space<vmem>>, vector<1x1x512xf32>
    %get3A_3 = vector.shape_cast %get3A_2 : vector<1x1x512xf32> to vector<512xf32>
    %broadcast_in_dim3A = vector.shape_cast %get3A_3 : vector<512xf32> to vector<512x1xf32>
    %get3A_4 = arith.constant 0 : index
    %get3A_5 = arith.constant 0 : index
    %get3A_6 = vector.load %arg4[%get3A_4, %get3A_5] : memref<2x32xf32, #tpu.memory_space<vmem>>, vector<1x32xf32>
    %get3A_7 = arith.constant 1 : index
    %get3A_8 = arith.constant 0 : index
    %get3A_9 = vector.load %arg4[%get3A_7, %get3A_8] : memref<2x32xf32, #tpu.memory_space<vmem>>, vector<1x32xf32>
    %get3A_10 = arith.constant 0 : index
    %get3A_11 = arith.constant 0 : index
    %get3A_12 = arith.constant 0 : index
    %get3A_13 = vector.load %arg1[%get3A_10, %get3A_11, %get3A_12] : memref<4x512x128xf32, #tpu.memory_space<vmem>>, vector<1x512x32xf32>
    %get3A_14 = vector.shape_cast %get3A_13 : vector<1x512x32xf32> to vector<512x32xf32>
    %mul3A = vector.broadcast %broadcast_in_dim3A : vector<512x1xf32> to vector<512x32xf32>
    %mul3A_15 = arith.mulf %get3A_14, %mul3A : vector<512x32xf32>
    %add3A = vector.broadcast %get3A_6 : vector<1x32xf32> to vector<512x32xf32>
    %add3A_16 = arith.addf %mul3A_15, %add3A : vector<512x32xf32>
    %get3A_17 = arith.constant 0 : index
    %get3A_18 = arith.constant 0 : index
    %get3A_19 = vector.load %arg3[%get3A_17, %get3A_18] : memref<32x32xf32, #tpu.memory_space<vmem>>, vector<32x32xf32>
    %dot_general3A = arith.constant dense<0.000000e+00> : vector<512x32xf32>
    %dot_general3A_20 = tpu.matmul %add3A_16, %get3A_19, %dot_general3A {dimension_numbers = #tpu.dot_dimension_numbers<[1], [0], [0], [1], [0, 0, 1, 1], [], []>, transpose_lhs_hint = false} : vector<512x32xf32>, vector<32x32xf32>, vector<512x32xf32> -> vector<512x32xf32>
    %add3A_21 = vector.broadcast %get3A_9 : vector<1x32xf32> to vector<512x32xf32>
    %add3A_22 = arith.addf %dot_general3A_20, %add3A_21 : vector<512x32xf32>
    %swap3A = arith.constant 0 : index
    %swap3A_23 = arith.constant 0 : index
    %swap3A_24 = arith.constant 0 : index
    %swap3A_25 = vector.load %arg5[%swap3A, %swap3A_23, %swap3A_24] : memref<10x512x32xf32, #tpu.memory_space<vmem>>, vector<1x512x32xf32>
    %swap3A_26 = vector.shape_cast %swap3A_25 : vector<1x512x32xf32> to vector<512x32xf32>
    %swap3A_27 = vector.shape_cast %add3A_22 : vector<512x32xf32> to vector<1x512x32xf32>
    tpu.vector_store %arg5[%swap3A, %swap3A_23, %swap3A_24], %swap3A_27 {strides = array<i32>} : memref<10x512x32xf32, #tpu.memory_space<vmem>>, vector<1x512x32xf32>,
    %get3A_28 = arith.constant 0 : index
    %get3A_29 = arith.constant 0 : index
    %get3A_30 = arith.constant 32 : index
    %get3A_31 = vector.load %arg1[%get3A_28, %get3A_29, %get3A_30] : memref<4x512x128xf32, #tpu.memory_space<vmem>>, vector<1x512x32xf32>
    %get3A_32 = vector.shape_cast %get3A_31 : vector<1x512x32xf32> to vector<512x32xf32>
    %mul3A_33 = vector.broadcast %broadcast_in_dim3A : vector<512x1xf32> to vector<512x32xf32>
    %mul3A_34 = arith.mulf %get3A_32, %mul3A_33 : vector<512x32xf32>
    %add3A_35 = vector.broadcast %get3A_6 : vector<1x32xf32> to vector<512x32xf32>
    %add3A_36 = arith.addf %mul3A_34, %add3A_35 : vector<512x32xf32>
    %get3A_37 = arith.constant 0 : index
    %get3A_38 = arith.constant 0 : index
    %get3A_39 = vector.load %arg3[%get3A_37, %get3A_38] : memref<32x32xf32, #tpu.memory_space<vmem>>, vector<32x32xf32>
    %dot_general3A_40 = arith.constant dense<0.000000e+00> : vector<512x32xf32>
    %dot_general3A_41 = tpu.matmul %add3A_36, %get3A_39, %dot_general3A_40 {dimension_numbers = #tpu.dot_dimension_numbers<[1], [0], [0], [1], [0, 0, 1, 1], [], []>, transpose_lhs_hint = false} : vector<512x32xf32>, vector<32x32xf32>, vector<512x32xf32> -> vector<512x32xf32>
    %add3A_42 = vector.broadcast %get3A_9 : vector<1x32xf32> to vector<512x32xf32>
    %add3A_43 = arith.addf %dot_general3A_41, %add3A_42 : vector<512x32xf32>
    %swap3A_44 = arith.constant 1 : index
    %swap3A_45 = arith.constant 0 : index
    %swap3A_46 = arith.constant 0 : index
    %swap3A_47 = vector.load %arg5[%swap3A_44, %swap3A_45, %swap3A_46] : memref<10x512x32xf32, #tpu.memory_space<vmem>>, vector<1x512x32xf32>
    %swap3A_48 = vector.shape_cast %swap3A_47 : vector<1x512x32xf32> to vector<512x32xf32>
    %swap3A_49 = vector.shape_cast %add3A_43 : vector<512x32xf32> to vector<1x512x32xf32>
    tpu.vector_store %arg5[%swap3A_44, %swap3A_45, %swap3A_46], %swap3A_49 {strides = array<i32>} : memref<10x512x32xf32, #tpu.memory_space<vmem>>, vector<1x512x32xf32>,
    %get3A_50 = arith.constant 0 : index
    %get3A_51 = arith.constant 0 : index
    %get3A_52 = arith.constant 64 : index
    %get3A_53 = vector.load %arg1[%get3A_50, %get3A_51, %get3A_52] : memref<4x512x128xf32, #tpu.memory_space<vmem>>, vector<1x512x16xf32>
    %get3A_54 = vector.shape_cast %get3A_53 : vector<1x512x16xf32> to vector<512x16xf32>
    %get3A_55 = arith.constant 1 : index
    %get3A_56 = arith.constant 0 : index
    %get3A_57 = arith.constant 0 : index
    %get3A_58 = vector.load %arg1[%get3A_55, %get3A_56, %get3A_57] : memref<4x512x128xf32, #tpu.memory_space<vmem>>, vector<1x512x16xf32>
    %get3A_59 = vector.shape_cast %get3A_58 : vector<1x512x16xf32> to vector<512x16xf32>
    %concatenate3A = tpu.concatenate %get3A_54, %get3A_59 in 1 : vector<512x16xf32>, vector<512x16xf32> -> vector<512x32xf32>
    %mul3A_60 = vector.broadcast %broadcast_in_dim3A : vector<512x1xf32> to vector<512x32xf32>
    %mul3A_61 = arith.mulf %concatenate3A, %mul3A_60 : vector<512x32xf32>
    %add3A_62 = vector.broadcast %get3A_6 : vector<1x32xf32> to vector<512x32xf32>
    %add3A_63 = arith.addf %mul3A_61, %add3A_62 : vector<512x32xf32>
    %get3A_64 = arith.constant 0 : index
    %get3A_65 = arith.constant 0 : index
    %get3A_66 = vector.load %arg3[%get3A_64, %get3A_65] : memref<32x32xf32, #tpu.memory_space<vmem>>, vector<32x32xf32>
    %dot_general3A_67 = arith.constant dense<0.000000e+00> : vector<512x32xf32>
    %dot_general3A_68 = tpu.matmul %add3A_63, %get3A_66, %dot_general3A_67 {dimension_numbers = #tpu.dot_dimension_numbers<[1], [0], [0], [1], [0, 0, 1, 1], [], []>, transpose_lhs_hint = false} : vector<512x32xf32>, vector<32x32xf32>, vector<512x32xf32> -> vector<512x32xf32>
    %add3A_69 = vector.broadcast %get3A_9 : vector<1x32xf32> to vector<512x32xf32>
    %add3A_70 = arith.addf %dot_general3A_68, %add3A_69 : vector<512x32xf32>
    %swap3A_71 = arith.constant 2 : index
    %swap3A_72 = arith.constant 0 : index
    %swap3A_73 = arith.constant 0 : index
    %swap3A_74 = vector.load %arg5[%swap3A_71, %swap3A_72, %swap3A_73] : memref<10x512x32xf32, #tpu.memory_space<vmem>>, vector<1x512x32xf32>
    %swap3A_75 = vector.shape_cast %swap3A_74 : vector<1x512x32xf32> to vector<512x32xf32>
    %swap3A_76 = vector.shape_cast %add3A_70 : vector<512x32xf32> to vector<1x512x32xf32>
    tpu.vector_store %arg5[%swap3A_71, %swap3A_72, %swap3A_73], %swap3A_76 {strides = array<i32>} : memref<10x512x32xf32, #tpu.memory_space<vmem>>, vector<1x512x32xf32>,
    %get3A_77 = arith.constant 1 : index
    %get3A_78 = arith.constant 0 : index
    %get3A_79 = arith.constant 16 : index
    %get3A_80 = vector.load %arg1[%get3A_77, %get3A_78, %get3A_79] : memref<4x512x128xf32, #tpu.memory_space<vmem>>, vector<1x512x32xf32>
    %get3A_81 = vector.shape_cast %get3A_80 : vector<1x512x32xf32> to vector<512x32xf32>
    %mul3A_82 = vector.broadcast %broadcast_in_dim3A : vector<512x1xf32> to vector<512x32xf32>
    %mul3A_83 = arith.mulf %get3A_81, %mul3A_82 : vector<512x32xf32>
    %add3A_84 = vector.broadcast %get3A_6 : vector<1x32xf32> to vector<512x32xf32>
    %add3A_85 = arith.addf %mul3A_83, %add3A_84 : vector<512x32xf32>
    %get3A_86 = arith.constant 0 : index
    %get3A_87 = arith.constant 0 : index
    %get3A_88 = vector.load %arg3[%get3A_86, %get3A_87] : memref<32x32xf32, #tpu.memory_space<vmem>>, vector<32x32xf32>
    %dot_general3A_89 = arith.constant dense<0.000000e+00> : vector<512x32xf32>
    %dot_general3A_90 = tpu.matmul %add3A_85, %get3A_88, %dot_general3A_89 {dimension_numbers = #tpu.dot_dimension_numbers<[1], [0], [0], [1], [0, 0, 1, 1], [], []>, transpose_lhs_hint = false} : vector<512x32xf32>, vector<32x32xf32>, vector<512x32xf32> -> vector<512x32xf32>
    %add3A_91 = vector.broadcast %get3A_9 : vector<1x32xf32> to vector<512x32xf32>
    %add3A_92 = arith.addf %dot_general3A_90, %add3A_91 : vector<512x32xf32>
    %swap3A_93 = arith.constant 3 : index
    %swap3A_94 = arith.constant 0 : index
    %swap3A_95 = arith.constant 0 : index
    %swap3A_96 = vector.load %arg5[%swap3A_93, %swap3A_94, %swap3A_95] : memref<10x512x32xf32, #tpu.memory_space<vmem>>, vector<1x512x32xf32>
    %swap3A_97 = vector.shape_cast %swap3A_96 : vector<1x512x32xf32> to vector<512x32xf32>
    %swap3A_98 = vector.shape_cast %add3A_92 : vector<512x32xf32> to vector<1x512x32xf32>
    tpu.vector_store %arg5[%swap3A_93, %swap3A_94, %swap3A_95], %swap3A_98 {strides = array<i32>} : memref<10x512x32xf32, #tpu.memory_space<vmem>>, vector<1x512x32xf32>,
    %get3A_99 = arith.constant 1 : index
    %get3A_100 = arith.constant 0 : index
    %get3A_101 = arith.constant 48 : index
    %get3A_102 = vector.load %arg1[%get3A_99, %get3A_100, %get3A_101] : memref<4x512x128xf32, #tpu.memory_space<vmem>>, vector<1x512x32xf32>
    %get3A_103 = vector.shape_cast %get3A_102 : vector<1x512x32xf32> to vector<512x32xf32>
    %mul3A_104 = vector.broadcast %broadcast_in_dim3A : vector<512x1xf32> to vector<512x32xf32>
    %mul3A_105 = arith.mulf %get3A_103, %mul3A_104 : vector<512x32xf32>
    %add3A_106 = vector.broadcast %get3A_6 : vector<1x32xf32> to vector<512x32xf32>
    %add3A_107 = arith.addf %mul3A_105, %add3A_106 : vector<512x32xf32>
    %get3A_108 = arith.constant 0 : index
    %get3A_109 = arith.constant 0 : index
    %get3A_110 = vector.load %arg3[%get3A_108, %get3A_109] : memref<32x32xf32, #tpu.memory_space<vmem>>, vector<32x32xf32>
    %dot_general3A_111 = arith.constant dense<0.000000e+00> : vector<512x32xf32>
    %dot_general3A_112 = tpu.matmul %add3A_107, %get3A_110, %dot_general3A_111 {dimension_numbers = #tpu.dot_dimension_numbers<[1], [0], [0], [1], [0, 0, 1, 1], [], []>, transpose_lhs_hint = false} : vector<512x32xf32>, vector<32x32xf32>, vector<512x32xf32> -> vector<512x32xf32>
    %add3A_113 = vector.broadcast %get3A_9 : vector<1x32xf32> to vector<512x32xf32>
    %add3A_114 = arith.addf %dot_general3A_112, %add3A_113 : vector<512x32xf32>
    %swap3A_115 = arith.constant 4 : index
    %swap3A_116 = arith.constant 0 : index
    %swap3A_117 = arith.constant 0 : index
    %swap3A_118 = vector.load %arg5[%swap3A_115, %swap3A_116, %swap3A_117] : memref<10x512x32xf32, #tpu.memory_space<vmem>>, vector<1x512x32xf32>
    %swap3A_119 = vector.shape_cast %swap3A_118 : vector<1x512x32xf32> to vector<512x32xf32>
    %swap3A_120 = vector.shape_cast %add3A_114 : vector<512x32xf32> to vector<1x512x32xf32>
    tpu.vector_store %arg5[%swap3A_115, %swap3A_116, %swap3A_117], %swap3A_120 {strides = array<i32>} : memref<10x512x32xf32, #tpu.memory_space<vmem>>, vector<1x512x32xf32>,
    %get3A_121 = arith.constant 2 : index
    %get3A_122 = arith.constant 0 : index
    %get3A_123 = arith.constant 0 : index
    %get3A_124 = vector.load %arg1[%get3A_121, %get3A_122, %get3A_123] : memref<4x512x128xf32, #tpu.memory_space<vmem>>, vector<1x512x32xf32>
    %get3A_125 = vector.shape_cast %get3A_124 : vector<1x512x32xf32> to vector<512x32xf32>
    %mul3A_126 = vector.broadcast %broadcast_in_dim3A : vector<512x1xf32> to vector<512x32xf32>
    %mul3A_127 = arith.mulf %get3A_125, %mul3A_126 : vector<512x32xf32>
    %add3A_128 = vector.broadcast %get3A_6 : vector<1x32xf32> to vector<512x32xf32>
    %add3A_129 = arith.addf %mul3A_127, %add3A_128 : vector<512x32xf32>
    %get3A_130 = arith.constant 0 : index
    %get3A_131 = arith.constant 0 : index
    %get3A_132 = vector.load %arg3[%get3A_130, %get3A_131] : memref<32x32xf32, #tpu.memory_space<vmem>>, vector<32x32xf32>
    %dot_general3A_133 = arith.constant dense<0.000000e+00> : vector<512x32xf32>
    %dot_general3A_134 = tpu.matmul %add3A_129, %get3A_132, %dot_general3A_133 {dimension_numbers = #tpu.dot_dimension_numbers<[1], [0], [0], [1], [0, 0, 1, 1], [], []>, transpose_lhs_hint = false} : vector<512x32xf32>, vector<32x32xf32>, vector<512x32xf32> -> vector<512x32xf32>
    %add3A_135 = vector.broadcast %get3A_9 : vector<1x32xf32> to vector<512x32xf32>
    %add3A_136 = arith.addf %dot_general3A_134, %add3A_135 : vector<512x32xf32>
    %swap3A_137 = arith.constant 5 : index
    %swap3A_138 = arith.constant 0 : index
    %swap3A_139 = arith.constant 0 : index
    %swap3A_140 = vector.load %arg5[%swap3A_137, %swap3A_138, %swap3A_139] : memref<10x512x32xf32, #tpu.memory_space<vmem>>, vector<1x512x32xf32>
    %swap3A_141 = vector.shape_cast %swap3A_140 : vector<1x512x32xf32> to vector<512x32xf32>
    %swap3A_142 = vector.shape_cast %add3A_136 : vector<512x32xf32> to vector<1x512x32xf32>
    tpu.vector_store %arg5[%swap3A_137, %swap3A_138, %swap3A_139], %swap3A_142 {strides = array<i32>} : memref<10x512x32xf32, #tpu.memory_space<vmem>>, vector<1x512x32xf32>,
    %get3A_143 = arith.constant 2 : index
    %get3A_144 = arith.constant 0 : index
    %get3A_145 = arith.constant 32 : index
    %get3A_146 = vector.load %arg1[%get3A_143, %get3A_144, %get3A_145] : memref<4x512x128xf32, #tpu.memory_space<vmem>>, vector<1x512x32xf32>
    %get3A_147 = vector.shape_cast %get3A_146 : vector<1x512x32xf32> to vector<512x32xf32>
    %mul3A_148 = vector.broadcast %broadcast_in_dim3A : vector<512x1xf32> to vector<512x32xf32>
    %mul3A_149 = arith.mulf %get3A_147, %mul3A_148 : vector<512x32xf32>
    %add3A_150 = vector.broadcast %get3A_6 : vector<1x32xf32> to vector<512x32xf32>
    %add3A_151 = arith.addf %mul3A_149, %add3A_150 : vector<512x32xf32>
    %get3A_152 = arith.constant 0 : index
    %get3A_153 = arith.constant 0 : index
    %get3A_154 = vector.load %arg3[%get3A_152, %get3A_153] : memref<32x32xf32, #tpu.memory_space<vmem>>, vector<32x32xf32>
    %dot_general3A_155 = arith.constant dense<0.000000e+00> : vector<512x32xf32>
    %dot_general3A_156 = tpu.matmul %add3A_151, %get3A_154, %dot_general3A_155 {dimension_numbers = #tpu.dot_dimension_numbers<[1], [0], [0], [1], [0, 0, 1, 1], [], []>, transpose_lhs_hint = false} : vector<512x32xf32>, vector<32x32xf32>, vector<512x32xf32> -> vector<512x32xf32>
    %add3A_157 = vector.broadcast %get3A_9 : vector<1x32xf32> to vector<512x32xf32>
    %add3A_158 = arith.addf %dot_general3A_156, %add3A_157 : vector<512x32xf32>
    %swap3A_159 = arith.constant 6 : index
    %swap3A_160 = arith.constant 0 : index
    %swap3A_161 = arith.constant 0 : index
    %swap3A_162 = vector.load %arg5[%swap3A_159, %swap3A_160, %swap3A_161] : memref<10x512x32xf32, #tpu.memory_space<vmem>>, vector<1x512x32xf32>
    %swap3A_163 = vector.shape_cast %swap3A_162 : vector<1x512x32xf32> to vector<512x32xf32>
    %swap3A_164 = vector.shape_cast %add3A_158 : vector<512x32xf32> to vector<1x512x32xf32>
    tpu.vector_store %arg5[%swap3A_159, %swap3A_160, %swap3A_161], %swap3A_164 {strides = array<i32>} : memref<10x512x32xf32, #tpu.memory_space<vmem>>, vector<1x512x32xf32>,
    %get3A_165 = arith.constant 2 : index
    %get3A_166 = arith.constant 0 : index
    %get3A_167 = arith.constant 64 : index
    %get3A_168 = vector.load %arg1[%get3A_165, %get3A_166, %get3A_167] : memref<4x512x128xf32, #tpu.memory_space<vmem>>, vector<1x512x16xf32>
    %get3A_169 = vector.shape_cast %get3A_168 : vector<1x512x16xf32> to vector<512x16xf32>
    %get3A_170 = arith.constant 3 : index
    %get3A_171 = arith.constant 0 : index
    %get3A_172 = arith.constant 0 : index
    %get3A_173 = vector.load %arg1[%get3A_170, %get3A_171, %get3A_172] : memref<4x512x128xf32, #tpu.memory_space<vmem>>, vector<1x512x16xf32>
    %get3A_174 = vector.shape_cast %get3A_173 : vector<1x512x16xf32> to vector<512x16xf32>
    %concatenate3A_175 = tpu.concatenate %get3A_169, %get3A_174 in 1 : vector<512x16xf32>, vector<512x16xf32> -> vector<512x32xf32>
    %mul3A_176 = vector.broadcast %broadcast_in_dim3A : vector<512x1xf32> to vector<512x32xf32>
    %mul3A_177 = arith.mulf %concatenate3A_175, %mul3A_176 : vector<512x32xf32>
    %add3A_178 = vector.broadcast %get3A_6 : vector<1x32xf32> to vector<512x32xf32>
    %add3A_179 = arith.addf %mul3A_177, %add3A_178 : vector<512x32xf32>
    %get3A_180 = arith.constant 0 : index
    %get3A_181 = arith.constant 0 : index
    %get3A_182 = vector.load %arg3[%get3A_180, %get3A_181] : memref<32x32xf32, #tpu.memory_space<vmem>>, vector<32x32xf32>
    %dot_general3A_183 = arith.constant dense<0.000000e+00> : vector<512x32xf32>
    %dot_general3A_184 = tpu.matmul %add3A_179, %get3A_182, %dot_general3A_183 {dimension_numbers = #tpu.dot_dimension_numbers<[1], [0], [0], [1], [0, 0, 1, 1], [], []>, transpose_lhs_hint = false} : vector<512x32xf32>, vector<32x32xf32>, vector<512x32xf32> -> vector<512x32xf32>
    %add3A_185 = vector.broadcast %get3A_9 : vector<1x32xf32> to vector<512x32xf32>
    %add3A_186 = arith.addf %dot_general3A_184, %add3A_185 : vector<512x32xf32>
    %swap3A_187 = arith.constant 7 : index
    %swap3A_188 = arith.constant 0 : index
    %swap3A_189 = arith.constant 0 : index
    %swap3A_190 = vector.load %arg5[%swap3A_187, %swap3A_188, %swap3A_189] : memref<10x512x32xf32, #tpu.memory_space<vmem>>, vector<1x512x32xf32>
    %swap3A_191 = vector.shape_cast %swap3A_190 : vector<1x512x32xf32> to vector<512x32xf32>
    %swap3A_192 = vector.shape_cast %add3A_186 : vector<512x32xf32> to vector<1x512x32xf32>
    tpu.vector_store %arg5[%swap3A_187, %swap3A_188, %swap3A_189], %swap3A_192 {strides = array<i32>} : memref<10x512x32xf32, #tpu.memory_space<vmem>>, vector<1x512x32xf32>,
    %get3A_193 = arith.constant 3 : index
    %get3A_194 = arith.constant 0 : index
    %get3A_195 = arith.constant 16 : index
    %get3A_196 = vector.load %arg1[%get3A_193, %get3A_194, %get3A_195] : memref<4x512x128xf32, #tpu.memory_space<vmem>>, vector<1x512x32xf32>
    %get3A_197 = vector.shape_cast %get3A_196 : vector<1x512x32xf32> to vector<512x32xf32>
    %mul3A_198 = vector.broadcast %broadcast_in_dim3A : vector<512x1xf32> to vector<512x32xf32>
    %mul3A_199 = arith.mulf %get3A_197, %mul3A_198 : vector<512x32xf32>
    %add3A_200 = vector.broadcast %get3A_6 : vector<1x32xf32> to vector<512x32xf32>
    %add3A_201 = arith.addf %mul3A_199, %add3A_200 : vector<512x32xf32>
    %get3A_202 = arith.constant 0 : index
    %get3A_203 = arith.constant 0 : index
    %get3A_204 = vector.load %arg3[%get3A_202, %get3A_203] : memref<32x32xf32, #tpu.memory_space<vmem>>, vector<32x32xf32>
    %dot_general3A_205 = arith.constant dense<0.000000e+00> : vector<512x32xf32>
    %dot_general3A_206 = tpu.matmul %add3A_201, %get3A_204, %dot_general3A_205 {dimension_numbers = #tpu.dot_dimension_numbers<[1], [0], [0], [1], [0, 0, 1, 1], [], []>, transpose_lhs_hint = false} : vector<512x32xf32>, vector<32x32xf32>, vector<512x32xf32> -> vector<512x32xf32>
    %add3A_207 = vector.broadcast %get3A_9 : vector<1x32xf32> to vector<512x32xf32>
    %add3A_208 = arith.addf %dot_general3A_206, %add3A_207 : vector<512x32xf32>
    %swap3A_209 = arith.constant 8 : index
    %swap3A_210 = arith.constant 0 : index
    %swap3A_211 = arith.constant 0 : index
    %swap3A_212 = vector.load %arg5[%swap3A_209, %swap3A_210, %swap3A_211] : memref<10x512x32xf32, #tpu.memory_space<vmem>>, vector<1x512x32xf32>
    %swap3A_213 = vector.shape_cast %swap3A_212 : vector<1x512x32xf32> to vector<512x32xf32>
    %swap3A_214 = vector.shape_cast %add3A_208 : vector<512x32xf32> to vector<1x512x32xf32>
    tpu.vector_store %arg5[%swap3A_209, %swap3A_210, %swap3A_211], %swap3A_214 {strides = array<i32>} : memref<10x512x32xf32, #tpu.memory_space<vmem>>, vector<1x512x32xf32>,
    %get3A_215 = arith.constant 3 : index
    %get3A_216 = arith.constant 0 : index
    %get3A_217 = arith.constant 48 : index
    %get3A_218 = vector.load %arg1[%get3A_215, %get3A_216, %get3A_217] : memref<4x512x128xf32, #tpu.memory_space<vmem>>, vector<1x512x32xf32>
    %get3A_219 = vector.shape_cast %get3A_218 : vector<1x512x32xf32> to vector<512x32xf32>
    %mul3A_220 = vector.broadcast %broadcast_in_dim3A : vector<512x1xf32> to vector<512x32xf32>
    %mul3A_221 = arith.mulf %get3A_219, %mul3A_220 : vector<512x32xf32>
    %add3A_222 = vector.broadcast %get3A_6 : vector<1x32xf32> to vector<512x32xf32>
    %add3A_223 = arith.addf %mul3A_221, %add3A_222 : vector<512x32xf32>
    %get3A_224 = arith.constant 0 : index
    %get3A_225 = arith.constant 0 : index
    %get3A_226 = vector.load %arg3[%get3A_224, %get3A_225] : memref<32x32xf32, #tpu.memory_space<vmem>>, vector<32x32xf32>
    %dot_general3A_227 = arith.constant dense<0.000000e+00> : vector<512x32xf32>
    %dot_general3A_228 = tpu.matmul %add3A_223, %get3A_226, %dot_general3A_227 {dimension_numbers = #tpu.dot_dimension_numbers<[1], [0], [0], [1], [0, 0, 1, 1], [], []>, transpose_lhs_hint = false} : vector<512x32xf32>, vector<32x32xf32>, vector<512x32xf32> -> vector<512x32xf32>
    %add3A_229 = vector.broadcast %get3A_9 : vector<1x32xf32> to vector<512x32xf32>
    %add3A_230 = arith.addf %dot_general3A_228, %add3A_229 : vector<512x32xf32>
    %swap3A_231 = arith.constant 9 : index
    %swap3A_232 = arith.constant 0 : index
    %swap3A_233 = arith.constant 0 : index
    %swap3A_234 = vector.load %arg5[%swap3A_231, %swap3A_232, %swap3A_233] : memref<10x512x32xf32, #tpu.memory_space<vmem>>, vector<1x512x32xf32>
    %swap3A_235 = vector.shape_cast %swap3A_234 : vector<1x512x32xf32> to vector<512x32xf32>
    %swap3A_236 = vector.shape_cast %add3A_230 : vector<512x32xf32> to vector<1x512x32xf32>
    tpu.vector_store %arg5[%swap3A_231, %swap3A_232, %swap3A_233], %swap3A_236 {strides = array<i32>} : memref<10x512x32xf32, #tpu.memory_space<vmem>>, vector<1x512x32xf32>,
    return
  }
  func.func @transform_0(%arg0: i32) -> (i32, i32, i32) {
    %c0_i32 = arith.constant 0 : i32
    %c0_i32_0 = arith.constant 0 : i32
    %c0_i32_1 = arith.constant 0 : i32
    return %c0_i32, %arg0, %c0_i32_0 : i32, i32, i32
  }
  func.func @transform_1(%arg0: i32) -> (i32, i32, i32) {
    %c0_i32 = arith.constant 0 : i32
    %c0_i32_0 = arith.constant 0 : i32
    %c0_i32_1 = arith.constant 0 : i32
    return %arg0, %c0_i32, %c0_i32_0 : i32, i32, i32
  }
  func.func @transform_2(%arg0: i32) -> (i32, i32) {
    %c0_i32 = arith.constant 0 : i32
    %c0_i32_0 = arith.constant 0 : i32
    %c0_i32_1 = arith.constant 0 : i32
    return %c0_i32, %c0_i32_0 : i32, i32
  }
  func.func @transform_3(%arg0: i32) -> (i32, i32) {
    %c0_i32 = arith.constant 0 : i32
    %c0_i32_0 = arith.constant 0 : i32
    %c0_i32_1 = arith.constant 0 : i32
    return %c0_i32, %c0_i32_0 : i32, i32
  }
  func.func @transform_4(%arg0: i32) -> (i32, i32, i32) {
    %c0_i32 = arith.constant 0 : i32
    %c0_i32_0 = arith.constant 0 : i32
    %c0_i32_1 = arith.constant 0 : i32
    return %c0_i32, %arg0, %c0_i32_0 : i32, i32, i32
  }
}

</mosaic_0001>

<sc_bundles>
// kernel: kernel.10.cloned.1.call-start
scs
__scs_entry_jumppad:
0x0: {  	(pc) =	sbr.rel $0x88, $3  }
0x1: {  	(tag) =	ssettag $0x0;
	lr =	simm.s32 $0x1  }
0x2: {  	[smem:$0x3F97] =	sst lr;
	_ =	strace $0xD0000000  }
0x3: {  	_ = 	snop  }
0x4: {  	_ = 	snop  }
0x5: {  	_ = 	snop  }
0x6: {  	_ = 	snop  }
0x7: {  	_ = 	snop  }
__scs_overlays_trampoline_lowered:
0x8: {  	[smem:$0x3FA6] =	sst s0  }
0x9: {  	[smem:$0x3FA7] =	sst s1  }
0xa: {  	[smem:$0x3FA8] =	sst s2  }
0xb: {  	[smem:$0x3FA9] =	sst s3  }
0xc: {  	[smem:$0x3FAA] =	sst s4  }
0xd: {  	[smem:$0x3FAB] =	sst s5  }
0xe: {  	[smem:$0x3FAC] =	sst s6  }
0xf: {  	[smem:$0x3FAD] =	sst s7  }
0x10: {  	[smem:$0x3FAE] =	sst s8  }
0x11: {  	[smem:$0x3FAF] =	sst s9;
	s0 =	simm.s32 @!p0 $0x0  }
0x12: {  	s1 =	sld [smem:$0x3F95];
	s0 =	simm.s32 @p0 $0x1  }
0x13: {  	[smem:$0x3FB0] =	sst s0;
	s0 =	simm.s32 @!p1 $0x0  }
0x14: {  	s2 =	sld [smem:$0x3F94];
	s0 =	simm.s32 @p1 $0x1  }
0x15: {  	[smem:$0x3FB1] =	sst s0;
	s0 =	simm.s32 @!p2 $0x0  }
0x16: {  	s3 =	sld [smem:$0x3FDB];
	s0 =	simm.s32 @p2 $0x1  }
0x17: {  	s4 =	simm.s32 $0x1BF5;
	[smem:$0x3FB3] =	sst s0  }
0x18: {  	s0 =	sld [smem:$0x3F96];
	_ =	swait.ge [sflag:s4], $0x0  }
0x19: {  	s7 =	sld [smem:$0x3F97]  }
0x1a: {  	s8 =	sadd.s32 $0xFFFFE003, lr  }
0x1b: {  	s9 =	sadd.s32 $0xFFFFFEF7, lr;
	s5 =	simm.s32 $0xFFFFFFFF;
	p2 =	slt.u32 s8, $0xFFFFF086  }
0x1c: {  	p1 =	slt.u32 s9, $0xF7A;
	s5 =	simm.s32 @!p2 $0x0  }
0x1d: {  	s5 =	simm.s32 @p1 $0x1;
	p0 =	seq.s32 s7, s2  }
0x1e: {  	s7 =	smul.u32 @!p0 $0xF7A, s2;
	p2 =	seq.s32 @!p0 s5, $0x0  }
0x1f: {  	s9 =	smul.u32 $0xF7A, s1;
	s8 =	simm.s32 @!p0 $0x1BF5;
	p2 =	por !p2, p0  }
0x20: {  	[sflag:s8] =	ssyncset.s32 @!p0 $0xFFFFF086;
	s6 =	sadd.s32 @!p0 s3, s7;
	s7 =	simm.s32 @!p0 $0x108  }
0x21: {  	s3 =	sadd.s32 s3, s9;
	s6 =	sadd.s32 @!p0 $0x88, s6;
	s7 =	simm.s32 @p2 $0x1082  }
0x22: {  	[simem:s7], [sflag:s8] =	dma.local @!p0 [hbm:s6], $0xF7A  }
0x23: {  	s9 =	sor.u32 $0xD0000000, s2;
	s6 =	simm.s32 $0x108;
	_ =	swait.ge @!p0 [sflag:s8], $0x0  }
0x24: {  	s3 =	sadd.s32 $0x88, s3;
	s6 =	simm.s32 @!p1 $0x1082;
	[sflag:s4] =	ssyncset.s32 $0xFFFFF086  }
0x25: {  	[simem:s6], [sflag:s4] =	dma.local [hbm:s3], $0xF7A  }
0x26: {  	[smem:$0x3F97] =	sst s1;
	(tag) =	ssettag s2;
	_ =	strace s9  }
0x27: {  	s1 =	sld [smem:$0x3FA7]  }
0x28: {  	s2 =	sld [smem:$0x3FA8]  }
0x29: {  	s4 =	sld [smem:$0x3FAA]  }
0x2a: {  	p0 =	seq.s32 s5, $0x0;
	s5 =	sld [smem:$0x3FAB]  }
0x2b: {  	s6 =	sld [smem:$0x3FAC]  }
0x2c: {  	s7 =	sld [smem:$0x3FAD]  }
0x2d: {  	s3 =	simm.s32 $0x108;
	s8 =	sld [smem:$0x3FAE]  }
0x2e: {  	s3 =	simm.s32 @!p0 $0x1082;
	s9 =	sld [smem:$0x3FAF]  }
0x2f: {  	lr =	sadd.s32 s0, s3;
	s0 =	sld [smem:$0x3FA6]  }
0x30: {  	s3 =	sld [smem:$0x3FA9]  }
0x31: {  	[smem:$0x3FB2] =	sst s10  }
0x32: {  	s10 =	sld [smem:$0x3FB0];
	_ =	sdelay $0x3  }
0x33: {  	p0 =	seq.s32 s10, $0x1;
	s10 =	sld [smem:$0x3FB2];
	_ =	sdelay $0x3  }
0x34: {  	[smem:$0x3FB2] =	sst s10  }
0x35: {  	s10 =	sld [smem:$0x3FB1];
	_ =	sdelay $0x3  }
0x36: {  	p1 =	seq.s32 s10, $0x1;
	s10 =	sld [smem:$0x3FB2];
	_ =	sdelay $0x3  }
0x37: {  	[smem:$0x3FB2] =	sst s10  }
0x38: {  	s10 =	sld [smem:$0x3FB3]  }
0x39: {  	_ = 	snop;
	(pc) =	sbr.ind lr, $3  }
0x3a: {  	_ = 	snop  }
0x3b: {  	_ = 	snop  }
0x3c: {  	p2 =	seq.s32 s10, $0x1;
	s10 =	sld [smem:$0x3FB2]  }
0x3d: {  	_ =	shalt  }
0x3e: {  	_ =	shalt  }
0x3f: {  	_ =	shalt  }
0x40: {  	_ =	shalt  }
0x41: {  	_ =	shalt  }
0x42: {  	_ =	shalt  }
0x43: {  	_ =	shalt  }
0x44: {  	_ =	shalt  }
0x45: {  	_ =	shalt  }
0x46: {  	_ =	shalt  }
0x47: {  	_ =	shalt  }
0x48: {  	_ =	shalt  }
0x49: {  	_ =	shalt  }
0x4a: {  	_ =	shalt  }
0x4b: {  	_ =	shalt  }
0x4c: {  	_ =	shalt  }
0x4d: {  	_ =	shalt  }
0x4e: {  	_ =	shalt  }
0x4f: {  	_ =	shalt  }
0x50: {  	_ =	shalt  }
0x51: {  	_ =	shalt  }
0x52: {  	_ =	shalt  }
0x53: {  	_ =	shalt  }
0x54: {  	_ =	shalt  }
0x55: {  	_ =	shalt  }
0x56: {  	_ =	shalt  }
0x57: {  	_ =	shalt  }
0x58: {  	_ =	shalt  }
0x59: {  	_ =	shalt  }
0x5a: {  	_ =	shalt  }
0x5b: {  	_ =	shalt  }
0x5c: {  	_ =	shalt  }
0x5d: {  	_ =	shalt  }
0x5e: {  	_ =	shalt  }
0x5f: {  	_ =	shalt  }
0x60: {  	_ =	shalt  }
0x61: {  	_ =	shalt  }
0x62: {  	_ =	shalt  }
0x63: {  	_ =	shalt  }
0x64: {  	_ =	shalt  }
0x65: {  	_ =	shalt  }
0x66: {  	_ =	shalt  }
0x67: {  	_ =	shalt  }
0x68: {  	_ =	shalt  }
0x69: {  	_ =	shalt  }
0x6a: {  	_ =	shalt  }
0x6b: {  	_ =	shalt  }
0x6c: {  	_ =	shalt  }
0x6d: {  	_ =	shalt  }
0x6e: {  	_ =	shalt  }
0x6f: {  	_ =	shalt  }
0x70: {  	_ =	shalt  }
0x71: {  	_ =	shalt  }
0x72: {  	_ =	shalt  }
0x73: {  	_ =	shalt  }
0x74: {  	_ =	shalt  }
0x75: {  	_ =	shalt  }
0x76: {  	_ =	shalt  }
0x77: {  	_ =	shalt  }
0x78: {  	_ =	shalt  }
0x79: {  	_ =	shalt  }
0x7a: {  	_ =	shalt  }
0x7b: {  	_ =	shalt  }
0x7c: {  	_ =	shalt  }
0x7d: {  	_ =	shalt  }
0x7e: {  	_ =	shalt  }
0x7f: {  	_ =	shalt  }
0x80: {  	_ =	shalt  }
0x81: {  	_ =	shalt  }
0x82: {  	_ =	shalt  }
0x83: {  	_ =	shalt  }
0x84: {  	_ =	shalt  }
0x85: {  	_ =	shalt  }
0x86: {  	_ =	shalt  }
0x87: {  	_ =	shalt  }
.Lfunc_end0:
.L_simem_size_0:
called_computation.1_lowered:
.L_overlay_start_0:
0x88: {  	s2 =	sld [smem:$0x3FD9]  }
0x89: {  	s3 =	sld [smem:$0x3FFE];
	_ =	sdelay $0x1  }
0x8a: {  	s1 =	srdreg.scid  }
0x8b: {  	s0 =	sand.u32 $0x1, s1  }
0x8c: {  	s16 =	sshll.u32 s0, $0xA;
	s2 =	sadd.s32 s3, s2  }
0x8d: {  	s2 =	sadd.s32 s2, s16  }
0x8e: {  	[smem:$0x3FBE] =	sst s2  }
0x8f: {  	_ = 	snop  }
0x90: {  	(tm) =	ssettm $0x1  }
0x91: {  	s17 =	sld [smem:$0x3FFB];
	_ =	sdelay $0x3  }
0x92: {  	_ =	strace s17  }
0x93: {  	s2 =	sld [smem:$0x3FFC];
	_ =	sdelay $0x3  }
0x94: {  	_ =	strace s2  }
0x95: {  	s2 =	sld [smem:$0x3FFD];
	_ =	sdelay $0x3  }
0x96: {  	_ =	strace s2  }
0x97: {  	_ =	strace $0x8FFFFFFF  }
0x98: {  	s18 =	sld [smem:$0x3FDB];
	_ =	sdelay $0x1  }
0x99: {  	s19 =	simm.s32 $_scs_section_size  }
0x9a: {  	s4 =	simm.s32 $_size__tile_overlayer_lowered;
	s5 =	simm.s32 $_tile_overlayer_lowered  }
0x9b: {  	s22 =	simm.s32 $0x1BFF;
	s21 =	sshll.u32 s5, $0x1;
	s2 =	sadd.s32 s19, s18  }
0x9c: {  	s6 =	simm.s32 $0x0;
	s20 =	sshll.u32 s4, $0x1;
	s4 =	sadd.s32 s21, s2  }
0x9d: {  	[timem:s6], [sflag:s22] =	dma.local [hbm:s4], s20  }
0x9e: {  	_ =	swait.ge [sflag:s22], s20  }
0x9f: {  	s3 =	ssub.s32 $0x0, s20;
	[sflag:s22] =	ssyncset.done $0x0  }
0xa0: {  	[sflag:s22] =	ssyncadd.s32 s3;
	_ =	sdelay $0x1  }
0xa1: {  	s23 =	simm.s32 $0x1B8B  }
0xa2: {  	_ =	swait.ge [sflag:s23], $0x1  }
0xa3: {  	[sflag:s23] =	ssyncset.done $0x0  }
0xa4: {  	s25 =	simm.s32 $0x1B8E;
	s24 =	sld [smem:$0x3FFE];
	[sflag:s23] =	ssyncadd.s32 $0xFFFFFFFF  }
0xa5: {  	s26 =	simm.s32 $execute0_lowered;
	[smem:$0x3FD2] =	sst s25  }
0xa6: {  	s4 =	sshll.u32 s26, $0x1;
	_ =	strace $0x80000049;
	[dreg:$0x1] =	wrdreg $0xFFFFFFFF  }
0xa7: {  	s28 =	simm.s32 $_size_execute0_lowered;
	s2 =	sadd.s32 s2, s4;
	[dreg:$0x0] =	wrdreg $0x0  }
0xa8: {  	s4 =	sshll.u32 s28, $0x1;
	[dreg:$0x2] =	wrdreg s2  }
0xa9: {  	[dreg:$0x3] =	wrdreg s4  }
0xaa: {  	[dreg:$0x4] =	wrdreg $0xC0  }
0xab: {  	_ =	task [dreg:s6], $0x5FFFF  }
0xac: {  	[dreg:$0x1] =	wrdreg $0xFFFFFFFF  }
0xad: {  	[dreg:$0x0] =	wrdreg $0x60  }
0xae: {  	[dreg:$0x2] =	wrdreg s24  }
0xaf: {  	[dreg:$0x3] =	wrdreg $0x60000  }
0xb0: {  	[dreg:$0x4] =	wrdreg $0x128000  }
0xb1: {  	[dreg:$0x5] =	wrdreg $0x9  }
0xb2: {  	_ =	task.clear_ibuf [dreg:s6], $0x6FFFF;
	_ =	strace $0x90000049  }
0xb3: {  	s29 =	simm.s32 $0x9;
	_ =	strace $0x8000004B  }
0xb4: {  	_ =	swait.ge [sflag:s29], $0x1  }
0xb5: {  	[sflag:s29] =	ssyncadd.s32 $0xFFFFFFFF  }
0xb6: {  	_ =	strace $0x9000004B  }
0xb7: {  	_ =	sfence  }
0xb8: {  	s30 =	sld [smem:$0x0];
	_ =	sdelay $0x2  }
0xb9: {  	s31 =	sshll.u32 s1, $0xD;
	s1 =	sshrl.u32 s1, $0x2  }
0xba: {  	s3 =	sand.u32 $0x4000, s31;
	s1 =	sadd.s32 s1, s30  }
0xbb: {  	s0 =	sor.u32 s3, s0;
	s1 =	sshll.u32 s1, $0x11  }
0xbc: {  	s0 =	sor.u32 s1, s0  }
0xbd: {  	s0 =	sadd.s32 $0x8F2B, s0  }
0xbe: {  	[sflag:s0] =	ssyncadd.remote.s32 $0x1  }
0xbf: {  	_ =	sfence.sel $0xFFFF  }
0xc0: {  	[dreg:$0x0] =	wrdreg $0xFFFFFFFF;
	(pc) =	sbr.abs _section_cstart, $3  }
0xc1: {  	[dreg:$0x1] =	wrdreg $0xFFFFFFFF  }
0xc2: {  	_ =	task.clear_ibuf [dreg:s6], $0x2FFFF;
	_ =	strace $0x9FFFFFFF  }
0xc3: {  	(tm) =	ssettm $0x7FFFFFFF  }
tec
execute0_lowered:
.L_overlay_start_1:
0x0: {  	(tag) =	ssettag $0x1  }
0x1: {  	s0 =	rddreg [dreg:$0x0]  }
0x2: {  	s1 =	rddreg [dreg:$0x1]  }
0x3: {  	s3 =	rddreg [dreg:$0x2];
	s4 =	simm.s32 $0x0  }
0x4: {  	s13 =	stileid.u32;
	s5 =	srdreg.scid;
	s12 =	simm.s32 $0xC80  }
0x5: {  	s28 =	simm.s32 $0x700;
	s29 =	simm.s32 $0xE80;
	s30 =	simm.s32 $0x780  }
0x6: {  	s31 =	simm.s32 $0xF00;
	[smem:$0x7FF] =	sst s4;
	s2 =	smul.u32 $0xA00, s13  }
0x7: {  	s6 =	sadd.s32 $0x17800, s0;
	s5 =	sand.u32 $0x1, s5;
	s7 =	smul.u32 $0xC800, s13  }
0x8: {  	s15 =	smul.u32 $0x2800, s13;
	s16 =	sshll.u32 s13, $0x6;
	s13 =	simm.s32 $0x580  }
0x9: {  	_ =	strace $0x8000004A;
	s8 =	ssub.s32 $0x2, s5;
	s9 =	smul.u32 $0x50000, s5  }
0xa: {  	s5 =	smul.u32 $0x280000, s5;
	s22 =	sor.u32 $0x1C03, s16;
	s16 =	simm.s32 $0x500  }
0xb: {  	s2 =	sadd.s32 s2, s0;
	s0 =	sadd.s32 $0xB7800, s0;
	s10 =	sshrl.u32 s8, $0x1  }
0xc: {  	s11 =	sadd.s32 s7, s1;
	s17 =	sadd.s32 s7, s3;
	s7 =	simm.s32 $0x480  }
0xd: {  	[dreg:$0x7] =	wrdreg s22;
	s10 =	ssub.s32 s8, s10;
	s14 =	sadd.s32 s6, s9  }
0xe: {  	s5 =	sshrl.u32 s5, $0x3;
	s18 =	sadd.s32 $0x3800, s2;
	s2 =	sadd.s32 $0xD800, s2  }
0xf: {  	s20 =	sadd.s32 s0, s9;
	s23 =	sshrl.u32 s11, $0x3;
	s11 =	simm.s32 $0x1  }
0x10: {  	s24 =	sshrl.u32 s17, $0x3;
	s17 =	simm.s32 $0x80;
	[dreg:$0x4] =	wrdreg s18  }
0x11: {  	s9 =	simm.s32 $0xB80;
	s8 =	sadd.s32 s15, s14;
	[dreg:$0x5] =	wrdreg s2  }
0x12: {  	s19 =	sadd.s32 $0x28000, s5;
	s21 =	smax.u32 s10, $0x1;
	[dreg:$0x9] =	wrdreg s23  }
0x13: {  	s14 =	simm.s32 $0x3;
	s18 =	simm.s32 $0x1000;
	s25 =	sadd.s32 s15, s20  }
0x14: {  	s2 =	simm.s32 $0x400;
	s20 =	simm.s32 $0xD80;
	[dreg:$0xa] =	wrdreg s24  }
0x15: {  	s23 =	simm.s32 $0x0;
	[dreg:$0x6] =	wrdreg s8;
	s6 =	sadd.s32 s6, s19  }
0x16: {  	s0 =	sadd.s32 s0, s19;
	[dreg:$0x8] =	wrdreg s21;
	s19 =	simm.s32 $0x3800  }
0x17: {  	s21 =	simm.s32 $0x2;
	[dreg:$0xb] =	wrdreg s25;
	s8 =	simm.s32 $0xC00  }
0x18: {  	s25 =	simm.s32 $0x680;
	s26 =	sadd.s32 s15, s6;
	s0 =	sadd.s32 s15, s0  }
0x19: {  	s15 =	simm.s32 $0xD00;
	s6 =	simm.s32 $0x600;
	[dreg:$0xc] =	wrdreg s26  }
0x1a: {  	[dreg:$0xd] =	wrdreg s0;
	s26 =	simm.s32 $0xE00;
	s0 =	simm.s32 $0xF80  }
.LBB2_1:
0x1b: {  	[dreg:$0xe] =	wrdreg s23  }
0x1c: {  	s23 =	rddreg [dreg:$0x6]  }
0x1d: {  	s10 =	rddreg [dreg:$0x9]  }
0x1e: {  	s24 =	simm.s32 $0xA;
	s5 =	smov.u32 s22;
	s22 =	simm.s32 $0x10  }
0x1f: {  	[spmem:s10@s24], [sflag:s5] =	dma.strided [hbm:s23@s22], $0x1900, s11, $0xa   }
0x20: {  	_ =	swait.ge [sflag:s14], $0x1900  }
0x21: {  	s22 =	simm.s32 $0x10;
	[sflag:s14] =	ssyncset.done $0x0  }
0x22: {  	s10 =	simm.s32 $0xA;
	s24 =	rddreg [dreg:$0xa];
	[sflag:s14] =	ssyncadd.s32 $0xFFFFE700  }
0x23: {  	[spmem:s24@s10], [sflag:s5] =	dma.strided [hbm:s23@s22], $0x1900, s11, $0xa   }
0x24: {  	_ =	swait.ge [sflag:s14], $0x1900  }
0x25: {  	[sflag:s14] =	ssyncset.done $0x0  }
0x26: {  	[sflag:s14] =	ssyncadd.s32 $0xFFFFE700  }
0x27: {  	[bflag:$0x0] =	sbarrier.arrive $0xFFFF  }
0x28: {  	s22 =	rddreg [dreg:$0x4]  }
0x29: {  	s5 =	sadd.s32 $0x0, s22  }
0x2a: {  	[tilespmem:s4], [sflag:$0x3] =	stream.linear.gather [hbm4b:s5+s4], $0x800, $0x38;
	[tilespmem:$0x1F000] =	vst v63  }
0x2b: {  	_ =	swait.ge [sflag:s14], $0x800  }
0x2c: {  	[sflag:s14] =	ssyncset.done $0x0;
	s23 =	rddreg [dreg:$0x5]  }
0x2d: {  	s24 =	simm.s32 $0x800;
	[sflag:s14] =	ssyncadd.s32 $0xFFFFF800;
	s5 =	sadd.s32 $0x0, s23  }
0x2e: {  	[tilespmem:s24], [sflag:$0x3] =	stream.linear.gather [hbm4b:s5+s4], $0x800, $0x38;
	[tilespmem:$0x1F000] =	vst v63  }
0x2f: {  	_ =	swait.ge [sflag:s14], $0x800  }
0x30: {  	[sflag:s14] =	ssyncset.done $0x0  }
0x31: {  	[sflag:s14] =	ssyncadd.s32 $0xFFFFF800  }
0x32: {  	[tilespmem:s18], [sflag:$0x1] =	stream.indirect.gather [spmem:s1], $0x50, s4, s17, $0xb8;
	[tilespmem:$0x1F000] =	vst v63  }
0x33: {  	_ = 	snop  }
0x34: {  	[tilespmem:s19], [sflag:$0x2] =	stream.indirect.gather [spmem:s1], $0x50, s17, s17, $0xb8;
	[tilespmem:$0x1F000] =	vst v63  }
0x35: {  	_ =	swait.ge [sflag:s11], $0x2800  }
0x36: {  	[sflag:s11] =	ssyncset.done $0x0  }
0x37: {  	[sflag:s11] =	ssyncadd.s32 $0xFFFFD800  }
0x38: {  	[spmem:s3] =	stream.indirect.scatter.add.f32 [tilespmem:s18], [sflag:$0x3], $0x50, s24, s17, $0xb8;
	[tilespmem:$0x1F000] =	vst v63  }
0x39: {  	_ =	swait.ge [sflag:s14], $0x2800  }
0x3a: {  	[sflag:s14] =	ssyncset.done $0x0  }
0x3b: {  	s10 =	simm.s32 $0x100;
	[sflag:s14] =	ssyncadd.s32 $0xFFFFD800  }
0x3c: {  	[tilespmem:s18], [sflag:$0x1] =	stream.indirect.gather [spmem:s1], $0x50, s10, s17, $0xb8;
	[tilespmem:$0x1F000] =	vst v63  }
0x3d: {  	_ =	swait.ge [sflag:s21], $0x2800  }
0x3e: {  	[sflag:s21] =	ssyncset.done $0x0  }
0x3f: {  	s22 =	simm.s32 $0x880;
	[sflag:s21] =	ssyncadd.s32 $0xFFFFD800  }
0x40: {  	[spmem:s3] =	stream.indirect.scatter.add.f32 [tilespmem:s19], [sflag:$0x3], $0x50, s22, s17, $0xb8;
	[tilespmem:$0x1F000] =	vst v63  }
0x41: {  	_ =	swait.ge [sflag:s14], $0x2800  }
0x42: {  	[sflag:s14] =	ssyncset.done $0x0  }
0x43: {  	s23 =	simm.s32 $0x180;
	[sflag:s14] =	ssyncadd.s32 $0xFFFFD800  }
0x44: {  	[tilespmem:s19], [sflag:$0x2] =	stream.indirect.gather [spmem:s1], $0x50, s23, s17, $0xb8;
	[tilespmem:$0x1F000] =	vst v63  }
0x45: {  	_ =	swait.ge [sflag:s11], $0x2800  }
0x46: {  	[sflag:s11] =	ssyncset.done $0x0  }
0x47: {  	s24 =	simm.s32 $0x900;
	[sflag:s11] =	ssyncadd.s32 $0xFFFFD800  }
0x48: {  	[spmem:s3] =	stream.indirect.scatter.add.f32 [tilespmem:s18], [sflag:$0x3], $0x50, s24, s17, $0xb8;
	[tilespmem:$0x1F000] =	vst v63  }
0x49: {  	_ =	swait.ge [sflag:s14], $0x2800  }
0x4a: {  	[sflag:s14] =	ssyncset.done $0x0  }
0x4b: {  	s10 =	simm.s32 $0x200;
	[sflag:s14] =	ssyncadd.s32 $0xFFFFD800  }
0x4c: {  	[tilespmem:s18], [sflag:$0x1] =	stream.indirect.gather [spmem:s1], $0x50, s10, s17, $0xb8;
	[tilespmem:$0x1F000] =	vst v63  }
0x4d: {  	_ =	swait.ge [sflag:s21], $0x2800  }
0x4e: {  	[sflag:s21] =	ssyncset.done $0x0  }
0x4f: {  	s22 =	simm.s32 $0x980;
	[sflag:s21] =	ssyncadd.s32 $0xFFFFD800  }
0x50: {  	[spmem:s3] =	stream.indirect.scatter.add.f32 [tilespmem:s19], [sflag:$0x3], $0x50, s22, s17, $0xb8;
	[tilespmem:$0x1F000] =	vst v63  }
0x51: {  	_ =	swait.ge [sflag:s14], $0x2800  }
0x52: {  	[sflag:s14] =	ssyncset.done $0x0  }
0x53: {  	s23 =	simm.s32 $0x280;
	[sflag:s14] =	ssyncadd.s32 $0xFFFFD800  }
0x54: {  	[tilespmem:s19], [sflag:$0x2] =	stream.indirect.gather [spmem:s1], $0x50, s23, s17, $0xb8;
	[tilespmem:$0x1F000] =	vst v63  }
0x55: {  	_ =	swait.ge [sflag:s11], $0x2800  }
0x56: {  	[sflag:s11] =	ssyncset.done $0x0  }
0x57: {  	s24 =	simm.s32 $0xA00;
	[sflag:s11] =	ssyncadd.s32 $0xFFFFD800  }
0x58: {  	[spmem:s3] =	stream.indirect.scatter.add.f32 [tilespmem:s18], [sflag:$0x3], $0x50, s24, s17, $0xb8;
	[tilespmem:$0x1F000] =	vst v63  }
0x59: {  	_ =	swait.ge [sflag:s14], $0x2800  }
0x5a: {  	[sflag:s14] =	ssyncset.done $0x0  }
0x5b: {  	s10 =	simm.s32 $0x300;
	[sflag:s14] =	ssyncadd.s32 $0xFFFFD800  }
0x5c: {  	[tilespmem:s18], [sflag:$0x1] =	stream.indirect.gather [spmem:s1], $0x50, s10, s17, $0xb8;
	[tilespmem:$0x1F000] =	vst v63  }
0x5d: {  	_ =	swait.ge [sflag:s21], $0x2800  }
0x5e: {  	[sflag:s21] =	ssyncset.done $0x0  }
0x5f: {  	s22 =	simm.s32 $0xA80;
	[sflag:s21] =	ssyncadd.s32 $0xFFFFD800  }
0x60: {  	[spmem:s3] =	stream.indirect.scatter.add.f32 [tilespmem:s19], [sflag:$0x3], $0x50, s22, s17, $0xb8;
	[tilespmem:$0x1F000] =	vst v63  }
0x61: {  	_ =	swait.ge [sflag:s14], $0x2800  }
0x62: {  	[sflag:s14] =	ssyncset.done $0x0  }
0x63: {  	s23 =	simm.s32 $0x380;
	[sflag:s14] =	ssyncadd.s32 $0xFFFFD800  }
0x64: {  	[tilespmem:s19], [sflag:$0x2] =	stream.indirect.gather [spmem:s1], $0x50, s23, s17, $0xb8;
	[tilespmem:$0x1F000] =	vst v63  }
0x65: {  	_ =	swait.ge [sflag:s11], $0x2800  }
0x66: {  	[sflag:s11] =	ssyncset.done $0x0  }
0x67: {  	s24 =	simm.s32 $0xB00;
	[sflag:s11] =	ssyncadd.s32 $0xFFFFD800  }
0x68: {  	[spmem:s3] =	stream.indirect.scatter.add.f32 [tilespmem:s18], [sflag:$0x3], $0x50, s24, s17, $0xb8;
	[tilespmem:$0x1F000] =	vst v63  }
0x69: {  	_ =	swait.ge [sflag:s14], $0x2800  }
0x6a: {  	[sflag:s14] =	ssyncset.done $0x0  }
0x6b: {  	[sflag:s14] =	ssyncadd.s32 $0xFFFFD800  }
0x6c: {  	[tilespmem:s18], [sflag:$0x1] =	stream.indirect.gather [spmem:s1], $0x50, s2, s17, $0xb8;
	[tilespmem:$0x1F000] =	vst v63  }
0x6d: {  	_ =	swait.ge [sflag:s21], $0x2800  }
0x6e: {  	[sflag:s21] =	ssyncset.done $0x0  }
0x6f: {  	[sflag:s21] =	ssyncadd.s32 $0xFFFFD800  }
0x70: {  	[spmem:s3] =	stream.indirect.scatter.add.f32 [tilespmem:s19], [sflag:$0x3], $0x50, s9, s17, $0xb8;
	[tilespmem:$0x1F000] =	vst v63  }
0x71: {  	_ =	swait.ge [sflag:s14], $0x2800  }
0x72: {  	[sflag:s14] =	ssyncset.done $0x0  }
0x73: {  	[sflag:s14] =	ssyncadd.s32 $0xFFFFD800  }
0x74: {  	[tilespmem:s19], [sflag:$0x2] =	stream.indirect.gather [spmem:s1], $0x50, s7, s17, $0xb8;
	[tilespmem:$0x1F000] =	vst v63  }
0x75: {  	_ =	swait.ge [sflag:s11], $0x2800  }
0x76: {  	[sflag:s11] =	ssyncset.done $0x0  }
0x77: {  	[sflag:s11] =	ssyncadd.s32 $0xFFFFD800  }
0x78: {  	[spmem:s3] =	stream.indirect.scatter.add.f32 [tilespmem:s18], [sflag:$0x3], $0x50, s8, s17, $0xb8;
	[tilespmem:$0x1F000] =	vst v63  }
0x79: {  	_ =	swait.ge [sflag:s14], $0x2800  }
0x7a: {  	[sflag:s14] =	ssyncset.done $0x0  }
0x7b: {  	[sflag:s14] =	ssyncadd.s32 $0xFFFFD800  }
0x7c: {  	[tilespmem:s18], [sflag:$0x1] =	stream.indirect.gather [spmem:s1], $0x50, s16, s17, $0xb8;
	[tilespmem:$0x1F000] =	vst v63  }
0x7d: {  	_ =	swait.ge [sflag:s21], $0x2800  }
0x7e: {  	[sflag:s21] =	ssyncset.done $0x0  }
0x7f: {  	[sflag:s21] =	ssyncadd.s32 $0xFFFFD800  }
0x80: {  	[spmem:s3] =	stream.indirect.scatter.add.f32 [tilespmem:s19], [sflag:$0x3], $0x50, s12, s17, $0xb8;
	[tilespmem:$0x1F000] =	vst v63  }
0x81: {  	_ =	swait.ge [sflag:s14], $0x2800  }
0x82: {  	[sflag:s14] =	ssyncset.done $0x0  }
0x83: {  	[sflag:s14] =	ssyncadd.s32 $0xFFFFD800  }
0x84: {  	[tilespmem:s19], [sflag:$0x2] =	stream.indirect.gather [spmem:s1], $0x50, s13, s17, $0xb8;
	[tilespmem:$0x1F000] =	vst v63  }
0x85: {  	_ =	swait.ge [sflag:s11], $0x2800  }
0x86: {  	[sflag:s11] =	ssyncset.done $0x0  }
0x87: {  	[sflag:s11] =	ssyncadd.s32 $0xFFFFD800  }
0x88: {  	[spmem:s3] =	stream.indirect.scatter.add.f32 [tilespmem:s18], [sflag:$0x3], $0x50, s15, s17, $0xb8;
	[tilespmem:$0x1F000] =	vst v63  }
0x89: {  	_ =	swait.ge [sflag:s14], $0x2800  }
0x8a: {  	[sflag:s14] =	ssyncset.done $0x0  }
0x8b: {  	[sflag:s14] =	ssyncadd.s32 $0xFFFFD800  }
0x8c: {  	[tilespmem:s18], [sflag:$0x1] =	stream.indirect.gather [spmem:s1], $0x50, s6, s17, $0xb8;
	[tilespmem:$0x1F000] =	vst v63  }
0x8d: {  	_ =	swait.ge [sflag:s21], $0x2800  }
0x8e: {  	[sflag:s21] =	ssyncset.done $0x0  }
0x8f: {  	[sflag:s21] =	ssyncadd.s32 $0xFFFFD800  }
0x90: {  	[spmem:s3] =	stream.indirect.scatter.add.f32 [tilespmem:s19], [sflag:$0x3], $0x50, s20, s17, $0xb8;
	[tilespmem:$0x1F000] =	vst v63  }
0x91: {  	_ =	swait.ge [sflag:s14], $0x2800  }
0x92: {  	[sflag:s14] =	ssyncset.done $0x0  }
0x93: {  	[sflag:s14] =	ssyncadd.s32 $0xFFFFD800  }
0x94: {  	[tilespmem:s19], [sflag:$0x2] =	stream.indirect.gather [spmem:s1], $0x50, s25, s17, $0xb8;
	[tilespmem:$0x1F000] =	vst v63  }
0x95: {  	_ =	swait.ge [sflag:s11], $0x2800  }
0x96: {  	[sflag:s11] =	ssyncset.done $0x0  }
0x97: {  	[sflag:s11] =	ssyncadd.s32 $0xFFFFD800  }
0x98: {  	[spmem:s3] =	stream.indirect.scatter.add.f32 [tilespmem:s18], [sflag:$0x3], $0x50, s26, s17, $0xb8;
	[tilespmem:$0x1F000] =	vst v63  }
0x99: {  	_ =	swait.ge [sflag:s14], $0x2800  }
0x9a: {  	[sflag:s14] =	ssyncset.done $0x0  }
0x9b: {  	[sflag:s14] =	ssyncadd.s32 $0xFFFFD800  }
0x9c: {  	[tilespmem:s18], [sflag:$0x1] =	stream.indirect.gather [spmem:s1], $0x50, s28, s17, $0xb8;
	[tilespmem:$0x1F000] =	vst v63  }
0x9d: {  	_ =	swait.ge [sflag:s21], $0x2800  }
0x9e: {  	[sflag:s21] =	ssyncset.done $0x0  }
0x9f: {  	[sflag:s21] =	ssyncadd.s32 $0xFFFFD800  }
0xa0: {  	[spmem:s3] =	stream.indirect.scatter.add.f32 [tilespmem:s19], [sflag:$0x3], $0x50, s29, s17, $0xb8;
	[tilespmem:$0x1F000] =	vst v63  }
0xa1: {  	_ =	swait.ge [sflag:s14], $0x2800  }
0xa2: {  	[sflag:s14] =	ssyncset.done $0x0  }
0xa3: {  	[sflag:s14] =	ssyncadd.s32 $0xFFFFD800  }
0xa4: {  	[tilespmem:s19], [sflag:$0x2] =	stream.indirect.gather [spmem:s1], $0x50, s30, s17, $0xb8;
	[tilespmem:$0x1F000] =	vst v63  }
0xa5: {  	_ =	swait.ge [sflag:s11], $0x2800  }
0xa6: {  	[sflag:s11] =	ssyncset.done $0x0  }
0xa7: {  	[sflag:s11] =	ssyncadd.s32 $0xFFFFD800  }
0xa8: {  	[spmem:s3] =	stream.indirect.scatter.add.f32 [tilespmem:s18], [sflag:$0x3], $0x50, s31, s17, $0xb8;
	[tilespmem:$0x1F000] =	vst v63  }
0xa9: {  	_ =	swait.ge [sflag:s14], $0x2800  }
0xaa: {  	[sflag:s14] =	ssyncset.done $0x0  }
0xab: {  	[sflag:s14] =	ssyncadd.s32 $0xFFFFD800  }
0xac: {  	_ =	swait.ge [sflag:s21], $0x2800  }
0xad: {  	[sflag:s21] =	ssyncset.done $0x0  }
0xae: {  	[sflag:s21] =	ssyncadd.s32 $0xFFFFD800  }
0xaf: {  	[spmem:s3] =	stream.indirect.scatter.add.f32 [tilespmem:s19], [sflag:$0x3], $0x50, s0, s17, $0xb8;
	[tilespmem:$0x1F000] =	vst v63  }
0xb0: {  	_ =	swait.ge [sflag:s14], $0x2800  }
0xb1: {  	s22 =	simm.s32 $0x100;
	s24 =	simm.s32 $0x200;
	[sflag:s14] =	ssyncset.done $0x0  }
.LBB2_2:
0xb2: {  	s5 =	rddreg [dreg:$0x4]  }
0xb3: {  	[sflag:s14] =	ssyncadd.s32 $0xFFFFD800;
	s10 =	sadd.s32 s22, s5  }
0xb4: {  	[tilespmem:s4], [sflag:$0x3] =	stream.linear.gather [hbm4b:s10+s4], $0x800, $0x38;
	[tilespmem:$0x1F000] =	vst v63  }
0xb5: {  	s23 =	smov.u32 s24;
	p0 =	sne.s32 s24, $0x900;
	_ =	swait.ge [sflag:s14], $0x800  }
0xb6: {  	s5 =	sadd.s32 $0x100, s24;
	[sflag:s14] =	ssyncset.done $0x0;
	s24 =	rddreg [dreg:$0x5]  }
0xb7: {  	[sflag:s14] =	ssyncadd.s32 $0xFFFFF800;
	s10 =	sadd.s32 s22, s24;
	s24 =	simm.s32 $0x800  }
0xb8: {  	[tilespmem:s24], [sflag:$0x3] =	stream.linear.gather [hbm4b:s10+s4], $0x800, $0x38;
	[tilespmem:$0x1F000] =	vst v63  }
0xb9: {  	_ =	swait.ge [sflag:s14], $0x800  }
0xba: {  	[sflag:s14] =	ssyncset.done $0x0  }
0xbb: {  	[sflag:s14] =	ssyncadd.s32 $0xFFFFF800  }
0xbc: {  	[tilespmem:s18], [sflag:$0x1] =	stream.indirect.gather [spmem:s1], $0x50, s4, s17, $0xb8;
	[tilespmem:$0x1F000] =	vst v63  }
0xbd: {  	_ = 	snop  }
0xbe: {  	[tilespmem:s19], [sflag:$0x2] =	stream.indirect.gather [spmem:s1], $0x50, s17, s17, $0xb8;
	[tilespmem:$0x1F000] =	vst v63  }
0xbf: {  	_ =	swait.ge [sflag:s11], $0x2800  }
0xc0: {  	[sflag:s11] =	ssyncset.done $0x0  }
0xc1: {  	[sflag:s11] =	ssyncadd.s32 $0xFFFFD800  }
0xc2: {  	[spmem:s3] =	stream.indirect.scatter.add.f32 [tilespmem:s18], [sflag:$0x3], $0x50, s24, s17, $0xb8;
	[tilespmem:$0x1F000] =	vst v63  }
0xc3: {  	_ =	swait.ge [sflag:s14], $0x2800  }
0xc4: {  	[sflag:s14] =	ssyncset.done $0x0  }
0xc5: {  	s22 =	smov.u32 s23;
	s23 =	simm.s32 $0x100;
	[sflag:s14] =	ssyncadd.s32 $0xFFFFD800  }
0xc6: {  	[tilespmem:s18], [sflag:$0x1] =	stream.indirect.gather [spmem:s1], $0x50, s23, s17, $0xb8;
	[tilespmem:$0x1F000] =	vst v63  }
0xc7: {  	_ =	swait.ge [sflag:s21], $0x2800  }
0xc8: {  	[sflag:s21] =	ssyncset.done $0x0  }
0xc9: {  	s24 =	simm.s32 $0x880;
	[sflag:s21] =	ssyncadd.s32 $0xFFFFD800  }
0xca: {  	[spmem:s3] =	stream.indirect.scatter.add.f32 [tilespmem:s19], [sflag:$0x3], $0x50, s24, s17, $0xb8;
	[tilespmem:$0x1F000] =	vst v63  }
0xcb: {  	_ =	swait.ge [sflag:s14], $0x2800  }
0xcc: {  	[sflag:s14] =	ssyncset.done $0x0  }
0xcd: {  	s23 =	simm.s32 $0x180;
	[sflag:s14] =	ssyncadd.s32 $0xFFFFD800  }
0xce: {  	[tilespmem:s19], [sflag:$0x2] =	stream.indirect.gather [spmem:s1], $0x50, s23, s17, $0xb8;
	[tilespmem:$0x1F000] =	vst v63  }
0xcf: {  	_ =	swait.ge [sflag:s11], $0x2800  }
0xd0: {  	[sflag:s11] =	ssyncset.done $0x0  }
0xd1: {  	s24 =	simm.s32 $0x900;
	[sflag:s11] =	ssyncadd.s32 $0xFFFFD800  }
0xd2: {  	[spmem:s3] =	stream.indirect.scatter.add.f32 [tilespmem:s18], [sflag:$0x3], $0x50, s24, s17, $0xb8;
	[tilespmem:$0x1F000] =	vst v63  }
0xd3: {  	_ =	swait.ge [sflag:s14], $0x2800  }
0xd4: {  	[sflag:s14] =	ssyncset.done $0x0  }
0xd5: {  	s23 =	simm.s32 $0x200;
	[sflag:s14] =	ssyncadd.s32 $0xFFFFD800  }
0xd6: {  	[tilespmem:s18], [sflag:$0x1] =	stream.indirect.gather [spmem:s1], $0x50, s23, s17, $0xb8;
	[tilespmem:$0x1F000] =	vst v63  }
0xd7: {  	_ =	swait.ge [sflag:s21], $0x2800  }
0xd8: {  	[sflag:s21] =	ssyncset.done $0x0  }
0xd9: {  	s24 =	simm.s32 $0x980;
	[sflag:s21] =	ssyncadd.s32 $0xFFFFD800  }
0xda: {  	[spmem:s3] =	stream.indirect.scatter.add.f32 [tilespmem:s19], [sflag:$0x3], $0x50, s24, s17, $0xb8;
	[tilespmem:$0x1F000] =	vst v63  }
0xdb: {  	_ =	swait.ge [sflag:s14], $0x2800  }
0xdc: {  	[sflag:s14] =	ssyncset.done $0x0  }
0xdd: {  	s23 =	simm.s32 $0x280;
	[sflag:s14] =	ssyncadd.s32 $0xFFFFD800  }
0xde: {  	[tilespmem:s19], [sflag:$0x2] =	stream.indirect.gather [spmem:s1], $0x50, s23, s17, $0xb8;
	[tilespmem:$0x1F000] =	vst v63  }
0xdf: {  	_ =	swait.ge [sflag:s11], $0x2800  }
0xe0: {  	[sflag:s11] =	ssyncset.done $0x0  }
0xe1: {  	s24 =	simm.s32 $0xA00;
	[sflag:s11] =	ssyncadd.s32 $0xFFFFD800  }
0xe2: {  	[spmem:s3] =	stream.indirect.scatter.add.f32 [tilespmem:s18], [sflag:$0x3], $0x50, s24, s17, $0xb8;
	[tilespmem:$0x1F000] =	vst v63  }
0xe3: {  	_ =	swait.ge [sflag:s14], $0x2800  }
0xe4: {  	[sflag:s14] =	ssyncset.done $0x0  }
0xe5: {  	s23 =	simm.s32 $0x300;
	[sflag:s14] =	ssyncadd.s32 $0xFFFFD800  }
0xe6: {  	[tilespmem:s18], [sflag:$0x1] =	stream.indirect.gather [spmem:s1], $0x50, s23, s17, $0xb8;
	[tilespmem:$0x1F000] =	vst v63  }
0xe7: {  	_ =	swait.ge [sflag:s21], $0x2800  }
0xe8: {  	[sflag:s21] =	ssyncset.done $0x0  }
0xe9: {  	s24 =	simm.s32 $0xA80;
	[sflag:s21] =	ssyncadd.s32 $0xFFFFD800  }
0xea: {  	[spmem:s3] =	stream.indirect.scatter.add.f32 [tilespmem:s19], [sflag:$0x3], $0x50, s24, s17, $0xb8;
	[tilespmem:$0x1F000] =	vst v63  }
0xeb: {  	_ =	swait.ge [sflag:s14], $0x2800  }
0xec: {  	[sflag:s14] =	ssyncset.done $0x0  }
0xed: {  	s23 =	simm.s32 $0x380;
	[sflag:s14] =	ssyncadd.s32 $0xFFFFD800  }
0xee: {  	[tilespmem:s19], [sflag:$0x2] =	stream.indirect.gather [spmem:s1], $0x50, s23, s17, $0xb8;
	[tilespmem:$0x1F000] =	vst v63  }
0xef: {  	_ =	swait.ge [sflag:s11], $0x2800  }
0xf0: {  	[sflag:s11] =	ssyncset.done $0x0  }
0xf1: {  	s24 =	simm.s32 $0xB00;
	[sflag:s11] =	ssyncadd.s32 $0xFFFFD800  }
0xf2: {  	[spmem:s3] =	stream.indirect.scatter.add.f32 [tilespmem:s18], [sflag:$0x3], $0x50, s24, s17, $0xb8;
	[tilespmem:$0x1F000] =	vst v63  }
0xf3: {  	_ =	swait.ge [sflag:s14], $0x2800  }
0xf4: {  	[sflag:s14] =	ssyncset.done $0x0  }
0xf5: {  	[sflag:s14] =	ssyncadd.s32 $0xFFFFD800  }
0xf6: {  	[tilespmem:s18], [sflag:$0x1] =	stream.indirect.gather [spmem:s1], $0x50, s2, s17, $0xb8;
	[tilespmem:$0x1F000] =	vst v63  }
0xf7: {  	_ =	swait.ge [sflag:s21], $0x2800  }
0xf8: {  	[sflag:s21] =	ssyncset.done $0x0  }
0xf9: {  	[sflag:s21] =	ssyncadd.s32 $0xFFFFD800  }
0xfa: {  	[spmem:s3] =	stream.indirect.scatter.add.f32 [tilespmem:s19], [sflag:$0x3], $0x50, s9, s17, $0xb8;
	[tilespmem:$0x1F000] =	vst v63  }
0xfb: {  	_ =	swait.ge [sflag:s14], $0x2800  }
0xfc: {  	[sflag:s14] =	ssyncset.done $0x0  }
0xfd: {  	[sflag:s14] =	ssyncadd.s32 $0xFFFFD800  }
0xfe: {  	[tilespmem:s19], [sflag:$0x2] =	stream.indirect.gather [spmem:s1], $0x50, s7, s17, $0xb8;
	[tilespmem:$0x1F000] =	vst v63  }
0xff: {  	_ =	swait.ge [sflag:s11], $0x2800  }
0x100: {  	[sflag:s11] =	ssyncset.done $0x0  }
0x101: {  	[sflag:s11] =	ssyncadd.s32 $0xFFFFD800  }
0x102: {  	[spmem:s3] =	stream.indirect.scatter.add.f32 [tilespmem:s18], [sflag:$0x3], $0x50, s8, s17, $0xb8;
	[tilespmem:$0x1F000] =	vst v63  }
0x103: {  	_ =	swait.ge [sflag:s14], $0x2800  }
0x104: {  	[sflag:s14] =	ssyncset.done $0x0  }
0x105: {  	[sflag:s14] =	ssyncadd.s32 $0xFFFFD800  }
0x106: {  	[tilespmem:s18], [sflag:$0x1] =	stream.indirect.gather [spmem:s1], $0x50, s16, s17, $0xb8;
	[tilespmem:$0x1F000] =	vst v63  }
0x107: {  	_ =	swait.ge [sflag:s21], $0x2800  }
0x108: {  	[sflag:s21] =	ssyncset.done $0x0  }
0x109: {  	[sflag:s21] =	ssyncadd.s32 $0xFFFFD800  }
0x10a: {  	[spmem:s3] =	stream.indirect.scatter.add.f32 [tilespmem:s19], [sflag:$0x3], $0x50, s12, s17, $0xb8;
	[tilespmem:$0x1F000] =	vst v63  }
0x10b: {  	_ =	swait.ge [sflag:s14], $0x2800  }
0x10c: {  	[sflag:s14] =	ssyncset.done $0x0  }
0x10d: {  	[sflag:s14] =	ssyncadd.s32 $0xFFFFD800  }
0x10e: {  	[tilespmem:s19], [sflag:$0x2] =	stream.indirect.gather [spmem:s1], $0x50, s13, s17, $0xb8;
	[tilespmem:$0x1F000] =	vst v63  }
0x10f: {  	_ =	swait.ge [sflag:s11], $0x2800  }
0x110: {  	[sflag:s11] =	ssyncset.done $0x0  }
0x111: {  	[sflag:s11] =	ssyncadd.s32 $0xFFFFD800  }
0x112: {  	[spmem:s3] =	stream.indirect.scatter.add.f32 [tilespmem:s18], [sflag:$0x3], $0x50, s15, s17, $0xb8;
	[tilespmem:$0x1F000] =	vst v63  }
0x113: {  	_ =	swait.ge [sflag:s14], $0x2800  }
0x114: {  	[sflag:s14] =	ssyncset.done $0x0  }
0x115: {  	[sflag:s14] =	ssyncadd.s32 $0xFFFFD800  }
0x116: {  	[tilespmem:s18], [sflag:$0x1] =	stream.indirect.gather [spmem:s1], $0x50, s6, s17, $0xb8;
	[tilespmem:$0x1F000] =	vst v63  }
0x117: {  	_ =	swait.ge [sflag:s21], $0x2800  }
0x118: {  	[sflag:s21] =	ssyncset.done $0x0  }
0x119: {  	[sflag:s21] =	ssyncadd.s32 $0xFFFFD800  }
0x11a: {  	[spmem:s3] =	stream.indirect.scatter.add.f32 [tilespmem:s19], [sflag:$0x3], $0x50, s20, s17, $0xb8;
	[tilespmem:$0x1F000] =	vst v63  }
0x11b: {  	_ =	swait.ge [sflag:s14], $0x2800  }
0x11c: {  	[sflag:s14] =	ssyncset.done $0x0  }
0x11d: {  	[sflag:s14] =	ssyncadd.s32 $0xFFFFD800  }
0x11e: {  	[tilespmem:s19], [sflag:$0x2] =	stream.indirect.gather [spmem:s1], $0x50, s25, s17, $0xb8;
	[tilespmem:$0x1F000] =	vst v63  }
0x11f: {  	_ =	swait.ge [sflag:s11], $0x2800  }
0x120: {  	[sflag:s11] =	ssyncset.done $0x0  }
0x121: {  	[sflag:s11] =	ssyncadd.s32 $0xFFFFD800  }
0x122: {  	[spmem:s3] =	stream.indirect.scatter.add.f32 [tilespmem:s18], [sflag:$0x3], $0x50, s26, s17, $0xb8;
	[tilespmem:$0x1F000] =	vst v63  }
0x123: {  	_ =	swait.ge [sflag:s14], $0x2800  }
0x124: {  	[sflag:s14] =	ssyncset.done $0x0  }
0x125: {  	[sflag:s14] =	ssyncadd.s32 $0xFFFFD800  }
0x126: {  	[tilespmem:s18], [sflag:$0x1] =	stream.indirect.gather [spmem:s1], $0x50, s28, s17, $0xb8;
	[tilespmem:$0x1F000] =	vst v63  }
0x127: {  	_ =	swait.ge [sflag:s21], $0x2800  }
0x128: {  	[sflag:s21] =	ssyncset.done $0x0  }
0x129: {  	[sflag:s21] =	ssyncadd.s32 $0xFFFFD800  }
0x12a: {  	[spmem:s3] =	stream.indirect.scatter.add.f32 [tilespmem:s19], [sflag:$0x3], $0x50, s29, s17, $0xb8;
	[tilespmem:$0x1F000] =	vst v63  }
0x12b: {  	_ =	swait.ge [sflag:s14], $0x2800  }
0x12c: {  	[sflag:s14] =	ssyncset.done $0x0  }
0x12d: {  	[sflag:s14] =	ssyncadd.s32 $0xFFFFD800  }
0x12e: {  	[tilespmem:s19], [sflag:$0x2] =	stream.indirect.gather [spmem:s1], $0x50, s30, s17, $0xb8;
	[tilespmem:$0x1F000] =	vst v63  }
0x12f: {  	_ =	swait.ge [sflag:s11], $0x2800  }
0x130: {  	[sflag:s11] =	ssyncset.done $0x0  }
0x131: {  	[sflag:s11] =	ssyncadd.s32 $0xFFFFD800  }
0x132: {  	[spmem:s3] =	stream.indirect.scatter.add.f32 [tilespmem:s18], [sflag:$0x3], $0x50, s31, s17, $0xb8;
	[tilespmem:$0x1F000] =	vst v63  }
0x133: {  	_ =	swait.ge [sflag:s14], $0x2800  }
0x134: {  	[sflag:s14] =	ssyncset.done $0x0  }
0x135: {  	[sflag:s14] =	ssyncadd.s32 $0xFFFFD800  }
0x136: {  	_ =	swait.ge [sflag:s21], $0x2800  }
.Ltmp0:
0x137: {  	[sflag:s21] =	ssyncset.done $0x0;
	(pc) =	sbr.rel @p0 .LBB2_2-.Ltmp0, $4  }
0x138: {  	[sflag:s21] =	ssyncadd.s32 $0xFFFFD800  }
0x139: {  	[spmem:s3] =	stream.indirect.scatter.add.f32 [tilespmem:s19], [sflag:$0x3], $0x50, s0, s17, $0xb8;
	[tilespmem:$0x1F000] =	vst v63  }
0x13a: {  	_ =	swait.ge [sflag:s14], $0x2800  }
0x13b: {  	s24 =	smov.u32 s5;
	[sflag:s14] =	ssyncset.done $0x0  }
0x13c: {  	s0 =	rddreg [dreg:$0x4]  }
0x13d: {  	[sflag:s14] =	ssyncadd.s32 $0xFFFFD800;
	s5 =	sadd.s32 s22, s0  }
0x13e: {  	[tilespmem:s4], [sflag:$0x3] =	stream.linear.gather [hbm4b:s5+s4], $0x800, $0x38;
	[tilespmem:$0x1F000] =	vst v63  }
0x13f: {  	_ =	swait.ge [sflag:s14], $0x800  }
0x140: {  	[sflag:s14] =	ssyncset.done $0x0;
	s2 =	rddreg [dreg:$0x5]  }
0x141: {  	s6 =	simm.s32 $0x800;
	[sflag:s14] =	ssyncadd.s32 $0xFFFFF800;
	s9 =	sadd.s32 s22, s2  }
0x142: {  	[tilespmem:s6], [sflag:$0x3] =	stream.linear.gather [hbm4b:s9+s4], $0x800, $0x38;
	[tilespmem:$0x1F000] =	vst v63  }
0x143: {  	_ =	swait.ge [sflag:s14], $0x800  }
0x144: {  	[sflag:s14] =	ssyncset.done $0x0  }
0x145: {  	[sflag:s14] =	ssyncadd.s32 $0xFFFFF800  }
0x146: {  	[tilespmem:s18], [sflag:$0x1] =	stream.indirect.gather [spmem:s1], $0x50, s4, s17, $0xb8;
	[tilespmem:$0x1F000] =	vst v63  }
0x147: {  	_ = 	snop  }
0x148: {  	[tilespmem:s19], [sflag:$0x2] =	stream.indirect.gather [spmem:s1], $0x50, s17, s17, $0xb8;
	[tilespmem:$0x1F000] =	vst v63  }
0x149: {  	_ =	swait.ge [sflag:s11], $0x2800  }
0x14a: {  	[sflag:s11] =	ssyncset.done $0x0  }
0x14b: {  	[sflag:s11] =	ssyncadd.s32 $0xFFFFD800  }
0x14c: {  	[spmem:s3] =	stream.indirect.scatter.add.f32 [tilespmem:s18], [sflag:$0x3], $0x50, s6, s17, $0xb8;
	[tilespmem:$0x1F000] =	vst v63  }
0x14d: {  	_ =	swait.ge [sflag:s14], $0x2800  }
0x14e: {  	[sflag:s14] =	ssyncset.done $0x0  }
0x14f: {  	s7 =	simm.s32 $0x100;
	[sflag:s14] =	ssyncadd.s32 $0xFFFFD800  }
0x150: {  	[tilespmem:s18], [sflag:$0x1] =	stream.indirect.gather [spmem:s1], $0x50, s7, s17, $0xb8;
	[tilespmem:$0x1F000] =	vst v63  }
0x151: {  	_ =	swait.ge [sflag:s21], $0x2800  }
0x152: {  	[sflag:s21] =	ssyncset.done $0x0  }
0x153: {  	s8 =	simm.s32 $0x880;
	[sflag:s21] =	ssyncadd.s32 $0xFFFFD800  }
0x154: {  	[spmem:s3] =	stream.indirect.scatter.add.f32 [tilespmem:s19], [sflag:$0x3], $0x50, s8, s17, $0xb8;
	[tilespmem:$0x1F000] =	vst v63  }
0x155: {  	_ =	swait.ge [sflag:s14], $0x2800  }
0x156: {  	[sflag:s14] =	ssyncset.done $0x0  }
0x157: {  	s9 =	simm.s32 $0x180;
	[sflag:s14] =	ssyncadd.s32 $0xFFFFD800  }
0x158: {  	[tilespmem:s19], [sflag:$0x2] =	stream.indirect.gather [spmem:s1], $0x50, s9, s17, $0xb8;
	[tilespmem:$0x1F000] =	vst v63  }
0x159: {  	_ =	swait.ge [sflag:s11], $0x2800  }
0x15a: {  	[sflag:s11] =	ssyncset.done $0x0  }
0x15b: {  	s13 =	simm.s32 $0x900;
	[sflag:s11] =	ssyncadd.s32 $0xFFFFD800  }
0x15c: {  	[spmem:s3] =	stream.indirect.scatter.add.f32 [tilespmem:s18], [sflag:$0x3], $0x50, s13, s17, $0xb8;
	[tilespmem:$0x1F000] =	vst v63  }
0x15d: {  	_ =	swait.ge [sflag:s14], $0x2800  }
0x15e: {  	[sflag:s14] =	ssyncset.done $0x0  }
0x15f: {  	s15 =	simm.s32 $0x200;
	[sflag:s14] =	ssyncadd.s32 $0xFFFFD800  }
0x160: {  	[tilespmem:s18], [sflag:$0x1] =	stream.indirect.gather [spmem:s1], $0x50, s15, s17, $0xb8;
	[tilespmem:$0x1F000] =	vst v63  }
0x161: {  	_ =	swait.ge [sflag:s21], $0x2800  }
0x162: {  	[sflag:s21] =	ssyncset.done $0x0  }
0x163: {  	s16 =	simm.s32 $0x980;
	[sflag:s21] =	ssyncadd.s32 $0xFFFFD800  }
0x164: {  	[spmem:s3] =	stream.indirect.scatter.add.f32 [tilespmem:s19], [sflag:$0x3], $0x50, s16, s17, $0xb8;
	[tilespmem:$0x1F000] =	vst v63  }
0x165: {  	_ =	swait.ge [sflag:s14], $0x2800  }
0x166: {  	[sflag:s14] =	ssyncset.done $0x0  }
0x167: {  	s20 =	simm.s32 $0x280;
	[sflag:s14] =	ssyncadd.s32 $0xFFFFD800  }
0x168: {  	[tilespmem:s19], [sflag:$0x2] =	stream.indirect.gather [spmem:s1], $0x50, s20, s17, $0xb8;
	[tilespmem:$0x1F000] =	vst v63  }
0x169: {  	_ =	swait.ge [sflag:s11], $0x2800  }
0x16a: {  	[sflag:s11] =	ssyncset.done $0x0  }
0x16b: {  	s25 =	simm.s32 $0xA00;
	[sflag:s11] =	ssyncadd.s32 $0xFFFFD800  }
0x16c: {  	[spmem:s3] =	stream.indirect.scatter.add.f32 [tilespmem:s18], [sflag:$0x3], $0x50, s25, s17, $0xb8;
	[tilespmem:$0x1F000] =	vst v63  }
0x16d: {  	_ =	swait.ge [sflag:s14], $0x2800  }
0x16e: {  	[sflag:s14] =	ssyncset.done $0x0  }
0x16f: {  	s26 =	simm.s32 $0x300;
	[sflag:s14] =	ssyncadd.s32 $0xFFFFD800  }
0x170: {  	[tilespmem:s18], [sflag:$0x1] =	stream.indirect.gather [spmem:s1], $0x50, s26, s17, $0xb8;
	[tilespmem:$0x1F000] =	vst v63  }
0x171: {  	_ =	swait.ge [sflag:s21], $0x2800  }
0x172: {  	[sflag:s21] =	ssyncset.done $0x0  }
0x173: {  	s28 =	simm.s32 $0xA80;
	[sflag:s21] =	ssyncadd.s32 $0xFFFFD800  }
0x174: {  	[spmem:s3] =	stream.indirect.scatter.add.f32 [tilespmem:s19], [sflag:$0x3], $0x50, s28, s17, $0xb8;
	[tilespmem:$0x1F000] =	vst v63  }
0x175: {  	_ =	swait.ge [sflag:s14], $0x2800  }
0x176: {  	[sflag:s14] =	ssyncset.done $0x0  }
0x177: {  	s29 =	simm.s32 $0x380;
	[sflag:s14] =	ssyncadd.s32 $0xFFFFD800  }
0x178: {  	[tilespmem:s19], [sflag:$0x2] =	stream.indirect.gather [spmem:s1], $0x50, s29, s17, $0xb8;
	[tilespmem:$0x1F000] =	vst v63  }
0x179: {  	_ =	swait.ge [sflag:s11], $0x2800  }
0x17a: {  	[sflag:s11] =	ssyncset.done $0x0  }
0x17b: {  	s30 =	simm.s32 $0xB00;
	[sflag:s11] =	ssyncadd.s32 $0xFFFFD800  }
0x17c: {  	[spmem:s3] =	stream.indirect.scatter.add.f32 [tilespmem:s18], [sflag:$0x3], $0x50, s30, s17, $0xb8;
	[tilespmem:$0x1F000] =	vst v63  }
0x17d: {  	_ =	swait.ge [sflag:s14], $0x2800  }
0x17e: {  	[sflag:s14] =	ssyncset.done $0x0  }
0x17f: {  	s31 =	simm.s32 $0x400;
	[sflag:s14] =	ssyncadd.s32 $0xFFFFD800  }
0x180: {  	[tilespmem:s18], [sflag:$0x1] =	stream.indirect.gather [spmem:s1], $0x50, s31, s17, $0xb8;
	[tilespmem:$0x1F000] =	vst v63  }
0x181: {  	_ =	swait.ge [sflag:s21], $0x2800  }
0x182: {  	[sflag:s21] =	ssyncset.done $0x0  }
0x183: {  	s10 =	simm.s32 $0xB80;
	[sflag:s21] =	ssyncadd.s32 $0xFFFFD800  }
0x184: {  	[spmem:s3] =	stream.indirect.scatter.add.f32 [tilespmem:s19], [sflag:$0x3], $0x50, s10, s17, $0xb8;
	[tilespmem:$0x1F000] =	vst v63  }
0x185: {  	_ =	swait.ge [sflag:s14], $0x2800  }
0x186: {  	[sflag:s14] =	ssyncset.done $0x0  }
0x187: {  	s12 =	simm.s32 $0x480;
	[sflag:s14] =	ssyncadd.s32 $0xFFFFD800  }
0x188: {  	[tilespmem:s19], [sflag:$0x2] =	stream.indirect.gather [spmem:s1], $0x50, s12, s17, $0xb8;
	[tilespmem:$0x1F000] =	vst v63  }
0x189: {  	_ =	swait.ge [sflag:s11], $0x2800  }
0x18a: {  	[sflag:s11] =	ssyncset.done $0x0  }
0x18b: {  	s22 =	simm.s32 $0xC00;
	[sflag:s11] =	ssyncadd.s32 $0xFFFFD800  }
0x18c: {  	[spmem:s3] =	stream.indirect.scatter.add.f32 [tilespmem:s18], [sflag:$0x3], $0x50, s22, s17, $0xb8;
	[tilespmem:$0x1F000] =	vst v63  }
0x18d: {  	_ =	swait.ge [sflag:s14], $0x2800  }
0x18e: {  	[sflag:s14] =	ssyncset.done $0x0  }
0x18f: {  	s23 =	simm.s32 $0x500;
	[sflag:s14] =	ssyncadd.s32 $0xFFFFD800  }
0x190: {  	[tilespmem:s18], [sflag:$0x1] =	stream.indirect.gather [spmem:s1], $0x50, s23, s17, $0xb8;
	[tilespmem:$0x1F000] =	vst v63  }
0x191: {  	_ =	swait.ge [sflag:s21], $0x2800  }
0x192: {  	[sflag:s21] =	ssyncset.done $0x0  }
0x193: {  	s24 =	simm.s32 $0xC80;
	[sflag:s21] =	ssyncadd.s32 $0xFFFFD800  }
0x194: {  	[spmem:s3] =	stream.indirect.scatter.add.f32 [tilespmem:s19], [sflag:$0x3], $0x50, s24, s17, $0xb8;
	[tilespmem:$0x1F000] =	vst v63  }
0x195: {  	_ =	swait.ge [sflag:s14], $0x2800  }
0x196: {  	[sflag:s14] =	ssyncset.done $0x0  }
0x197: {  	s10 =	simm.s32 $0x580;
	[sflag:s14] =	ssyncadd.s32 $0xFFFFD800  }
0x198: {  	[tilespmem:s19], [sflag:$0x2] =	stream.indirect.gather [spmem:s1], $0x50, s10, s17, $0xb8;
	[tilespmem:$0x1F000] =	vst v63  }
0x199: {  	_ =	swait.ge [sflag:s11], $0x2800  }
0x19a: {  	[sflag:s11] =	ssyncset.done $0x0  }
0x19b: {  	s12 =	simm.s32 $0xD00;
	[sflag:s11] =	ssyncadd.s32 $0xFFFFD800  }
0x19c: {  	[spmem:s3] =	stream.indirect.scatter.add.f32 [tilespmem:s18], [sflag:$0x3], $0x50, s12, s17, $0xb8;
	[tilespmem:$0x1F000] =	vst v63  }
0x19d: {  	_ =	swait.ge [sflag:s14], $0x2800  }
0x19e: {  	[sflag:s14] =	ssyncset.done $0x0  }
0x19f: {  	s22 =	simm.s32 $0x600;
	[sflag:s14] =	ssyncadd.s32 $0xFFFFD800  }
0x1a0: {  	[tilespmem:s18], [sflag:$0x1] =	stream.indirect.gather [spmem:s1], $0x50, s22, s17, $0xb8;
	[tilespmem:$0x1F000] =	vst v63  }
0x1a1: {  	_ =	swait.ge [sflag:s21], $0x2800  }
0x1a2: {  	[sflag:s21] =	ssyncset.done $0x0  }
0x1a3: {  	s23 =	simm.s32 $0xD80;
	[sflag:s21] =	ssyncadd.s32 $0xFFFFD800  }
0x1a4: {  	[spmem:s3] =	stream.indirect.scatter.add.f32 [tilespmem:s19], [sflag:$0x3], $0x50, s23, s17, $0xb8;
	[tilespmem:$0x1F000] =	vst v63  }
0x1a5: {  	_ =	swait.ge [sflag:s14], $0x2800  }
0x1a6: {  	[sflag:s14] =	ssyncset.done $0x0  }
0x1a7: {  	s24 =	simm.s32 $0x680;
	[sflag:s14] =	ssyncadd.s32 $0xFFFFD800  }
0x1a8: {  	[tilespmem:s19], [sflag:$0x2] =	stream.indirect.gather [spmem:s1], $0x50, s24, s17, $0xb8;
	[tilespmem:$0x1F000] =	vst v63  }
0x1a9: {  	_ =	swait.ge [sflag:s11], $0x2800  }
0x1aa: {  	[sflag:s11] =	ssyncset.done $0x0  }
0x1ab: {  	s10 =	simm.s32 $0xE00;
	[sflag:s11] =	ssyncadd.s32 $0xFFFFD800  }
0x1ac: {  	[spmem:s3] =	stream.indirect.scatter.add.f32 [tilespmem:s18], [sflag:$0x3], $0x50, s10, s17, $0xb8;
	[tilespmem:$0x1F000] =	vst v63  }
0x1ad: {  	_ =	swait.ge [sflag:s14], $0x2800  }
0x1ae: {  	[sflag:s14] =	ssyncset.done $0x0  }
0x1af: {  	s12 =	simm.s32 $0x700;
	[sflag:s14] =	ssyncadd.s32 $0xFFFFD800  }
0x1b0: {  	[tilespmem:s18], [sflag:$0x1] =	stream.indirect.gather [spmem:s1], $0x50, s12, s17, $0xb8;
	[tilespmem:$0x1F000] =	vst v63  }
0x1b1: {  	_ =	swait.ge [sflag:s21], $0x2800  }
0x1b2: {  	[sflag:s21] =	ssyncset.done $0x0  }
0x1b3: {  	s22 =	simm.s32 $0xE80;
	[sflag:s21] =	ssyncadd.s32 $0xFFFFD800  }
0x1b4: {  	[spmem:s3] =	stream.indirect.scatter.add.f32 [tilespmem:s19], [sflag:$0x3], $0x50, s22, s17, $0xb8;
	[tilespmem:$0x1F000] =	vst v63  }
0x1b5: {  	_ =	swait.ge [sflag:s14], $0x2800  }
0x1b6: {  	[sflag:s14] =	ssyncset.done $0x0  }
0x1b7: {  	s23 =	simm.s32 $0x780;
	[sflag:s14] =	ssyncadd.s32 $0xFFFFD800  }
0x1b8: {  	[tilespmem:s19], [sflag:$0x2] =	stream.indirect.gather [spmem:s1], $0x50, s23, s17, $0xb8;
	[tilespmem:$0x1F000] =	vst v63  }
0x1b9: {  	_ =	swait.ge [sflag:s11], $0x2800  }
0x1ba: {  	[sflag:s11] =	ssyncset.done $0x0  }
0x1bb: {  	s24 =	simm.s32 $0xF00;
	[sflag:s11] =	ssyncadd.s32 $0xFFFFD800  }
0x1bc: {  	[spmem:s3] =	stream.indirect.scatter.add.f32 [tilespmem:s18], [sflag:$0x3], $0x50, s24, s17, $0xb8;
	[tilespmem:$0x1F000] =	vst v63  }
0x1bd: {  	_ =	swait.ge [sflag:s14], $0x2800  }
0x1be: {  	[sflag:s14] =	ssyncset.done $0x0  }
0x1bf: {  	[sflag:s14] =	ssyncadd.s32 $0xFFFFD800  }
0x1c0: {  	_ =	swait.ge [sflag:s21], $0x2800  }
0x1c1: {  	[sflag:s21] =	ssyncset.done $0x0  }
0x1c2: {  	s10 =	simm.s32 $0xF80;
	[sflag:s21] =	ssyncadd.s32 $0xFFFFD800  }
0x1c3: {  	[spmem:s3] =	stream.indirect.scatter.add.f32 [tilespmem:s19], [sflag:$0x3], $0x50, s10, s17, $0xb8;
	[tilespmem:$0x1F000] =	vst v63  }
0x1c4: {  	_ =	swait.ge [sflag:s14], $0x2800  }
0x1c5: {  	[sflag:s14] =	ssyncset.done $0x0  }
0x1c6: {  	[sflag:s14] =	ssyncadd.s32 $0xFFFFD800  }
0x1c7: {  	[bflag:$0x0] =	sbarrier.arrive $0xFFFF  }
0x1c8: {  	s5 =	rddreg [dreg:$0x7]  }
0x1c9: {  	s24 =	rddreg [dreg:$0xa]  }
0x1ca: {  	s22 =	simm.s32 $0xA;
	s23 =	simm.s32 $0x10;
	s10 =	rddreg [dreg:$0xb]  }
0x1cb: {  	[hbm:s10@s23], [sflag:s5] =	dma.strided [spmem:s24@s22], $0x1900, s11, $0xa   }
0x1cc: {  	_ =	swait.ge [sflag:s14], $0x1900  }
0x1cd: {  	[sflag:s14] =	ssyncset.done $0x0;
	s10 =	rddreg [dreg:$0x9]  }
0x1ce: {  	s12 =	rddreg [dreg:$0xc];
	[sflag:s14] =	ssyncadd.s32 $0xFFFFE700  }
0x1cf: {  	[spmem:s10@s22], [sflag:s5] =	dma.strided [hbm:s12@s23], $0x1900, s11, $0xa   }
0x1d0: {  	_ =	swait.ge [sflag:s14], $0x1900  }
0x1d1: {  	[sflag:s14] =	ssyncset.done $0x0  }
0x1d2: {  	[sflag:s14] =	ssyncadd.s32 $0xFFFFE700  }
0x1d3: {  	[spmem:s24@s22], [sflag:s5] =	dma.strided [hbm:s12@s23], $0x1900, s11, $0xa   }
0x1d4: {  	_ =	swait.ge [sflag:s14], $0x1900  }
0x1d5: {  	[sflag:s14] =	ssyncset.done $0x0  }
0x1d6: {  	[sflag:s14] =	ssyncadd.s32 $0xFFFFE700  }
0x1d7: {  	s12 =	sadd.s32 $0x0, s0;
	[bflag:$0x0] =	sbarrier.arrive $0xFFFF  }
0x1d8: {  	[tilespmem:s4], [sflag:$0x3] =	stream.linear.gather [hbm4b:s12+s4], $0x800, $0x38;
	[tilespmem:$0x1F000] =	vst v63  }
0x1d9: {  	_ =	swait.ge [sflag:s14], $0x800  }
0x1da: {  	[sflag:s14] =	ssyncset.done $0x0  }
0x1db: {  	s22 =	sadd.s32 $0x0, s2;
	[sflag:s14] =	ssyncadd.s32 $0xFFFFF800  }
0x1dc: {  	[tilespmem:s6], [sflag:$0x3] =	stream.linear.gather [hbm4b:s22+s4], $0x800, $0x38;
	[tilespmem:$0x1F000] =	vst v63  }
0x1dd: {  	_ =	swait.ge [sflag:s14], $0x800  }
0x1de: {  	[sflag:s14] =	ssyncset.done $0x0  }
0x1df: {  	[sflag:s14] =	ssyncadd.s32 $0xFFFFF800  }
0x1e0: {  	[tilespmem:s18], [sflag:$0x1] =	stream.indirect.gather [spmem:s1], $0x50, s4, s17, $0xb8;
	[tilespmem:$0x1F000] =	vst v63  }
0x1e1: {  	_ = 	snop  }
0x1e2: {  	[tilespmem:s19], [sflag:$0x2] =	stream.indirect.gather [spmem:s1], $0x50, s17, s17, $0xb8;
	[tilespmem:$0x1F000] =	vst v63  }
0x1e3: {  	_ =	swait.ge [sflag:s11], $0x2800  }
0x1e4: {  	[sflag:s11] =	ssyncset.done $0x0  }
0x1e5: {  	[sflag:s11] =	ssyncadd.s32 $0xFFFFD800  }
0x1e6: {  	[spmem:s3] =	stream.indirect.scatter.add.f32 [tilespmem:s18], [sflag:$0x3], $0x50, s6, s17, $0xb8;
	[tilespmem:$0x1F000] =	vst v63  }
0x1e7: {  	_ =	swait.ge [sflag:s14], $0x2800  }
0x1e8: {  	[sflag:s14] =	ssyncset.done $0x0  }
0x1e9: {  	[sflag:s14] =	ssyncadd.s32 $0xFFFFD800  }
0x1ea: {  	[tilespmem:s18], [sflag:$0x1] =	stream.indirect.gather [spmem:s1], $0x50, s7, s17, $0xb8;
	[tilespmem:$0x1F000] =	vst v63  }
0x1eb: {  	_ =	swait.ge [sflag:s21], $0x2800  }
0x1ec: {  	[sflag:s21] =	ssyncset.done $0x0  }
0x1ed: {  	[sflag:s21] =	ssyncadd.s32 $0xFFFFD800  }
0x1ee: {  	[spmem:s3] =	stream.indirect.scatter.add.f32 [tilespmem:s19], [sflag:$0x3], $0x50, s8, s17, $0xb8;
	[tilespmem:$0x1F000] =	vst v63  }
0x1ef: {  	_ =	swait.ge [sflag:s14], $0x2800  }
0x1f0: {  	[sflag:s14] =	ssyncset.done $0x0  }
0x1f1: {  	[sflag:s14] =	ssyncadd.s32 $0xFFFFD800  }
0x1f2: {  	[tilespmem:s19], [sflag:$0x2] =	stream.indirect.gather [spmem:s1], $0x50, s9, s17, $0xb8;
	[tilespmem:$0x1F000] =	vst v63  }
0x1f3: {  	_ =	swait.ge [sflag:s11], $0x2800  }
0x1f4: {  	[sflag:s11] =	ssyncset.done $0x0  }
0x1f5: {  	[sflag:s11] =	ssyncadd.s32 $0xFFFFD800  }
0x1f6: {  	[spmem:s3] =	stream.indirect.scatter.add.f32 [tilespmem:s18], [sflag:$0x3], $0x50, s13, s17, $0xb8;
	[tilespmem:$0x1F000] =	vst v63  }
0x1f7: {  	_ =	swait.ge [sflag:s14], $0x2800  }
0x1f8: {  	[sflag:s14] =	ssyncset.done $0x0  }
0x1f9: {  	[sflag:s14] =	ssyncadd.s32 $0xFFFFD800  }
0x1fa: {  	[tilespmem:s18], [sflag:$0x1] =	stream.indirect.gather [spmem:s1], $0x50, s15, s17, $0xb8;
	[tilespmem:$0x1F000] =	vst v63  }
0x1fb: {  	_ =	swait.ge [sflag:s21], $0x2800  }
0x1fc: {  	[sflag:s21] =	ssyncset.done $0x0  }
0x1fd: {  	[sflag:s21] =	ssyncadd.s32 $0xFFFFD800  }
0x1fe: {  	[spmem:s3] =	stream.indirect.scatter.add.f32 [tilespmem:s19], [sflag:$0x3], $0x50, s16, s17, $0xb8;
	[tilespmem:$0x1F000] =	vst v63  }
0x1ff: {  	_ =	swait.ge [sflag:s14], $0x2800  }
0x200: {  	[sflag:s14] =	ssyncset.done $0x0  }
0x201: {  	[sflag:s14] =	ssyncadd.s32 $0xFFFFD800  }
0x202: {  	[tilespmem:s19], [sflag:$0x2] =	stream.indirect.gather [spmem:s1], $0x50, s20, s17, $0xb8;
	[tilespmem:$0x1F000] =	vst v63  }
0x203: {  	_ =	swait.ge [sflag:s11], $0x2800  }
0x204: {  	[sflag:s11] =	ssyncset.done $0x0  }
0x205: {  	[sflag:s11] =	ssyncadd.s32 $0xFFFFD800  }
0x206: {  	[spmem:s3] =	stream.indirect.scatter.add.f32 [tilespmem:s18], [sflag:$0x3], $0x50, s25, s17, $0xb8;
	[tilespmem:$0x1F000] =	vst v63  }
0x207: {  	_ =	swait.ge [sflag:s14], $0x2800  }
0x208: {  	[sflag:s14] =	ssyncset.done $0x0  }
0x209: {  	[sflag:s14] =	ssyncadd.s32 $0xFFFFD800  }
0x20a: {  	[tilespmem:s18], [sflag:$0x1] =	stream.indirect.gather [spmem:s1], $0x50, s26, s17, $0xb8;
	[tilespmem:$0x1F000] =	vst v63  }
0x20b: {  	_ =	swait.ge [sflag:s21], $0x2800  }
0x20c: {  	[sflag:s21] =	ssyncset.done $0x0  }
0x20d: {  	[sflag:s21] =	ssyncadd.s32 $0xFFFFD800  }
0x20e: {  	[spmem:s3] =	stream.indirect.scatter.add.f32 [tilespmem:s19], [sflag:$0x3], $0x50, s28, s17, $0xb8;
	[tilespmem:$0x1F000] =	vst v63  }
0x20f: {  	_ =	swait.ge [sflag:s14], $0x2800  }
0x210: {  	[sflag:s14] =	ssyncset.done $0x0  }
0x211: {  	[sflag:s14] =	ssyncadd.s32 $0xFFFFD800  }
0x212: {  	[tilespmem:s19], [sflag:$0x2] =	stream.indirect.gather [spmem:s1], $0x50, s29, s17, $0xb8;
	[tilespmem:$0x1F000] =	vst v63  }
0x213: {  	_ =	swait.ge [sflag:s11], $0x2800  }
0x214: {  	[sflag:s11] =	ssyncset.done $0x0  }
0x215: {  	[sflag:s11] =	ssyncadd.s32 $0xFFFFD800  }
0x216: {  	[spmem:s3] =	stream.indirect.scatter.add.f32 [tilespmem:s18], [sflag:$0x3], $0x50, s30, s17, $0xb8;
	[tilespmem:$0x1F000] =	vst v63  }
0x217: {  	_ =	swait.ge [sflag:s14], $0x2800  }
0x218: {  	[sflag:s14] =	ssyncset.done $0x0  }
0x219: {  	[sflag:s14] =	ssyncadd.s32 $0xFFFFD800  }
0x21a: {  	[tilespmem:s18], [sflag:$0x1] =	stream.indirect.gather [spmem:s1], $0x50, s31, s17, $0xb8;
	[tilespmem:$0x1F000] =	vst v63  }
0x21b: {  	_ =	swait.ge [sflag:s21], $0x2800  }
0x21c: {  	[sflag:s21] =	ssyncset.done $0x0  }
0x21d: {  	s23 =	simm.s32 $0xB80;
	[sflag:s21] =	ssyncadd.s32 $0xFFFFD800  }
0x21e: {  	[spmem:s3] =	stream.indirect.scatter.add.f32 [tilespmem:s19], [sflag:$0x3], $0x50, s23, s17, $0xb8;
	[tilespmem:$0x1F000] =	vst v63  }
0x21f: {  	_ =	swait.ge [sflag:s14], $0x2800  }
0x220: {  	[sflag:s14] =	ssyncset.done $0x0  }
0x221: {  	s24 =	simm.s32 $0x480;
	[sflag:s14] =	ssyncadd.s32 $0xFFFFD800  }
0x222: {  	[tilespmem:s19], [sflag:$0x2] =	stream.indirect.gather [spmem:s1], $0x50, s24, s17, $0xb8;
	[tilespmem:$0x1F000] =	vst v63  }
0x223: {  	_ =	swait.ge [sflag:s11], $0x2800  }
0x224: {  	[sflag:s11] =	ssyncset.done $0x0  }
0x225: {  	s25 =	simm.s32 $0xC00;
	[sflag:s11] =	ssyncadd.s32 $0xFFFFD800  }
0x226: {  	[spmem:s3] =	stream.indirect.scatter.add.f32 [tilespmem:s18], [sflag:$0x3], $0x50, s25, s17, $0xb8;
	[tilespmem:$0x1F000] =	vst v63  }
0x227: {  	_ =	swait.ge [sflag:s14], $0x2800  }
0x228: {  	[sflag:s14] =	ssyncset.done $0x0  }
0x229: {  	s26 =	simm.s32 $0x500;
	[sflag:s14] =	ssyncadd.s32 $0xFFFFD800  }
0x22a: {  	[tilespmem:s18], [sflag:$0x1] =	stream.indirect.gather [spmem:s1], $0x50, s26, s17, $0xb8;
	[tilespmem:$0x1F000] =	vst v63  }
0x22b: {  	_ =	swait.ge [sflag:s21], $0x2800  }
0x22c: {  	[sflag:s21] =	ssyncset.done $0x0  }
0x22d: {  	s5 =	simm.s32 $0xC80;
	[sflag:s21] =	ssyncadd.s32 $0xFFFFD800  }
0x22e: {  	[spmem:s3] =	stream.indirect.scatter.add.f32 [tilespmem:s19], [sflag:$0x3], $0x50, s5, s17, $0xb8;
	[tilespmem:$0x1F000] =	vst v63  }
0x22f: {  	_ =	swait.ge [sflag:s14], $0x2800  }
0x230: {  	[sflag:s14] =	ssyncset.done $0x0  }
0x231: {  	s6 =	simm.s32 $0x580;
	[sflag:s14] =	ssyncadd.s32 $0xFFFFD800  }
0x232: {  	[tilespmem:s19], [sflag:$0x2] =	stream.indirect.gather [spmem:s1], $0x50, s6, s17, $0xb8;
	[tilespmem:$0x1F000] =	vst v63  }
0x233: {  	_ =	swait.ge [sflag:s11], $0x2800  }
0x234: {  	[sflag:s11] =	ssyncset.done $0x0  }
0x235: {  	s10 =	simm.s32 $0xD00;
	[sflag:s11] =	ssyncadd.s32 $0xFFFFD800  }
0x236: {  	[spmem:s3] =	stream.indirect.scatter.add.f32 [tilespmem:s18], [sflag:$0x3], $0x50, s10, s17, $0xb8;
	[tilespmem:$0x1F000] =	vst v63  }
0x237: {  	_ =	swait.ge [sflag:s14], $0x2800  }
0x238: {  	[sflag:s14] =	ssyncset.done $0x0  }
0x239: {  	s20 =	simm.s32 $0x600;
	[sflag:s14] =	ssyncadd.s32 $0xFFFFD800  }
0x23a: {  	[tilespmem:s18], [sflag:$0x1] =	stream.indirect.gather [spmem:s1], $0x50, s20, s17, $0xb8;
	[tilespmem:$0x1F000] =	vst v63  }
0x23b: {  	_ =	swait.ge [sflag:s21], $0x2800  }
0x23c: {  	[sflag:s21] =	ssyncset.done $0x0  }
0x23d: {  	s22 =	simm.s32 $0xD80;
	[sflag:s21] =	ssyncadd.s32 $0xFFFFD800  }
0x23e: {  	[spmem:s3] =	stream.indirect.scatter.add.f32 [tilespmem:s19], [sflag:$0x3], $0x50, s22, s17, $0xb8;
	[tilespmem:$0x1F000] =	vst v63  }
0x23f: {  	_ =	swait.ge [sflag:s14], $0x2800  }
0x240: {  	[sflag:s14] =	ssyncset.done $0x0  }
0x241: {  	s23 =	simm.s32 $0x680;
	[sflag:s14] =	ssyncadd.s32 $0xFFFFD800  }
0x242: {  	[tilespmem:s19], [sflag:$0x2] =	stream.indirect.gather [spmem:s1], $0x50, s23, s17, $0xb8;
	[tilespmem:$0x1F000] =	vst v63  }
0x243: {  	_ =	swait.ge [sflag:s11], $0x2800  }
0x244: {  	[sflag:s11] =	ssyncset.done $0x0  }
0x245: {  	s24 =	simm.s32 $0xE00;
	[sflag:s11] =	ssyncadd.s32 $0xFFFFD800  }
0x246: {  	[spmem:s3] =	stream.indirect.scatter.add.f32 [tilespmem:s18], [sflag:$0x3], $0x50, s24, s17, $0xb8;
	[tilespmem:$0x1F000] =	vst v63  }
0x247: {  	_ =	swait.ge [sflag:s14], $0x2800  }
0x248: {  	[sflag:s14] =	ssyncset.done $0x0  }
0x249: {  	s5 =	simm.s32 $0x700;
	[sflag:s14] =	ssyncadd.s32 $0xFFFFD800  }
0x24a: {  	[tilespmem:s18], [sflag:$0x1] =	stream.indirect.gather [spmem:s1], $0x50, s5, s17, $0xb8;
	[tilespmem:$0x1F000] =	vst v63  }
0x24b: {  	_ =	swait.ge [sflag:s21], $0x2800  }
0x24c: {  	[sflag:s21] =	ssyncset.done $0x0  }
0x24d: {  	s10 =	simm.s32 $0xE80;
	[sflag:s21] =	ssyncadd.s32 $0xFFFFD800  }
0x24e: {  	[spmem:s3] =	stream.indirect.scatter.add.f32 [tilespmem:s19], [sflag:$0x3], $0x50, s10, s17, $0xb8;
	[tilespmem:$0x1F000] =	vst v63  }
0x24f: {  	_ =	swait.ge [sflag:s14], $0x2800  }
0x250: {  	[sflag:s14] =	ssyncset.done $0x0  }
0x251: {  	s22 =	simm.s32 $0x780;
	[sflag:s14] =	ssyncadd.s32 $0xFFFFD800  }
0x252: {  	[tilespmem:s19], [sflag:$0x2] =	stream.indirect.gather [spmem:s1], $0x50, s22, s17, $0xb8;
	[tilespmem:$0x1F000] =	vst v63  }
0x253: {  	s2 =	simm.s32 $0x400;
	_ =	swait.ge [sflag:s11], $0x2800  }
0x254: {  	s0 =	simm.s32 $0xF80;
	s12 =	simm.s32 $0xC80;
	[sflag:s11] =	ssyncset.done $0x0  }
0x255: {  	s7 =	simm.s32 $0x480;
	s23 =	simm.s32 $0xF00;
	[sflag:s11] =	ssyncadd.s32 $0xFFFFD800  }
0x256: {  	[spmem:s3] =	stream.indirect.scatter.add.f32 [tilespmem:s18], [sflag:$0x3], $0x50, s23, s17, $0xb8;
	[tilespmem:$0x1F000] =	vst v63  }
0x257: {  	s8 =	simm.s32 $0xC00;
	s9 =	simm.s32 $0xB80;
	_ =	swait.ge [sflag:s14], $0x2800  }
0x258: {  	s13 =	simm.s32 $0x580;
	s15 =	simm.s32 $0xD00;
	[sflag:s14] =	ssyncset.done $0x0  }
0x259: {  	s16 =	simm.s32 $0x500;
	s28 =	simm.s32 $0x700;
	[sflag:s14] =	ssyncadd.s32 $0xFFFFD800  }
0x25a: {  	s29 =	simm.s32 $0xE80;
	s30 =	simm.s32 $0x780;
	_ =	swait.ge [sflag:s21], $0x2800  }
0x25b: {  	s31 =	simm.s32 $0xF00;
	s25 =	simm.s32 $0x680;
	[sflag:s21] =	ssyncset.done $0x0  }
0x25c: {  	s26 =	simm.s32 $0xE00;
	s24 =	simm.s32 $0xF80;
	[sflag:s21] =	ssyncadd.s32 $0xFFFFD800  }
0x25d: {  	[spmem:s3] =	stream.indirect.scatter.add.f32 [tilespmem:s19], [sflag:$0x3], $0x50, s24, s17, $0xb8;
	[tilespmem:$0x1F000] =	vst v63  }
0x25e: {  	s6 =	simm.s32 $0x600;
	s20 =	simm.s32 $0xD80;
	_ =	swait.ge [sflag:s14], $0x2800  }
0x25f: {  	s5 =	simm.s32 $0x200;
	s22 =	simm.s32 $0x100;
	[sflag:s14] =	ssyncset.done $0x0  }
.LBB2_4:
0x260: {  	s10 =	rddreg [dreg:$0x4]  }
0x261: {  	[sflag:s14] =	ssyncadd.s32 $0xFFFFD800;
	s10 =	sadd.s32 s22, s10  }
0x262: {  	[tilespmem:s4], [sflag:$0x3] =	stream.linear.gather [hbm4b:s10+s4], $0x800, $0x38;
	[tilespmem:$0x1F000] =	vst v63  }
0x263: {  	_ =	swait.ge [sflag:s14], $0x800  }
0x264: {  	s23 =	smov.u32 s5;
	s24 =	sadd.s32 $0x100, s5;
	[sflag:s14] =	ssyncset.done $0x0  }
0x265: {  	p0 =	sne.s32 s5, $0x900;
	s10 =	rddreg [dreg:$0x5];
	[sflag:s14] =	ssyncadd.s32 $0xFFFFF800  }
0x266: {  	s5 =	sadd.s32 s22, s10;
	s22 =	smov.u32 s23;
	s23 =	simm.s32 $0x800  }
0x267: {  	[tilespmem:s23], [sflag:$0x3] =	stream.linear.gather [hbm4b:s5+s4], $0x800, $0x38;
	[tilespmem:$0x1F000] =	vst v63  }
0x268: {  	_ =	swait.ge [sflag:s14], $0x800  }
0x269: {  	[sflag:s14] =	ssyncset.done $0x0  }
0x26a: {  	[sflag:s14] =	ssyncadd.s32 $0xFFFFF800  }
0x26b: {  	[tilespmem:s18], [sflag:$0x1] =	stream.indirect.gather [spmem:s1], $0x50, s4, s17, $0xb8;
	[tilespmem:$0x1F000] =	vst v63  }
0x26c: {  	_ = 	snop  }
0x26d: {  	[tilespmem:s19], [sflag:$0x2] =	stream.indirect.gather [spmem:s1], $0x50, s17, s17, $0xb8;
	[tilespmem:$0x1F000] =	vst v63  }
0x26e: {  	_ =	swait.ge [sflag:s11], $0x2800  }
0x26f: {  	[sflag:s11] =	ssyncset.done $0x0  }
0x270: {  	[sflag:s11] =	ssyncadd.s32 $0xFFFFD800  }
0x271: {  	[spmem:s3] =	stream.indirect.scatter.add.f32 [tilespmem:s18], [sflag:$0x3], $0x50, s23, s17, $0xb8;
	[tilespmem:$0x1F000] =	vst v63  }
0x272: {  	_ =	swait.ge [sflag:s14], $0x2800  }
0x273: {  	[sflag:s14] =	ssyncset.done $0x0  }
0x274: {  	s10 =	simm.s32 $0x100;
	[sflag:s14] =	ssyncadd.s32 $0xFFFFD800  }
0x275: {  	[tilespmem:s18], [sflag:$0x1] =	stream.indirect.gather [spmem:s1], $0x50, s10, s17, $0xb8;
	[tilespmem:$0x1F000] =	vst v63  }
0x276: {  	_ =	swait.ge [sflag:s21], $0x2800  }
0x277: {  	[sflag:s21] =	ssyncset.done $0x0  }
0x278: {  	s23 =	simm.s32 $0x880;
	[sflag:s21] =	ssyncadd.s32 $0xFFFFD800  }
0x279: {  	[spmem:s3] =	stream.indirect.scatter.add.f32 [tilespmem:s19], [sflag:$0x3], $0x50, s23, s17, $0xb8;
	[tilespmem:$0x1F000] =	vst v63  }
0x27a: {  	_ =	swait.ge [sflag:s14], $0x2800  }
0x27b: {  	[sflag:s14] =	ssyncset.done $0x0  }
0x27c: {  	s10 =	simm.s32 $0x180;
	[sflag:s14] =	ssyncadd.s32 $0xFFFFD800  }
0x27d: {  	[tilespmem:s19], [sflag:$0x2] =	stream.indirect.gather [spmem:s1], $0x50, s10, s17, $0xb8;
	[tilespmem:$0x1F000] =	vst v63  }
0x27e: {  	_ =	swait.ge [sflag:s11], $0x2800  }
0x27f: {  	[sflag:s11] =	ssyncset.done $0x0  }
0x280: {  	s23 =	simm.s32 $0x900;
	[sflag:s11] =	ssyncadd.s32 $0xFFFFD800  }
0x281: {  	[spmem:s3] =	stream.indirect.scatter.add.f32 [tilespmem:s18], [sflag:$0x3], $0x50, s23, s17, $0xb8;
	[tilespmem:$0x1F000] =	vst v63  }
0x282: {  	_ =	swait.ge [sflag:s14], $0x2800  }
0x283: {  	[sflag:s14] =	ssyncset.done $0x0  }
0x284: {  	s10 =	simm.s32 $0x200;
	[sflag:s14] =	ssyncadd.s32 $0xFFFFD800  }
0x285: {  	[tilespmem:s18], [sflag:$0x1] =	stream.indirect.gather [spmem:s1], $0x50, s10, s17, $0xb8;
	[tilespmem:$0x1F000] =	vst v63  }
0x286: {  	_ =	swait.ge [sflag:s21], $0x2800  }
0x287: {  	[sflag:s21] =	ssyncset.done $0x0  }
0x288: {  	s23 =	simm.s32 $0x980;
	[sflag:s21] =	ssyncadd.s32 $0xFFFFD800  }
0x289: {  	[spmem:s3] =	stream.indirect.scatter.add.f32 [tilespmem:s19], [sflag:$0x3], $0x50, s23, s17, $0xb8;
	[tilespmem:$0x1F000] =	vst v63  }
0x28a: {  	_ =	swait.ge [sflag:s14], $0x2800  }
0x28b: {  	[sflag:s14] =	ssyncset.done $0x0  }
0x28c: {  	s10 =	simm.s32 $0x280;
	[sflag:s14] =	ssyncadd.s32 $0xFFFFD800  }
0x28d: {  	[tilespmem:s19], [sflag:$0x2] =	stream.indirect.gather [spmem:s1], $0x50, s10, s17, $0xb8;
	[tilespmem:$0x1F000] =	vst v63  }
0x28e: {  	_ =	swait.ge [sflag:s11], $0x2800  }
0x28f: {  	[sflag:s11] =	ssyncset.done $0x0  }
0x290: {  	s23 =	simm.s32 $0xA00;
	[sflag:s11] =	ssyncadd.s32 $0xFFFFD800  }
0x291: {  	[spmem:s3] =	stream.indirect.scatter.add.f32 [tilespmem:s18], [sflag:$0x3], $0x50, s23, s17, $0xb8;
	[tilespmem:$0x1F000] =	vst v63  }
0x292: {  	_ =	swait.ge [sflag:s14], $0x2800  }
0x293: {  	[sflag:s14] =	ssyncset.done $0x0  }
0x294: {  	s10 =	simm.s32 $0x300;
	[sflag:s14] =	ssyncadd.s32 $0xFFFFD800  }
0x295: {  	[tilespmem:s18], [sflag:$0x1] =	stream.indirect.gather [spmem:s1], $0x50, s10, s17, $0xb8;
	[tilespmem:$0x1F000] =	vst v63  }
0x296: {  	_ =	swait.ge [sflag:s21], $0x2800  }
0x297: {  	[sflag:s21] =	ssyncset.done $0x0  }
0x298: {  	s23 =	simm.s32 $0xA80;
	[sflag:s21] =	ssyncadd.s32 $0xFFFFD800  }
0x299: {  	[spmem:s3] =	stream.indirect.scatter.add.f32 [tilespmem:s19], [sflag:$0x3], $0x50, s23, s17, $0xb8;
	[tilespmem:$0x1F000] =	vst v63  }
0x29a: {  	_ =	swait.ge [sflag:s14], $0x2800  }
0x29b: {  	[sflag:s14] =	ssyncset.done $0x0  }
0x29c: {  	s10 =	simm.s32 $0x380;
	[sflag:s14] =	ssyncadd.s32 $0xFFFFD800  }
0x29d: {  	[tilespmem:s19], [sflag:$0x2] =	stream.indirect.gather [spmem:s1], $0x50, s10, s17, $0xb8;
	[tilespmem:$0x1F000] =	vst v63  }
0x29e: {  	_ =	swait.ge [sflag:s11], $0x2800  }
0x29f: {  	[sflag:s11] =	ssyncset.done $0x0  }
0x2a0: {  	s23 =	simm.s32 $0xB00;
	[sflag:s11] =	ssyncadd.s32 $0xFFFFD800  }
0x2a1: {  	[spmem:s3] =	stream.indirect.scatter.add.f32 [tilespmem:s18], [sflag:$0x3], $0x50, s23, s17, $0xb8;
	[tilespmem:$0x1F000] =	vst v63  }
0x2a2: {  	_ =	swait.ge [sflag:s14], $0x2800  }
0x2a3: {  	[sflag:s14] =	ssyncset.done $0x0  }
0x2a4: {  	[sflag:s14] =	ssyncadd.s32 $0xFFFFD800  }
0x2a5: {  	[tilespmem:s18], [sflag:$0x1] =	stream.indirect.gather [spmem:s1], $0x50, s2, s17, $0xb8;
	[tilespmem:$0x1F000] =	vst v63  }
0x2a6: {  	_ =	swait.ge [sflag:s21], $0x2800  }
0x2a7: {  	[sflag:s21] =	ssyncset.done $0x0  }
0x2a8: {  	[sflag:s21] =	ssyncadd.s32 $0xFFFFD800  }
0x2a9: {  	[spmem:s3] =	stream.indirect.scatter.add.f32 [tilespmem:s19], [sflag:$0x3], $0x50, s9, s17, $0xb8;
	[tilespmem:$0x1F000] =	vst v63  }
0x2aa: {  	_ =	swait.ge [sflag:s14], $0x2800  }
0x2ab: {  	[sflag:s14] =	ssyncset.done $0x0  }
0x2ac: {  	[sflag:s14] =	ssyncadd.s32 $0xFFFFD800  }
0x2ad: {  	[tilespmem:s19], [sflag:$0x2] =	stream.indirect.gather [spmem:s1], $0x50, s7, s17, $0xb8;
	[tilespmem:$0x1F000] =	vst v63  }
0x2ae: {  	_ =	swait.ge [sflag:s11], $0x2800  }
0x2af: {  	[sflag:s11] =	ssyncset.done $0x0  }
0x2b0: {  	[sflag:s11] =	ssyncadd.s32 $0xFFFFD800  }
0x2b1: {  	[spmem:s3] =	stream.indirect.scatter.add.f32 [tilespmem:s18], [sflag:$0x3], $0x50, s8, s17, $0xb8;
	[tilespmem:$0x1F000] =	vst v63  }
0x2b2: {  	_ =	swait.ge [sflag:s14], $0x2800  }
0x2b3: {  	[sflag:s14] =	ssyncset.done $0x0  }
0x2b4: {  	[sflag:s14] =	ssyncadd.s32 $0xFFFFD800  }
0x2b5: {  	[tilespmem:s18], [sflag:$0x1] =	stream.indirect.gather [spmem:s1], $0x50, s16, s17, $0xb8;
	[tilespmem:$0x1F000] =	vst v63  }
0x2b6: {  	_ =	swait.ge [sflag:s21], $0x2800  }
0x2b7: {  	[sflag:s21] =	ssyncset.done $0x0  }
0x2b8: {  	[sflag:s21] =	ssyncadd.s32 $0xFFFFD800  }
0x2b9: {  	[spmem:s3] =	stream.indirect.scatter.add.f32 [tilespmem:s19], [sflag:$0x3], $0x50, s12, s17, $0xb8;
	[tilespmem:$0x1F000] =	vst v63  }
0x2ba: {  	_ =	swait.ge [sflag:s14], $0x2800  }
0x2bb: {  	[sflag:s14] =	ssyncset.done $0x0  }
0x2bc: {  	[sflag:s14] =	ssyncadd.s32 $0xFFFFD800  }
0x2bd: {  	[tilespmem:s19], [sflag:$0x2] =	stream.indirect.gather [spmem:s1], $0x50, s13, s17, $0xb8;
	[tilespmem:$0x1F000] =	vst v63  }
0x2be: {  	_ =	swait.ge [sflag:s11], $0x2800  }
0x2bf: {  	[sflag:s11] =	ssyncset.done $0x0  }
0x2c0: {  	[sflag:s11] =	ssyncadd.s32 $0xFFFFD800  }
0x2c1: {  	[spmem:s3] =	stream.indirect.scatter.add.f32 [tilespmem:s18], [sflag:$0x3], $0x50, s15, s17, $0xb8;
	[tilespmem:$0x1F000] =	vst v63  }
0x2c2: {  	_ =	swait.ge [sflag:s14], $0x2800  }
0x2c3: {  	[sflag:s14] =	ssyncset.done $0x0  }
0x2c4: {  	[sflag:s14] =	ssyncadd.s32 $0xFFFFD800  }
0x2c5: {  	[tilespmem:s18], [sflag:$0x1] =	stream.indirect.gather [spmem:s1], $0x50, s6, s17, $0xb8;
	[tilespmem:$0x1F000] =	vst v63  }
0x2c6: {  	_ =	swait.ge [sflag:s21], $0x2800  }
0x2c7: {  	[sflag:s21] =	ssyncset.done $0x0  }
0x2c8: {  	[sflag:s21] =	ssyncadd.s32 $0xFFFFD800  }
0x2c9: {  	[spmem:s3] =	stream.indirect.scatter.add.f32 [tilespmem:s19], [sflag:$0x3], $0x50, s20, s17, $0xb8;
	[tilespmem:$0x1F000] =	vst v63  }
0x2ca: {  	_ =	swait.ge [sflag:s14], $0x2800  }
0x2cb: {  	[sflag:s14] =	ssyncset.done $0x0  }
0x2cc: {  	[sflag:s14] =	ssyncadd.s32 $0xFFFFD800  }
0x2cd: {  	[tilespmem:s19], [sflag:$0x2] =	stream.indirect.gather [spmem:s1], $0x50, s25, s17, $0xb8;
	[tilespmem:$0x1F000] =	vst v63  }
0x2ce: {  	_ =	swait.ge [sflag:s11], $0x2800  }
0x2cf: {  	[sflag:s11] =	ssyncset.done $0x0  }
0x2d0: {  	[sflag:s11] =	ssyncadd.s32 $0xFFFFD800  }
0x2d1: {  	[spmem:s3] =	stream.indirect.scatter.add.f32 [tilespmem:s18], [sflag:$0x3], $0x50, s26, s17, $0xb8;
	[tilespmem:$0x1F000] =	vst v63  }
0x2d2: {  	_ =	swait.ge [sflag:s14], $0x2800  }
0x2d3: {  	[sflag:s14] =	ssyncset.done $0x0  }
0x2d4: {  	[sflag:s14] =	ssyncadd.s32 $0xFFFFD800  }
0x2d5: {  	[tilespmem:s18], [sflag:$0x1] =	stream.indirect.gather [spmem:s1], $0x50, s28, s17, $0xb8;
	[tilespmem:$0x1F000] =	vst v63  }
0x2d6: {  	_ =	swait.ge [sflag:s21], $0x2800  }
0x2d7: {  	[sflag:s21] =	ssyncset.done $0x0  }
0x2d8: {  	[sflag:s21] =	ssyncadd.s32 $0xFFFFD800  }
0x2d9: {  	[spmem:s3] =	stream.indirect.scatter.add.f32 [tilespmem:s19], [sflag:$0x3], $0x50, s29, s17, $0xb8;
	[tilespmem:$0x1F000] =	vst v63  }
0x2da: {  	_ =	swait.ge [sflag:s14], $0x2800  }
0x2db: {  	[sflag:s14] =	ssyncset.done $0x0  }
0x2dc: {  	[sflag:s14] =	ssyncadd.s32 $0xFFFFD800  }
0x2dd: {  	[tilespmem:s19], [sflag:$0x2] =	stream.indirect.gather [spmem:s1], $0x50, s30, s17, $0xb8;
	[tilespmem:$0x1F000] =	vst v63  }
0x2de: {  	_ =	swait.ge [sflag:s11], $0x2800  }
0x2df: {  	[sflag:s11] =	ssyncset.done $0x0  }
0x2e0: {  	[sflag:s11] =	ssyncadd.s32 $0xFFFFD800  }
0x2e1: {  	[spmem:s3] =	stream.indirect.scatter.add.f32 [tilespmem:s18], [sflag:$0x3], $0x50, s31, s17, $0xb8;
	[tilespmem:$0x1F000] =	vst v63  }
0x2e2: {  	_ =	swait.ge [sflag:s14], $0x2800  }
0x2e3: {  	[sflag:s14] =	ssyncset.done $0x0  }
0x2e4: {  	[sflag:s14] =	ssyncadd.s32 $0xFFFFD800  }
0x2e5: {  	_ =	swait.ge [sflag:s21], $0x2800  }
.Ltmp1:
0x2e6: {  	[sflag:s21] =	ssyncset.done $0x0;
	(pc) =	sbr.rel @p0 .LBB2_4-.Ltmp1, $4  }
0x2e7: {  	[sflag:s21] =	ssyncadd.s32 $0xFFFFD800  }
0x2e8: {  	[spmem:s3] =	stream.indirect.scatter.add.f32 [tilespmem:s19], [sflag:$0x3], $0x50, s0, s17, $0xb8;
	[tilespmem:$0x1F000] =	vst v63  }
0x2e9: {  	_ =	swait.ge [sflag:s14], $0x2800  }
0x2ea: {  	s5 =	smov.u32 s24;
	[sflag:s14] =	ssyncset.done $0x0  }
0x2eb: {  	s5 =	rddreg [dreg:$0x4]  }
0x2ec: {  	[sflag:s14] =	ssyncadd.s32 $0xFFFFD800;
	s5 =	sadd.s32 s22, s5  }
0x2ed: {  	[tilespmem:s4], [sflag:$0x3] =	stream.linear.gather [hbm4b:s5+s4], $0x800, $0x38;
	[tilespmem:$0x1F000] =	vst v63  }
0x2ee: {  	_ =	swait.ge [sflag:s14], $0x800  }
0x2ef: {  	[sflag:s14] =	ssyncset.done $0x0;
	s24 =	rddreg [dreg:$0x5]  }
0x2f0: {  	s10 =	simm.s32 $0x800;
	[sflag:s14] =	ssyncadd.s32 $0xFFFFF800;
	s5 =	sadd.s32 s22, s24  }
0x2f1: {  	[tilespmem:s10], [sflag:$0x3] =	stream.linear.gather [hbm4b:s5+s4], $0x800, $0x38;
	[tilespmem:$0x1F000] =	vst v63  }
0x2f2: {  	_ =	swait.ge [sflag:s14], $0x800  }
0x2f3: {  	[sflag:s14] =	ssyncset.done $0x0  }
0x2f4: {  	[sflag:s14] =	ssyncadd.s32 $0xFFFFF800  }
0x2f5: {  	[tilespmem:s18], [sflag:$0x1] =	stream.indirect.gather [spmem:s1], $0x50, s4, s17, $0xb8;
	[tilespmem:$0x1F000] =	vst v63  }
0x2f6: {  	_ = 	snop  }
0x2f7: {  	[tilespmem:s19], [sflag:$0x2] =	stream.indirect.gather [spmem:s1], $0x50, s17, s17, $0xb8;
	[tilespmem:$0x1F000] =	vst v63  }
0x2f8: {  	_ =	swait.ge [sflag:s11], $0x2800  }
0x2f9: {  	[sflag:s11] =	ssyncset.done $0x0  }
0x2fa: {  	[sflag:s11] =	ssyncadd.s32 $0xFFFFD800  }
0x2fb: {  	[spmem:s3] =	stream.indirect.scatter.add.f32 [tilespmem:s18], [sflag:$0x3], $0x50, s10, s17, $0xb8;
	[tilespmem:$0x1F000] =	vst v63  }
0x2fc: {  	_ =	swait.ge [sflag:s14], $0x2800  }
0x2fd: {  	[sflag:s14] =	ssyncset.done $0x0  }
0x2fe: {  	s10 =	simm.s32 $0x100;
	[sflag:s14] =	ssyncadd.s32 $0xFFFFD800  }
0x2ff: {  	[tilespmem:s18], [sflag:$0x1] =	stream.indirect.gather [spmem:s1], $0x50, s10, s17, $0xb8;
	[tilespmem:$0x1F000] =	vst v63  }
0x300: {  	_ =	swait.ge [sflag:s21], $0x2800  }
0x301: {  	[sflag:s21] =	ssyncset.done $0x0  }
0x302: {  	s22 =	simm.s32 $0x880;
	[sflag:s21] =	ssyncadd.s32 $0xFFFFD800  }
0x303: {  	[spmem:s3] =	stream.indirect.scatter.add.f32 [tilespmem:s19], [sflag:$0x3], $0x50, s22, s17, $0xb8;
	[tilespmem:$0x1F000] =	vst v63  }
0x304: {  	_ =	swait.ge [sflag:s14], $0x2800  }
0x305: {  	[sflag:s14] =	ssyncset.done $0x0  }
0x306: {  	s23 =	simm.s32 $0x180;
	[sflag:s14] =	ssyncadd.s32 $0xFFFFD800  }
0x307: {  	[tilespmem:s19], [sflag:$0x2] =	stream.indirect.gather [spmem:s1], $0x50, s23, s17, $0xb8;
	[tilespmem:$0x1F000] =	vst v63  }
0x308: {  	_ =	swait.ge [sflag:s11], $0x2800  }
0x309: {  	[sflag:s11] =	ssyncset.done $0x0  }
0x30a: {  	s24 =	simm.s32 $0x900;
	[sflag:s11] =	ssyncadd.s32 $0xFFFFD800  }
0x30b: {  	[spmem:s3] =	stream.indirect.scatter.add.f32 [tilespmem:s18], [sflag:$0x3], $0x50, s24, s17, $0xb8;
	[tilespmem:$0x1F000] =	vst v63  }
0x30c: {  	_ =	swait.ge [sflag:s14], $0x2800  }
0x30d: {  	[sflag:s14] =	ssyncset.done $0x0  }
0x30e: {  	s10 =	simm.s32 $0x200;
	[sflag:s14] =	ssyncadd.s32 $0xFFFFD800  }
0x30f: {  	[tilespmem:s18], [sflag:$0x1] =	stream.indirect.gather [spmem:s1], $0x50, s10, s17, $0xb8;
	[tilespmem:$0x1F000] =	vst v63  }
0x310: {  	_ =	swait.ge [sflag:s21], $0x2800  }
0x311: {  	[sflag:s21] =	ssyncset.done $0x0  }
0x312: {  	s22 =	simm.s32 $0x980;
	[sflag:s21] =	ssyncadd.s32 $0xFFFFD800  }
0x313: {  	[spmem:s3] =	stream.indirect.scatter.add.f32 [tilespmem:s19], [sflag:$0x3], $0x50, s22, s17, $0xb8;
	[tilespmem:$0x1F000] =	vst v63  }
0x314: {  	_ =	swait.ge [sflag:s14], $0x2800  }
0x315: {  	[sflag:s14] =	ssyncset.done $0x0  }
0x316: {  	s23 =	simm.s32 $0x280;
	[sflag:s14] =	ssyncadd.s32 $0xFFFFD800  }
0x317: {  	[tilespmem:s19], [sflag:$0x2] =	stream.indirect.gather [spmem:s1], $0x50, s23, s17, $0xb8;
	[tilespmem:$0x1F000] =	vst v63  }
0x318: {  	_ =	swait.ge [sflag:s11], $0x2800  }
0x319: {  	[sflag:s11] =	ssyncset.done $0x0  }
0x31a: {  	s24 =	simm.s32 $0xA00;
	[sflag:s11] =	ssyncadd.s32 $0xFFFFD800  }
0x31b: {  	[spmem:s3] =	stream.indirect.scatter.add.f32 [tilespmem:s18], [sflag:$0x3], $0x50, s24, s17, $0xb8;
	[tilespmem:$0x1F000] =	vst v63  }
0x31c: {  	_ =	swait.ge [sflag:s14], $0x2800  }
0x31d: {  	[sflag:s14] =	ssyncset.done $0x0  }
0x31e: {  	s10 =	simm.s32 $0x300;
	[sflag:s14] =	ssyncadd.s32 $0xFFFFD800  }
0x31f: {  	[tilespmem:s18], [sflag:$0x1] =	stream.indirect.gather [spmem:s1], $0x50, s10, s17, $0xb8;
	[tilespmem:$0x1F000] =	vst v63  }
0x320: {  	_ =	swait.ge [sflag:s21], $0x2800  }
0x321: {  	[sflag:s21] =	ssyncset.done $0x0  }
0x322: {  	s22 =	simm.s32 $0xA80;
	[sflag:s21] =	ssyncadd.s32 $0xFFFFD800  }
0x323: {  	[spmem:s3] =	stream.indirect.scatter.add.f32 [tilespmem:s19], [sflag:$0x3], $0x50, s22, s17, $0xb8;
	[tilespmem:$0x1F000] =	vst v63  }
0x324: {  	_ =	swait.ge [sflag:s14], $0x2800  }
0x325: {  	[sflag:s14] =	ssyncset.done $0x0  }
0x326: {  	s23 =	simm.s32 $0x380;
	[sflag:s14] =	ssyncadd.s32 $0xFFFFD800  }
0x327: {  	[tilespmem:s19], [sflag:$0x2] =	stream.indirect.gather [spmem:s1], $0x50, s23, s17, $0xb8;
	[tilespmem:$0x1F000] =	vst v63  }
0x328: {  	_ =	swait.ge [sflag:s11], $0x2800  }
0x329: {  	[sflag:s11] =	ssyncset.done $0x0  }
0x32a: {  	s24 =	simm.s32 $0xB00;
	[sflag:s11] =	ssyncadd.s32 $0xFFFFD800  }
0x32b: {  	[spmem:s3] =	stream.indirect.scatter.add.f32 [tilespmem:s18], [sflag:$0x3], $0x50, s24, s17, $0xb8;
	[tilespmem:$0x1F000] =	vst v63  }
0x32c: {  	_ =	swait.ge [sflag:s14], $0x2800  }
0x32d: {  	[sflag:s14] =	ssyncset.done $0x0  }
0x32e: {  	[sflag:s14] =	ssyncadd.s32 $0xFFFFD800  }
0x32f: {  	[tilespmem:s18], [sflag:$0x1] =	stream.indirect.gather [spmem:s1], $0x50, s2, s17, $0xb8;
	[tilespmem:$0x1F000] =	vst v63  }
0x330: {  	_ =	swait.ge [sflag:s21], $0x2800  }
0x331: {  	[sflag:s21] =	ssyncset.done $0x0  }
0x332: {  	[sflag:s21] =	ssyncadd.s32 $0xFFFFD800  }
0x333: {  	[spmem:s3] =	stream.indirect.scatter.add.f32 [tilespmem:s19], [sflag:$0x3], $0x50, s9, s17, $0xb8;
	[tilespmem:$0x1F000] =	vst v63  }
0x334: {  	_ =	swait.ge [sflag:s14], $0x2800  }
0x335: {  	[sflag:s14] =	ssyncset.done $0x0  }
0x336: {  	[sflag:s14] =	ssyncadd.s32 $0xFFFFD800  }
0x337: {  	[tilespmem:s19], [sflag:$0x2] =	stream.indirect.gather [spmem:s1], $0x50, s7, s17, $0xb8;
	[tilespmem:$0x1F000] =	vst v63  }
0x338: {  	_ =	swait.ge [sflag:s11], $0x2800  }
0x339: {  	[sflag:s11] =	ssyncset.done $0x0  }
0x33a: {  	[sflag:s11] =	ssyncadd.s32 $0xFFFFD800  }
0x33b: {  	[spmem:s3] =	stream.indirect.scatter.add.f32 [tilespmem:s18], [sflag:$0x3], $0x50, s8, s17, $0xb8;
	[tilespmem:$0x1F000] =	vst v63  }
0x33c: {  	_ =	swait.ge [sflag:s14], $0x2800  }
0x33d: {  	[sflag:s14] =	ssyncset.done $0x0  }
0x33e: {  	[sflag:s14] =	ssyncadd.s32 $0xFFFFD800  }
0x33f: {  	[tilespmem:s18], [sflag:$0x1] =	stream.indirect.gather [spmem:s1], $0x50, s16, s17, $0xb8;
	[tilespmem:$0x1F000] =	vst v63  }
0x340: {  	_ =	swait.ge [sflag:s21], $0x2800  }
0x341: {  	[sflag:s21] =	ssyncset.done $0x0  }
0x342: {  	[sflag:s21] =	ssyncadd.s32 $0xFFFFD800  }
0x343: {  	[spmem:s3] =	stream.indirect.scatter.add.f32 [tilespmem:s19], [sflag:$0x3], $0x50, s12, s17, $0xb8;
	[tilespmem:$0x1F000] =	vst v63  }
0x344: {  	_ =	swait.ge [sflag:s14], $0x2800  }
0x345: {  	[sflag:s14] =	ssyncset.done $0x0  }
0x346: {  	[sflag:s14] =	ssyncadd.s32 $0xFFFFD800  }
0x347: {  	[tilespmem:s19], [sflag:$0x2] =	stream.indirect.gather [spmem:s1], $0x50, s13, s17, $0xb8;
	[tilespmem:$0x1F000] =	vst v63  }
0x348: {  	_ =	swait.ge [sflag:s11], $0x2800  }
0x349: {  	[sflag:s11] =	ssyncset.done $0x0  }
0x34a: {  	[sflag:s11] =	ssyncadd.s32 $0xFFFFD800  }
0x34b: {  	[spmem:s3] =	stream.indirect.scatter.add.f32 [tilespmem:s18], [sflag:$0x3], $0x50, s15, s17, $0xb8;
	[tilespmem:$0x1F000] =	vst v63  }
0x34c: {  	_ =	swait.ge [sflag:s14], $0x2800  }
0x34d: {  	[sflag:s14] =	ssyncset.done $0x0  }
0x34e: {  	[sflag:s14] =	ssyncadd.s32 $0xFFFFD800  }
0x34f: {  	[tilespmem:s18], [sflag:$0x1] =	stream.indirect.gather [spmem:s1], $0x50, s6, s17, $0xb8;
	[tilespmem:$0x1F000] =	vst v63  }
0x350: {  	_ =	swait.ge [sflag:s21], $0x2800  }
0x351: {  	[sflag:s21] =	ssyncset.done $0x0  }
0x352: {  	[sflag:s21] =	ssyncadd.s32 $0xFFFFD800  }
0x353: {  	[spmem:s3] =	stream.indirect.scatter.add.f32 [tilespmem:s19], [sflag:$0x3], $0x50, s20, s17, $0xb8;
	[tilespmem:$0x1F000] =	vst v63  }
0x354: {  	_ =	swait.ge [sflag:s14], $0x2800  }
0x355: {  	[sflag:s14] =	ssyncset.done $0x0  }
0x356: {  	[sflag:s14] =	ssyncadd.s32 $0xFFFFD800  }
0x357: {  	[tilespmem:s19], [sflag:$0x2] =	stream.indirect.gather [spmem:s1], $0x50, s25, s17, $0xb8;
	[tilespmem:$0x1F000] =	vst v63  }
0x358: {  	_ =	swait.ge [sflag:s11], $0x2800  }
0x359: {  	[sflag:s11] =	ssyncset.done $0x0  }
0x35a: {  	[sflag:s11] =	ssyncadd.s32 $0xFFFFD800  }
0x35b: {  	[spmem:s3] =	stream.indirect.scatter.add.f32 [tilespmem:s18], [sflag:$0x3], $0x50, s26, s17, $0xb8;
	[tilespmem:$0x1F000] =	vst v63  }
0x35c: {  	_ =	swait.ge [sflag:s14], $0x2800  }
0x35d: {  	[sflag:s14] =	ssyncset.done $0x0  }
0x35e: {  	[sflag:s14] =	ssyncadd.s32 $0xFFFFD800  }
0x35f: {  	[tilespmem:s18], [sflag:$0x1] =	stream.indirect.gather [spmem:s1], $0x50, s28, s17, $0xb8;
	[tilespmem:$0x1F000] =	vst v63  }
0x360: {  	_ =	swait.ge [sflag:s21], $0x2800  }
0x361: {  	[sflag:s21] =	ssyncset.done $0x0  }
0x362: {  	[sflag:s21] =	ssyncadd.s32 $0xFFFFD800  }
0x363: {  	[spmem:s3] =	stream.indirect.scatter.add.f32 [tilespmem:s19], [sflag:$0x3], $0x50, s29, s17, $0xb8;
	[tilespmem:$0x1F000] =	vst v63  }
0x364: {  	_ =	swait.ge [sflag:s14], $0x2800  }
0x365: {  	[sflag:s14] =	ssyncset.done $0x0  }
0x366: {  	[sflag:s14] =	ssyncadd.s32 $0xFFFFD800  }
0x367: {  	[tilespmem:s19], [sflag:$0x2] =	stream.indirect.gather [spmem:s1], $0x50, s30, s17, $0xb8;
	[tilespmem:$0x1F000] =	vst v63  }
0x368: {  	_ =	swait.ge [sflag:s11], $0x2800  }
0x369: {  	[sflag:s11] =	ssyncset.done $0x0  }
0x36a: {  	[sflag:s11] =	ssyncadd.s32 $0xFFFFD800  }
0x36b: {  	[spmem:s3] =	stream.indirect.scatter.add.f32 [tilespmem:s18], [sflag:$0x3], $0x50, s31, s17, $0xb8;
	[tilespmem:$0x1F000] =	vst v63  }
0x36c: {  	_ =	swait.ge [sflag:s14], $0x2800  }
0x36d: {  	[sflag:s14] =	ssyncset.done $0x0  }
0x36e: {  	[sflag:s14] =	ssyncadd.s32 $0xFFFFD800  }
0x36f: {  	_ =	swait.ge [sflag:s21], $0x2800  }
0x370: {  	[sflag:s21] =	ssyncset.done $0x0  }
0x371: {  	[sflag:s21] =	ssyncadd.s32 $0xFFFFD800  }
0x372: {  	[spmem:s3] =	stream.indirect.scatter.add.f32 [tilespmem:s19], [sflag:$0x3], $0x50, s0, s17, $0xb8;
	[tilespmem:$0x1F000] =	vst v63  }
0x373: {  	_ =	swait.ge [sflag:s14], $0x2800  }
0x374: {  	[sflag:s14] =	ssyncset.done $0x0  }
0x375: {  	[sflag:s14] =	ssyncadd.s32 $0xFFFFD800  }
0x376: {  	[bflag:$0x0] =	sbarrier.arrive $0xFFFF  }
0x377: {  	s22 =	rddreg [dreg:$0x7]  }
0x378: {  	s10 =	rddreg [dreg:$0xa]  }
0x379: {  	s23 =	simm.s32 $0xA;
	s24 =	simm.s32 $0x10;
	s5 =	rddreg [dreg:$0xd]  }
0x37a: {  	[hbm:s5@s24], [sflag:s22] =	dma.strided [spmem:s10@s23], $0x1900, s11, $0xa   }
0x37b: {  	_ =	swait.ge [sflag:s14], $0x1900  }
0x37c: {  	s10 =	rddreg [dreg:$0xe]  }
0x37d: {  	s24 =	rddreg [dreg:$0x8];
	s23 =	sadd.s32 $0x1, s10  }
0x37e: {  	p0 =	sne.s32 s23, s24  }
.Ltmp2:
0x37f: {  	_ = 	snop;
	(pc) =	sbr.rel @p0 .LBB2_1-.Ltmp2, $3  }
0x380: {  	_ =	sdelay $0x1  }
0x381: {  	[sflag:s14] =	ssyncset.done $0x0  }
0x382: {  	[sflag:s14] =	ssyncadd.s32 $0xFFFFE700  }
0x383: {  	_ =	sfence.sel $0x180000  }
0x384: {  	[bflag:$0x0] =	sbarrier.arrive $0xFFFF  }
0x385: {  	_ =	strace $0x9000004A  }
0x386: {  	s0 =	stileid.u32;
	[bflag:$0x2] =	sbarrier.arrive $0xFFFF  }
0x387: {  	p0 =	sne.s32 s0, $0x0;
	s0 =	rddreg [dreg:$0x3]  }
0x388: {  	s0 =	sadd.s32 @!p0 $0x100000, s0  }
0x389: {  	[sflag:s0] =	ssyncadd.tile.s32 @!p0 $0x1;
	_ =	shalt  }
.Lfunc_end2:
_tile_overlayer_lowered:
.L_overlay_start_2:
0x38a: {  	(tag) =	ssettag $0x2  }
0x38b: {  	s0 =	rddreg [dreg:$0x0];
	s2 =	stileid.u32  }
0x38c: {  	s1 =	rddreg [dreg:$0x1];
	p0 =	sne.s32 s2, $0x0  }
0x38d: {  	s3 =	rddreg [dreg:$0x2];
	[bflag:$0x3] =	sbarrier.arrive $0xFFFF;
	s2 =	simm.s32 @!p0 $0x1C03  }
0x38e: {  	[timem:s3], [sflag:s2] =	dma.local @!p0 [hbm:s0], s1  }
0x38f: {  	s0 =	simm.s32 @!p0 $0x3  }
0x390: {  	_ =	swait.ge @!p0 [sflag:s0], s1  }
0x391: {  	s1 =	ssub.s32 @!p0 $0x0, s1;
	[sflag:s0] =	ssyncset.done @!p0 $0x0  }
0x392: {  	[sflag:s0] =	ssyncadd.s32 @!p0 s1  }
0x393: {  	[bflag:$0x3] =	sbarrier.arrive $0xFFFF  }
0x394: {  	_ =	shalt  }

// kernel: kernel.7.cloned.1.call-start
scs
__scs_entry_jumppad:
0x0: {  	(pc) =	sbr.rel $0x88, $3  }
0x1: {  	(tag) =	ssettag $0x0;
	lr =	simm.s32 $0x1  }
0x2: {  	[smem:$0x3F97] =	sst lr;
	_ =	strace $0xD0000000  }
0x3: {  	_ = 	snop  }
0x4: {  	_ = 	snop  }
0x5: {  	_ = 	snop  }
0x6: {  	_ = 	snop  }
0x7: {  	_ = 	snop  }
__scs_overlays_trampoline_lowered:
0x8: {  	[smem:$0x3FA6] =	sst s0  }
0x9: {  	[smem:$0x3FA7] =	sst s1  }
0xa: {  	[smem:$0x3FA8] =	sst s2  }
0xb: {  	[smem:$0x3FA9] =	sst s3  }
0xc: {  	[smem:$0x3FAA] =	sst s4  }
0xd: {  	[smem:$0x3FAB] =	sst s5  }
0xe: {  	[smem:$0x3FAC] =	sst s6  }
0xf: {  	[smem:$0x3FAD] =	sst s7  }
0x10: {  	[smem:$0x3FAE] =	sst s8  }
0x11: {  	[smem:$0x3FAF] =	sst s9;
	s0 =	simm.s32 @!p0 $0x0  }
0x12: {  	s1 =	sld [smem:$0x3F95];
	s0 =	simm.s32 @p0 $0x1  }
0x13: {  	[smem:$0x3FB0] =	sst s0;
	s0 =	simm.s32 @!p1 $0x0  }
0x14: {  	s2 =	sld [smem:$0x3F94];
	s0 =	simm.s32 @p1 $0x1  }
0x15: {  	[smem:$0x3FB1] =	sst s0;
	s0 =	simm.s32 @!p2 $0x0  }
0x16: {  	s3 =	sld [smem:$0x3FDB];
	s0 =	simm.s32 @p2 $0x1  }
0x17: {  	s4 =	simm.s32 $0x1BF5;
	[smem:$0x3FB3] =	sst s0  }
0x18: {  	s0 =	sld [smem:$0x3F96];
	_ =	swait.ge [sflag:s4], $0x0  }
0x19: {  	s7 =	sld [smem:$0x3F97]  }
0x1a: {  	s8 =	sadd.s32 $0xFFFFE003, lr  }
0x1b: {  	s9 =	sadd.s32 $0xFFFFFEF7, lr;
	s5 =	simm.s32 $0xFFFFFFFF;
	p2 =	slt.u32 s8, $0xFFFFF086  }
0x1c: {  	p1 =	slt.u32 s9, $0xF7A;
	s5 =	simm.s32 @!p2 $0x0  }
0x1d: {  	s5 =	simm.s32 @p1 $0x1;
	p0 =	seq.s32 s7, s2  }
0x1e: {  	s7 =	smul.u32 @!p0 $0xF7A, s2;
	p2 =	seq.s32 @!p0 s5, $0x0  }
0x1f: {  	s9 =	smul.u32 $0xF7A, s1;
	s8 =	simm.s32 @!p0 $0x1BF5;
	p2 =	por !p2, p0  }
0x20: {  	[sflag:s8] =	ssyncset.s32 @!p0 $0xFFFFF086;
	s6 =	sadd.s32 @!p0 s3, s7;
	s7 =	simm.s32 @!p0 $0x108  }
0x21: {  	s3 =	sadd.s32 s3, s9;
	s6 =	sadd.s32 @!p0 $0x88, s6;
	s7 =	simm.s32 @p2 $0x1082  }
0x22: {  	[simem:s7], [sflag:s8] =	dma.local @!p0 [hbm:s6], $0xF7A  }
0x23: {  	s9 =	sor.u32 $0xD0000000, s2;
	s6 =	simm.s32 $0x108;
	_ =	swait.ge @!p0 [sflag:s8], $0x0  }
0x24: {  	s3 =	sadd.s32 $0x88, s3;
	s6 =	simm.s32 @!p1 $0x1082;
	[sflag:s4] =	ssyncset.s32 $0xFFFFF086  }
0x25: {  	[simem:s6], [sflag:s4] =	dma.local [hbm:s3], $0xF7A  }
0x26: {  	[smem:$0x3F97] =	sst s1;
	(tag) =	ssettag s2;
	_ =	strace s9  }
0x27: {  	s1 =	sld [smem:$0x3FA7]  }
0x28: {  	s2 =	sld [smem:$0x3FA8]  }
0x29: {  	s4 =	sld [smem:$0x3FAA]  }
0x2a: {  	p0 =	seq.s32 s5, $0x0;
	s5 =	sld [smem:$0x3FAB]  }
0x2b: {  	s6 =	sld [smem:$0x3FAC]  }
0x2c: {  	s7 =	sld [smem:$0x3FAD]  }
0x2d: {  	s3 =	simm.s32 $0x108;
	s8 =	sld [smem:$0x3FAE]  }
0x2e: {  	s3 =	simm.s32 @!p0 $0x1082;
	s9 =	sld [smem:$0x3FAF]  }
0x2f: {  	lr =	sadd.s32 s0, s3;
	s0 =	sld [smem:$0x3FA6]  }
0x30: {  	s3 =	sld [smem:$0x3FA9]  }
0x31: {  	[smem:$0x3FB2] =	sst s10  }
0x32: {  	s10 =	sld [smem:$0x3FB0];
	_ =	sdelay $0x3  }
0x33: {  	p0 =	seq.s32 s10, $0x1;
	s10 =	sld [smem:$0x3FB2];
	_ =	sdelay $0x3  }
0x34: {  	[smem:$0x3FB2] =	sst s10  }
0x35: {  	s10 =	sld [smem:$0x3FB1];
	_ =	sdelay $0x3  }
0x36: {  	p1 =	seq.s32 s10, $0x1;
	s10 =	sld [smem:$0x3FB2];
	_ =	sdelay $0x3  }
0x37: {  	[smem:$0x3FB2] =	sst s10  }
0x38: {  	s10 =	sld [smem:$0x3FB3]  }
0x39: {  	_ = 	snop;
	(pc) =	sbr.ind lr, $3  }
0x3a: {  	_ = 	snop  }
0x3b: {  	_ = 	snop  }
0x3c: {  	p2 =	seq.s32 s10, $0x1;
	s10 =	sld [smem:$0x3FB2]  }
0x3d: {  	_ =	shalt  }
0x3e: {  	_ =	shalt  }
0x3f: {  	_ =	shalt  }
0x40: {  	_ =	shalt  }
0x41: {  	_ =	shalt  }
0x42: {  	_ =	shalt  }
0x43: {  	_ =	shalt  }
0x44: {  	_ =	shalt  }
0x45: {  	_ =	shalt  }
0x46: {  	_ =	shalt  }
0x47: {  	_ =	shalt  }
0x48: {  	_ =	shalt  }
0x49: {  	_ =	shalt  }
0x4a: {  	_ =	shalt  }
0x4b: {  	_ =	shalt  }
0x4c: {  	_ =	shalt  }
0x4d: {  	_ =	shalt  }
0x4e: {  	_ =	shalt  }
0x4f: {  	_ =	shalt  }
0x50: {  	_ =	shalt  }
0x51: {  	_ =	shalt  }
0x52: {  	_ =	shalt  }
0x53: {  	_ =	shalt  }
0x54: {  	_ =	shalt  }
0x55: {  	_ =	shalt  }
0x56: {  	_ =	shalt  }
0x57: {  	_ =	shalt  }
0x58: {  	_ =	shalt  }
0x59: {  	_ =	shalt  }
0x5a: {  	_ =	shalt  }
0x5b: {  	_ =	shalt  }
0x5c: {  	_ =	shalt  }
0x5d: {  	_ =	shalt  }
0x5e: {  	_ =	shalt  }
0x5f: {  	_ =	shalt  }
0x60: {  	_ =	shalt  }
0x61: {  	_ =	shalt  }
0x62: {  	_ =	shalt  }
0x63: {  	_ =	shalt  }
0x64: {  	_ =	shalt  }
0x65: {  	_ =	shalt  }
0x66: {  	_ =	shalt  }
0x67: {  	_ =	shalt  }
0x68: {  	_ =	shalt  }
0x69: {  	_ =	shalt  }
0x6a: {  	_ =	shalt  }
0x6b: {  	_ =	shalt  }
0x6c: {  	_ =	shalt  }
0x6d: {  	_ =	shalt  }
0x6e: {  	_ =	shalt  }
0x6f: {  	_ =	shalt  }
0x70: {  	_ =	shalt  }
0x71: {  	_ =	shalt  }
0x72: {  	_ =	shalt  }
0x73: {  	_ =	shalt  }
0x74: {  	_ =	shalt  }
0x75: {  	_ =	shalt  }
0x76: {  	_ =	shalt  }
0x77: {  	_ =	shalt  }
0x78: {  	_ =	shalt  }
0x79: {  	_ =	shalt  }
0x7a: {  	_ =	shalt  }
0x7b: {  	_ =	shalt  }
0x7c: {  	_ =	shalt  }
0x7d: {  	_ =	shalt  }
0x7e: {  	_ =	shalt  }
0x7f: {  	_ =	shalt  }
0x80: {  	_ =	shalt  }
0x81: {  	_ =	shalt  }
0x82: {  	_ =	shalt  }
0x83: {  	_ =	shalt  }
0x84: {  	_ =	shalt  }
0x85: {  	_ =	shalt  }
0x86: {  	_ =	shalt  }
0x87: {  	_ =	shalt  }
.Lfunc_end0:
.L_simem_size_0:
called_computation_lowered:
.L_overlay_start_0:
0x88: {  	s2 =	sld [smem:$0x3FD9]  }
0x89: {  	s3 =	sld [smem:$0x3FFE];
	_ =	sdelay $0x1  }
0x8a: {  	s1 =	srdreg.scid  }
0x8b: {  	s0 =	sand.u32 $0x1, s1  }
0x8c: {  	s17 =	sshll.u32 s0, $0xA;
	s2 =	sadd.s32 s3, s2  }
0x8d: {  	s2 =	sadd.s32 s2, s17  }
0x8e: {  	[smem:$0x3FBE] =	sst s2  }
0x8f: {  	_ = 	snop  }
0x90: {  	s2 =	sld [smem:$0x3FD0];
	(tm) =	ssettm $0x1  }
0x91: {  	s18 =	sld [smem:$0x3FFB];
	_ =	sdelay $0x3  }
0x92: {  	_ =	strace s18  }
0x93: {  	s3 =	sld [smem:$0x3FFC];
	_ =	sdelay $0x3  }
0x94: {  	_ =	strace s3  }
0x95: {  	s3 =	sld [smem:$0x3FFD];
	_ =	sdelay $0x3  }
0x96: {  	_ =	strace s3  }
0x97: {  	_ =	strace $0x8FFFFFFF  }
0x98: {  	s19 =	sld [smem:$0x3FDB];
	_ =	sdelay $0x1  }
0x99: {  	s4 =	simm.s32 $_scs_section_size  }
0x9a: {  	s5 =	simm.s32 $_size__tile_overlayer_lowered;
	s6 =	simm.s32 $_tile_overlayer_lowered  }
0x9b: {  	s22 =	simm.s32 $0x1BFF;
	s21 =	sshll.u32 s6, $0x1;
	s3 =	sadd.s32 s4, s19  }
0x9c: {  	s7 =	simm.s32 $0x0;
	s20 =	sshll.u32 s5, $0x1;
	s5 =	sadd.s32 s21, s3  }
0x9d: {  	[timem:s7], [sflag:s22] =	dma.local [hbm:s5], s20  }
0x9e: {  	_ =	swait.ge [sflag:s22], s20  }
0x9f: {  	s4 =	ssub.s32 $0x0, s20;
	[sflag:s22] =	ssyncset.done $0x0  }
0xa0: {  	[sflag:s22] =	ssyncadd.s32 s4;
	_ =	sdelay $0x1  }
0xa1: {  	s23 =	simm.s32 $0x1B8B  }
0xa2: {  	_ =	swait.ge [sflag:s23], $0x1  }
0xa3: {  	[sflag:s23] =	ssyncset.done $0x0  }
0xa4: {  	s25 =	simm.s32 $0x1B8E;
	s24 =	sld [smem:$0x3FFE];
	[sflag:s23] =	ssyncadd.s32 $0xFFFFFFFF  }
0xa5: {  	s26 =	simm.s32 $execute0_lowered;
	[smem:$0x3FD2] =	sst s25  }
0xa6: {  	s5 =	sshll.u32 s26, $0x1;
	_ =	strace $0x80000046;
	[dreg:$0x1] =	wrdreg $0xFFFFFFFF  }
0xa7: {  	s28 =	simm.s32 $_size_execute0_lowered;
	s3 =	sadd.s32 s3, s5;
	[dreg:$0x0] =	wrdreg $0x0  }
0xa8: {  	s5 =	sshll.u32 s28, $0x1;
	[dreg:$0x2] =	wrdreg s3  }
0xa9: {  	[dreg:$0x3] =	wrdreg s5  }
0xaa: {  	[dreg:$0x4] =	wrdreg $0xC0  }
0xab: {  	_ =	task [dreg:s7], $0x5FFFF  }
0xac: {  	[dreg:$0x1] =	wrdreg $0xFFFFFFFF  }
0xad: {  	[dreg:$0x0] =	wrdreg $0x60  }
0xae: {  	[dreg:$0x2] =	wrdreg s2  }
0xaf: {  	[dreg:$0x3] =	wrdreg s24  }
0xb0: {  	[dreg:$0x4] =	wrdreg $0x77800  }
0xb1: {  	[dreg:$0x5] =	wrdreg $0x9  }
0xb2: {  	_ =	task.clear_ibuf [dreg:s7], $0x6FFFF;
	_ =	strace $0x90000046  }
0xb3: {  	s29 =	simm.s32 $0x9;
	_ =	strace $0x80000048  }
0xb4: {  	_ =	swait.ge [sflag:s29], $0x1  }
0xb5: {  	[sflag:s29] =	ssyncadd.s32 $0xFFFFFFFF  }
0xb6: {  	_ =	strace $0x90000048  }
0xb7: {  	_ =	sfence  }
0xb8: {  	s30 =	sld [smem:$0x0];
	_ =	sdelay $0x2  }
0xb9: {  	s31 =	sshll.u32 s1, $0xD;
	s1 =	sshrl.u32 s1, $0x2  }
0xba: {  	s3 =	sand.u32 $0x4000, s31;
	s1 =	sadd.s32 s1, s30  }
0xbb: {  	s0 =	sor.u32 s3, s0;
	s1 =	sshll.u32 s1, $0x11  }
0xbc: {  	s0 =	sor.u32 s1, s0  }
0xbd: {  	s0 =	sadd.s32 $0x8F2B, s0  }
0xbe: {  	[sflag:s0] =	ssyncadd.remote.s32 $0x1  }
0xbf: {  	_ =	sfence.sel $0xFFFF  }
0xc0: {  	[dreg:$0x0] =	wrdreg $0xFFFFFFFF;
	(pc) =	sbr.abs _section_cstart, $3  }
0xc1: {  	[dreg:$0x1] =	wrdreg $0xFFFFFFFF  }
0xc2: {  	_ =	task.clear_ibuf [dreg:s7], $0x2FFFF;
	_ =	strace $0x9FFFFFFF  }
0xc3: {  	(tm) =	ssettm $0x7FFFFFFF  }
tec
execute0_lowered:
.L_overlay_start_1:
0x0: {  	(tag) =	ssettag $0x1  }
0x1: {  	s3 =	rddreg [dreg:$0x0]  }
0x2: {  	s4 =	rddreg [dreg:$0x1]  }
0x3: {  	s5 =	rddreg [dreg:$0x2]  }
0x4: {  	s0 =	rddreg [dreg:$0x3]  }
0x5: {  	s2 =	simm.s32 $0x0;
	s6 =	srdreg.scid;
	s1 =	stileid.u32  }
0x6: {  	s11 =	simm.s32 $0x1400;
	s12 =	simm.s32 $0x14000;
	s13 =	simm.s32 $0x4F80  }
0x7: {  	s16 =	simm.s32 $0x0;
	[smem:$0x7FF] =	sst s2;
	s6 =	sand.u32 $0x1, s6  }
0x8: {  	s7 =	sshll.u32 s1, $0x1;
	s9 =	sshrl.u32 s1, $0x3;
	s30 =	smul.u32 $0x5000, s1  }
0x9: {  	s31 =	sshll.u32 s1, $0x7;
	s15 =	smul.u32 $0xA0, s1;
	s8 =	sshll.u32 s6, $0x4  }
0xa: {  	s7 =	sor.u32 s6, s7;
	s6 =	ssub.s32 $0x2, s6;
	s9 =	smul.u32 $0x50000, s9  }
0xb: {  	_ =	strace $0x80000047;
	s7 =	smul.u32 $0x4E2, s7;
	s29 =	sshrl.u32 s6, $0x1  }
0xc: {  	s8 =	sadd.s32 s8, s4;
	s10 =	sshrl.u32 s30, $0x2;
	s6 =	ssub.s32 s6, s29  }
0xd: {  	s9 =	sshrl.u32 s9, $0x2;
	s14 =	sadd.s32 $0x2E00, s8;
	s8 =	simm.s32 $0x2780  }
0xe: {  	s3 =	sadd.s32 s7, s3;
	s7 =	sand.u32 $0x380, s31;
	s9 =	sadd.s32 s9, s5  }
0xf: {  	s5 =	sadd.s32 s10, s5;
	s6 =	smax.u32 s6, $0x1;
	s10 =	simm.s32 $0x400  }
0x10: {  	s14 =	sadd.s32 s15, s14;
	s15 =	simm.s32 $0x100;
	s3 =	sadd.s32 $0x9C40, s3  }
0x11: {  	v0 =	vimm.f32 $0.0e+00;
	v1 =	vimm.f32 $1.000000000e+00;
	s4 =	sadd.s32 s7, s9;
	s7 =	simm.s32 $0x1;
	s9 =	simm.s32 $0x80  }
.LBB2_1:
0x12: {  	[tilespmem:s2], [sflag:$0x1] =	stream.linear.gather [hbm4b:s3+s2], $0x2710, $0x38;
	[tilespmem:$0x9F80] =	vst v63  }
0x13: {  	_ =	swait.ge [sflag:s7], $0x2710  }
0x14: {  	[sflag:s7] =	ssyncset.done $0x0  }
0x15: {  	s17 =	simm.s32 $0x0;
	[sflag:s7] =	ssyncadd.s32 $0xFFFFD8F0  }
.LBB2_2:
0x16: {  	p0 =	sne.s32 s17, $0x9FC0  }
.Ltmp0:
0x17: {  	_ = 	snop;
	(pc) =	sbr.rel @p0 .LBB2_2-.Ltmp0, $3  }
0x18: {  	_ =	sdelay $0x1  }
0x19: {  	s18 =	sshra.s32 s17, $0x2  }
0x1a: {  	s17 =	sadd.s32 $0x40, s17;
	[tilespmem:s18+$0x2780] =	vst v0  }
0x1b: {  	s18 =	simm.s32 $0x0;
	s17 =	simm.s32 $0x40  }
.LBB2_4:
0x1c: {  	p0 =	sne.s32 s17, $0x9C00;
	v2 =	vld [tilespmem:s18+$0x0];
	_ =	sdelay $0x3  }
.Ltmp1:
0x1d: {  	(pc) =	sbr.rel @p0 .LBB2_4-.Ltmp1, $2  }
0x1e: {  	_ =	sdelay $0x2  }
0x1f: {  	s18 =	sshra.s32 s17, $0x2;
	s17 =	sadd.s32 $0x40, s17;
	[tilespmem:v2+s8+$0x0] =	vst.idx.add.f32.msk $0xffff, v1  }
0x20: {  	v2 =	vld [tilespmem:s18+$0x0];
	_ =	sdelay $0x7  }
0x21: {  	s17 =	simm.s32 $0x2780;
	[tilespmem:v2+s8+$0x0] =	vst.idx.add.f32.msk $0xffff, v1  }
0x22: {  	[spmem:s4] =	stream.strided.scatter [tilespmem:s17], [sflag:$0x1], $0x2800, s10, s9, $0x38;
	[tilespmem:$0x9F80] =	vst v63  }
0x23: {  	_ =	swait.ge [sflag:s7], $0x2800  }
0x24: {  	[sflag:s7] =	ssyncset.done $0x0  }
0x25: {  	[sflag:s7] =	ssyncadd.s32 $0xFFFFD800  }
0x26: {  	[bflag:$0x0] =	sbarrier.arrive $0xFFFF  }
0x27: {  	[tilespmem:s13], [sflag:$0x1] =	stream.strided.gather [spmem:s5], $0x2800, s12, s11, $0x38;
	[tilespmem:$0x9F80] =	vst v63  }
0x28: {  	s30 =	simm.s32 $0x0;
	_ =	swait.ge [sflag:s7], $0x2800  }
0x29: {  	s19 =	sand.u32 $0x70, s30;
	s18 =	sand.u32 $0x1C00, s30;
	[sflag:s7] =	ssyncset.done $0x0  }
0x2a: {  	s18 =	sor.u32 s19, s18;
	[sflag:s7] =	ssyncadd.s32 $0xFFFFD800  }
0x2b: {  	v2 =	vld [tilespmem:s18+$0x5000]  }
0x2c: {  	v3 =	vld [tilespmem:s18+$0x4F80];
	_ =	sdelay $0x1  }
0x2d: {  	v4 =	vld [tilespmem:s18+$0x5080];
	_ =	sdelay $0x1  }
0x2e: {  	v5 =	vld [tilespmem:s18+$0x5100]  }
0x2f: {  	v2 =	vadd.f32 v2, v3  }
0x30: {  	v3 =	vld [tilespmem:s18+$0x5180]  }
0x31: {  	v2 =	vadd.f32 v4, v2  }
0x32: {  	v56 =	vld [tilespmem:s18+$0x5200]  }
0x33: {  	v2 =	vadd.f32 v5, v2  }
0x34: {  	v57 =	vld [tilespmem:s18+$0x5280]  }
0x35: {  	v2 =	vadd.f32 v3, v2  }
0x36: {  	v3 =	vld [tilespmem:s18+$0x5300]  }
0x37: {  	v2 =	vadd.f32 v56, v2  }
0x38: {  	v58 =	vld [tilespmem:s18+$0x6380]  }
0x39: {  	v2 =	vadd.f32 v57, v2  }
0x3a: {  	v59 =	vld [tilespmem:s18+$0x6400]  }
0x3b: {  	v2 =	vadd.f32 v3, v2  }
0x3c: {  	v3 =	vld [tilespmem:s18+$0x6480]  }
0x3d: {  	v2 =	vadd.f32 v58, v2  }
0x3e: {  	v60 =	vld [tilespmem:s18+$0x6500]  }
0x3f: {  	v2 =	vadd.f32 v59, v2  }
0x40: {  	v61 =	vld [tilespmem:s18+$0x6580]  }
0x41: {  	v2 =	vadd.f32 v3, v2  }
0x42: {  	v3 =	vld [tilespmem:s18+$0x6600]  }
0x43: {  	v2 =	vadd.f32 v60, v2  }
0x44: {  	v62 =	vld [tilespmem:s18+$0x6680]  }
0x45: {  	v2 =	vadd.f32 v61, v2  }
0x46: {  	v63 =	vld [tilespmem:s18+$0x6700]  }
0x47: {  	v2 =	vadd.f32 v3, v2;
	_ =	sdelay $0x1  }
0x48: {  	v2 =	vadd.f32 v62, v2;
	_ =	sdelay $0x1  }
0x49: {  	s31 =	simm.s32 $0x10;
	s19 =	simm.s32 $0x80;
	v2 =	vadd.f32 v63, v2  }
0x4a: {  	s20 =	sand.u32 $0x1C00, s19;
	s18 =	sand.u32 $0x70, s31  }
0x4b: {  	s18 =	sor.u32 s18, s20;
	s20 =	simm.s32 $0x20;
	[tilespmem:s17+$0x0] =	vst v2  }
.LBB2_6:
0x4c: {  	p0 =	sne.s32 s20, $0x270;
	v2 =	vld [tilespmem:s18+$0x5000]  }
0x4d: {  	v3 =	vld [tilespmem:s18+$0x4F80];
	_ =	sdelay $0x1  }
0x4e: {  	v4 =	vld [tilespmem:s18+$0x5080];
	_ =	sdelay $0x1  }
0x4f: {  	v5 =	vld [tilespmem:s18+$0x5100]  }
0x50: {  	v2 =	vadd.f32 v2, v3  }
0x51: {  	v3 =	vld [tilespmem:s18+$0x5180]  }
0x52: {  	v2 =	vadd.f32 v4, v2  }
0x53: {  	v4 =	vld [tilespmem:s18+$0x5200]  }
0x54: {  	v2 =	vadd.f32 v5, v2  }
0x55: {  	v5 =	vld [tilespmem:s18+$0x5280]  }
0x56: {  	v2 =	vadd.f32 v3, v2  }
0x57: {  	v3 =	vld [tilespmem:s18+$0x5300]  }
0x58: {  	v2 =	vadd.f32 v4, v2  }
0x59: {  	v4 =	vld [tilespmem:s18+$0x6380]  }
0x5a: {  	v2 =	vadd.f32 v5, v2  }
0x5b: {  	v5 =	vld [tilespmem:s18+$0x6400]  }
0x5c: {  	v2 =	vadd.f32 v3, v2  }
0x5d: {  	v3 =	vld [tilespmem:s18+$0x6480]  }
0x5e: {  	v2 =	vadd.f32 v4, v2  }
0x5f: {  	v4 =	vld [tilespmem:s18+$0x6500]  }
0x60: {  	v2 =	vadd.f32 v5, v2  }
0x61: {  	v5 =	vld [tilespmem:s18+$0x6580]  }
0x62: {  	v2 =	vadd.f32 v3, v2  }
0x63: {  	v3 =	vld [tilespmem:s18+$0x6600]  }
0x64: {  	v2 =	vadd.f32 v4, v2  }
0x65: {  	v4 =	vld [tilespmem:s18+$0x6680]  }
0x66: {  	v2 =	vadd.f32 v5, v2  }
0x67: {  	v5 =	vld [tilespmem:s18+$0x6700]  }
0x68: {  	v2 =	vadd.f32 v3, v2;
	_ =	sdelay $0x1  }
.Ltmp2:
0x69: {  	v2 =	vadd.f32 v4, v2;
	(pc) =	sbr.rel @p0 .LBB2_6-.Ltmp2, $4  }
0x6a: {  	_ = 	snop  }
0x6b: {  	s19 =	sadd.s32 $0x80, s19;
	v2 =	vadd.f32 v5, v2  }
0x6c: {  	s17 =	sadd.s32 $0x10, s17;
	s21 =	sand.u32 $0x1C00, s19;
	s18 =	sand.u32 $0x70, s20  }
0x6d: {  	s20 =	sadd.s32 $0x10, s20;
	s18 =	sor.u32 s18, s21;
	[tilespmem:s17+$0x0] =	vst v2  }
0x6e: {  	v2 =	vld [tilespmem:s18+$0x5000]  }
0x6f: {  	v3 =	vld [tilespmem:s18+$0x4F80];
	_ =	sdelay $0x1  }
0x70: {  	v4 =	vld [tilespmem:s18+$0x5080];
	_ =	sdelay $0x1  }
0x71: {  	v5 =	vld [tilespmem:s18+$0x5100]  }
0x72: {  	v2 =	vadd.f32 v2, v3  }
0x73: {  	v3 =	vld [tilespmem:s18+$0x5180]  }
0x74: {  	v2 =	vadd.f32 v4, v2  }
0x75: {  	v56 =	vld [tilespmem:s18+$0x5200]  }
0x76: {  	v2 =	vadd.f32 v5, v2  }
0x77: {  	v57 =	vld [tilespmem:s18+$0x5280]  }
0x78: {  	v2 =	vadd.f32 v3, v2  }
0x79: {  	v3 =	vld [tilespmem:s18+$0x5300]  }
0x7a: {  	v2 =	vadd.f32 v56, v2  }
0x7b: {  	v58 =	vld [tilespmem:s18+$0x6380]  }
0x7c: {  	v2 =	vadd.f32 v57, v2  }
0x7d: {  	v59 =	vld [tilespmem:s18+$0x6400]  }
0x7e: {  	v2 =	vadd.f32 v3, v2  }
0x7f: {  	v3 =	vld [tilespmem:s18+$0x6480]  }
0x80: {  	v2 =	vadd.f32 v58, v2  }
0x81: {  	v60 =	vld [tilespmem:s18+$0x6500]  }
0x82: {  	v2 =	vadd.f32 v59, v2  }
0x83: {  	v61 =	vld [tilespmem:s18+$0x6580]  }
0x84: {  	v2 =	vadd.f32 v3, v2  }
0x85: {  	v3 =	vld [tilespmem:s18+$0x6600]  }
0x86: {  	v2 =	vadd.f32 v60, v2  }
0x87: {  	v62 =	vld [tilespmem:s18+$0x6680]  }
0x88: {  	v2 =	vadd.f32 v61, v2  }
0x89: {  	v63 =	vld [tilespmem:s18+$0x6700]  }
0x8a: {  	v2 =	vadd.f32 v3, v2;
	_ =	sdelay $0x1  }
0x8b: {  	v2 =	vadd.f32 v62, v2;
	_ =	sdelay $0x1  }
0x8c: {  	s16 =	sadd.s32 $0x1, s16;
	v2 =	vadd.f32 v63, v2  }
0x8d: {  	s17 =	sadd.s32 $0x10, s17;
	p0 =	sne.s32 s16, s6  }
.Ltmp3:
0x8e: {  	[tilespmem:s17+$0x0] =	vst v2;
	(pc) =	sbr.rel @p0 .LBB2_1-.Ltmp3, $4  }
0x8f: {  	[hbm4b:s14+s9] =	stream.strided.scatter [tilespmem:s8], [sflag:$0x1], $0x280, s15, s9, $0x38;
	[tilespmem:$0x9F80] =	vst v63  }
0x90: {  	_ =	swait.ge [sflag:s7], $0x280  }
0x91: {  	[sflag:s7] =	ssyncset.done $0x0  }
0x92: {  	[sflag:s7] =	ssyncadd.s32 $0xFFFFFD80  }
0x93: {  	_ =	sfence.sel $0x180000  }
0x94: {  	[bflag:$0x0] =	sbarrier.arrive $0xFFFF  }
0x95: {  	p0 =	sne.s32 s1, $0x0;
	_ =	strace $0x90000047  }
0x96: {  	s0 =	sadd.s32 @!p0 $0x100000, s0;
	[bflag:$0x2] =	sbarrier.arrive $0xFFFF  }
0x97: {  	[sflag:s0] =	ssyncadd.tile.s32 @!p0 $0x1;
	_ =	shalt  }
.Lfunc_end2:
_tile_overlayer_lowered:
.L_overlay_start_2:
0x98: {  	(tag) =	ssettag $0x2  }
0x99: {  	s0 =	rddreg [dreg:$0x0];
	s2 =	stileid.u32  }
0x9a: {  	s1 =	rddreg [dreg:$0x1];
	p0 =	sne.s32 s2, $0x0  }
0x9b: {  	s3 =	rddreg [dreg:$0x2];
	[bflag:$0x3] =	sbarrier.arrive $0xFFFF;
	s2 =	simm.s32 @!p0 $0x1C01  }
0x9c: {  	[timem:s3], [sflag:s2] =	dma.local @!p0 [hbm:s0], s1  }
0x9d: {  	s0 =	simm.s32 @!p0 $0x1  }
0x9e: {  	_ =	swait.ge @!p0 [sflag:s0], s1  }
0x9f: {  	s1 =	ssub.s32 @!p0 $0x0, s1;
	[sflag:s0] =	ssyncset.done @!p0 $0x0  }
0xa0: {  	[sflag:s0] =	ssyncadd.s32 @!p0 s1  }
0xa1: {  	[bflag:$0x3] =	sbarrier.arrive $0xFFFF  }
0xa2: {  	_ =	shalt  }

</sc_bundles>
